<compile_context>
chip_gen: v7x
topology: tpu7x:2x2x1
jax: 0.10.2.dev20260603
libtpu: 0.0.44.dev20260713+nightly
codegen_flags: <defaults>
</compile_context>

<pallas_src>
import functools

import jax
import jax.numpy as jnp
from jax import lax
from jax.experimental import pallas as pl
from jax.experimental.pallas import tpu as pltpu
from jax.experimental.pallas import tpu_sc as plsc

D = 256
T = 512
TROWS = 513
Q_ROWS = 1024
NC = 2
NS = 16
NPH = 4
CHUNK = Q_ROWS // NS
ROWS_PER_TILE_PER_PH = 4
BLK = 72
LANES = 16

_mesh = plsc.VectorSubcoreMesh(core_axis_name="c", subcore_axis_name="s")


@functools.partial(
    pl.kernel,
    out_type=jax.ShapeDtypeStruct((T, T, D), jnp.float32),
    mesh=_mesh,
    scratch_types=[
        pltpu.VMEM_SHARED((NPH, Q_ROWS, D), jnp.float32),
        pltpu.VMEM((BLK, D), jnp.float32),
        pltpu.VMEM((LANES,), jnp.int32),
        pltpu.VMEM((LANES, D), jnp.float32),
        pltpu.VMEM((CHUNK, D), jnp.float32),
        pltpu.VMEM((CHUNK, D), jnp.float32),
        pltpu.SemaphoreType.DMA,
        pltpu.SemaphoreType.DMA,
        pltpu.SemaphoreType.DMA,
        pltpu.SemaphoreType.DMA,
    ],
)
def _rpe_sc(table_hbm, out_hbm, q_sh, blk_v, idx_l, last_v, ra, rb,
            lsem, pa, pb, sem):
    c = lax.axis_index("c")
    s = lax.axis_index("s")
    rows = [ra, rb]
    psems = [pa, pb]

    base = pl.multiple_of(jnp.clip(CHUNK * s - 256, 0, 440), 8)
    lane = lax.iota(jnp.int32, LANES)
    idx_l[pl.ds(0, LANES)] = lane * 0 + (TROWS - 1)
    ld_b = pltpu.async_copy(table_hbm.at[pl.ds(base, BLK), :], blk_v, lsem)
    ld_b.wait()
    ld_l = pltpu.async_copy(table_hbm.at[idx_l], last_v, lsem)
    ld_l.wait()

    last_regs = [last_v[0, pl.ds(LANES * u, LANES)] for u in range(D // LANES)]

    def build(t, b):
        phi = NPH * c + t
        u0 = CHUNK * s + phi - 256

        def body(r, carry):
            v = u0 + r
            vloc = jnp.clip(v, 0, TROWS - 1) - base
            use_last = vloc >= BLK
            vl = jnp.minimum(vloc, BLK - 1)
            for u in range(D // LANES):
                x = blk_v[vl, pl.ds(LANES * u, LANES)]
                rows[b][r, pl.ds(LANES * u, LANES)] = jnp.where(
                    use_last, last_regs[u], x)
            return carry

        lax.fori_loop(0, CHUNK, body, 0)

    def publish(t, b):
        return pltpu.async_copy(
            rows[b], q_sh.at[t, pl.ds(CHUNK * s, CHUNK), :], psems[b])

    outs = []

    def fire(t):
        phi = NPH * c + t
        rem = (8 - phi) % 8
        off = jnp.where(phi > 0, 1, 0)
        for kk in range(ROWS_PER_TILE_PER_PH):
            k = ROWS_PER_TILE_PER_PH * s + kk
            i = 8 * k + rem
            a = 64 - k - off
            outs.append(pltpu.async_copy(
                q_sh.at[t, pl.ds(8 * a, T), :],
                out_hbm.at[i],
                sem))

    for t in range(NPH):
        b = t % 2
        build(t, b)
        pub = publish(t, b)
        pub.wait()
        plsc.subcore_barrier()
        fire(t)
    for cp in outs:
        cp.wait()


def kernel(length, table):
    del length
    return _rpe_sc(table)

# --- scband reference (transcript-rebuilt; emitter-appended) ---
"""Pipeline reference for scband-relative-positional-encoding-69758858822509 (READ-ONLY COPY).

The authoritative reference and input builder live on the scoring server;
editing this copy changes nothing except your own understanding.
"""

import jax, jax.numpy as jnp
import numpy as np

D_MODEL = 256
MAX_REL = 256


def setup_inputs(seed: int = 0) -> dict:
    key = jax.random.key(seed)
    table = jax.random.normal(key, (2 * MAX_REL + 1, D_MODEL), dtype=jnp.float32)
    return {"length": 512, "table": table}


def reference(length, table):
    positions = jnp.arange(512) + length - length
    rel_pos = positions[None, :] - positions[:, None]
    rel_pos = jnp.clip(rel_pos, -MAX_REL, MAX_REL) + MAX_REL
    return jnp.take(table, rel_pos, axis=0)

if __name__ == "__main__":
    import jax
    _d = setup_inputs()
    print(jax.jit(kernel)(*tuple(_d.values())))

</pallas_src>

<mosaic_0001>
#map = affine_map<(d0, d1) -> (0, 0)>
#map1 = affine_map<(d0, d1) -> (0, 0, 0)>
module attributes {stable_mosaic.version = 14 : i64} {
  func.func @_rpe_sc(%arg0: i32, %arg1: i32, %arg2: memref<513x256xf32, #tpu.memory_space<hbm>>, %arg3: memref<512x512x256xf32, #tpu.memory_space<hbm>>, %arg4: memref<4x1024x256xf32, #tpu.memory_space<vmem_shared>>, %arg5: memref<72x256xf32, #tpu.memory_space<vmem>>, %arg6: memref<16xi32, #tpu.memory_space<vmem>>, %arg7: memref<16x256xf32, #tpu.memory_space<vmem>>, %arg8: memref<64x256xf32, #tpu.memory_space<vmem>>, %arg9: memref<64x256xf32, #tpu.memory_space<vmem>>, %arg10: memref<!tpu.dma_semaphore, #tpu.memory_space<semaphore_mem>>, %arg11: memref<!tpu.dma_semaphore, #tpu.memory_space<semaphore_mem>>, %arg12: memref<!tpu.dma_semaphore, #tpu.memory_space<semaphore_mem>>, %arg13: memref<!tpu.dma_semaphore, #tpu.memory_space<semaphore_mem>>) attributes {dimension_semantics = [#tpu.dimension_semantics<core_parallel>, #tpu.dimension_semantics<subcore_parallel>], iteration_bounds = array<i64: 2, 16>, scalar_prefetch = 0 : i64, scratch_operands = 10 : i64, tpu.core_type = #tpu.core_type<sc_vector_subcore>, window_params = [{transform_indices = #map}, {transform_indices = #map1}]} {
    %mul3A = arith.constant 64 : i32
    %mul3A_0 = arith.muli %mul3A, %arg1 : i32
    %sub3A = arith.constant 256 : i32
    %sub3A_1 = arith.subi %mul3A_0, %sub3A : i32
    %jit3A = arith.constant 0 : i32
    %jit3A_2 = arith.constant 440 : i32
    %max3A = arith.maxsi %jit3A, %sub3A_1 : i32
    %min3A = arith.minsi %jit3A_2, %max3A : i32
    %multiple_of3A = tpu.assume_multiple %min3A, 8 : i32
    %iota3A = tpu.iota {dimensions = array<i32: 0>} : vector<16xi32>
    %mul3A_3 = arith.constant 0 : i32
    %mul3A_4 = vector.broadcast %mul3A_3 : i32 to vector<16xi32>
    %mul3A_5 = arith.muli %iota3A, %mul3A_4 : vector<16xi32>
    %add3A = arith.constant 512 : i32
    %add3A_6 = vector.broadcast %add3A : i32 to vector<16xi32>
    %add3A_7 = arith.addi %mul3A_5, %add3A_6 : vector<16xi32>
    %swap3A = arith.constant 0 : index
    %swap3A_8 = tpu.vector_load %arg6[%swap3A] {strides = array<i32>} : memref<16xi32, #tpu.memory_space<vmem>>, vector<16xi32>,
    %swap3A_9 = vector.shape_cast %swap3A_8 : vector<16xi32> to vector<16xi32>
    %swap3A_10 = vector.shape_cast %add3A_7 : vector<16xi32> to vector<16xi32>
    tpu.vector_store %arg6[%swap3A], %swap3A_10 {strides = array<i32>} : memref<16xi32, #tpu.memory_space<vmem>>, vector<16xi32>,
    %dma_start3A = arith.constant 0 : i32
    %dma_start3A_11 = tpu.memref_slice %arg2[%multiple_of3A, %dma_start3A] : memref<513x256xf32, #tpu.memory_space<hbm>> -> memref<72x256xf32, #tpu.memory_space<hbm>>
    %dma_start3A_12 = arith.constant 0 : i32
    %dma_start3A_13 = tpu.memref_slice %arg2[%multiple_of3A, %dma_start3A_12] : memref<513x256xf32, #tpu.memory_space<hbm>> -> memref<72x256xf32, #tpu.memory_space<hbm>>
    tpu.enqueue_dma source(%dma_start3A_13 : memref<72x256xf32, #tpu.memory_space<hbm>>) target(%arg5 : memref<72x256xf32, #tpu.memory_space<vmem>>) target_semaphore(%arg10 : memref<!tpu.dma_semaphore, #tpu.memory_space<semaphore_mem>>)
    %dma_wait3A = arith.constant 0 : i32
    %dma_wait3A_14 = tpu.memref_slice %arg2[%multiple_of3A, %dma_wait3A] : memref<513x256xf32, #tpu.memory_space<hbm>> -> memref<72x256xf32, #tpu.memory_space<hbm>>
    %dma_wait3A_15 = arith.constant 0 : i32
    %dma_wait3A_16 = tpu.memref_slice %arg2[%multiple_of3A, %dma_wait3A_15] : memref<513x256xf32, #tpu.memory_space<hbm>> -> memref<72x256xf32, #tpu.memory_space<hbm>>
    tpu.wait_dma2 semaphore(%arg10 : memref<!tpu.dma_semaphore, #tpu.memory_space<semaphore_mem>>) src(%dma_wait3A_16 : memref<72x256xf32, #tpu.memory_space<hbm>>) dst(%arg5 : memref<72x256xf32, #tpu.memory_space<vmem>>)
    %dma_start3A_17 = arith.constant 0 : i32
    %dma_start3A_18 = arith.constant 0 : i32
    %dma_start3A_19 = tpu.memref_slice %arg2[%dma_start3A_17, %dma_start3A_18] : memref<513x256xf32, #tpu.memory_space<hbm>> -> memref<513x256xf32, #tpu.memory_space<hbm>>
    tpu.enqueue_indirect_dma source(%dma_start3A_19 : memref<513x256xf32, #tpu.memory_space<hbm>>) target(%arg7 : memref<16x256xf32, #tpu.memory_space<vmem>>) offsets(%arg6 : memref<16xi32, #tpu.memory_space<vmem>>) semaphore(%arg10 : memref<!tpu.dma_semaphore, #tpu.memory_space<semaphore_mem>>)
    %dma_wait3A_20 = arith.constant 0 : i32
    %dma_wait3A_21 = arith.constant 0 : i32
    %dma_wait3A_22 = tpu.memref_slice %arg2[%dma_wait3A_20, %dma_wait3A_21] : memref<513x256xf32, #tpu.memory_space<hbm>> -> memref<513x256xf32, #tpu.memory_space<hbm>>
    tpu.wait_indirect_dma semaphore(%arg10 : memref<!tpu.dma_semaphore, #tpu.memory_space<semaphore_mem>>) src(%dma_wait3A_22 : memref<513x256xf32, #tpu.memory_space<hbm>>) dst(%arg7 : memref<16x256xf32, #tpu.memory_space<vmem>>)
    %get3A = arith.constant 0 : i32
    %get3A_23 = arith.index_cast %get3A : i32 to index
    %get3A_24 = arith.constant 0 : index
    %get3A_25 = tpu.vector_load %arg7[%get3A_23, %get3A_24] {strides = array<i32>} : memref<16x256xf32, #tpu.memory_space<vmem>>, vector<1x16xf32>,
    %get3A_26 = vector.shape_cast %get3A_25 : vector<1x16xf32> to vector<16xf32>
    %get3A_27 = arith.constant 0 : i32
    %get3A_28 = arith.index_cast %get3A_27 : i32 to index
    %get3A_29 = arith.constant 16 : index
    %get3A_30 = tpu.vector_load %arg7[%get3A_28, %get3A_29] {strides = array<i32>} : memref<16x256xf32, #tpu.memory_space<vmem>>, vector<1x16xf32>,
    %get3A_31 = vector.shape_cast %get3A_30 : vector<1x16xf32> to vector<16xf32>
    %get3A_32 = arith.constant 0 : i32
    %get3A_33 = arith.index_cast %get3A_32 : i32 to index
    %get3A_34 = arith.constant 32 : index
    %get3A_35 = tpu.vector_load %arg7[%get3A_33, %get3A_34] {strides = array<i32>} : memref<16x256xf32, #tpu.memory_space<vmem>>, vector<1x16xf32>,
    %get3A_36 = vector.shape_cast %get3A_35 : vector<1x16xf32> to vector<16xf32>
    %get3A_37 = arith.constant 0 : i32
    %get3A_38 = arith.index_cast %get3A_37 : i32 to index
    %get3A_39 = arith.constant 48 : index
    %get3A_40 = tpu.vector_load %arg7[%get3A_38, %get3A_39] {strides = array<i32>} : memref<16x256xf32, #tpu.memory_space<vmem>>, vector<1x16xf32>,
    %get3A_41 = vector.shape_cast %get3A_40 : vector<1x16xf32> to vector<16xf32>
    %get3A_42 = arith.constant 0 : i32
    %get3A_43 = arith.index_cast %get3A_42 : i32 to index
    %get3A_44 = arith.constant 64 : index
    %get3A_45 = tpu.vector_load %arg7[%get3A_43, %get3A_44] {strides = array<i32>} : memref<16x256xf32, #tpu.memory_space<vmem>>, vector<1x16xf32>,
    %get3A_46 = vector.shape_cast %get3A_45 : vector<1x16xf32> to vector<16xf32>
    %get3A_47 = arith.constant 0 : i32
    %get3A_48 = arith.index_cast %get3A_47 : i32 to index
    %get3A_49 = arith.constant 80 : index
    %get3A_50 = tpu.vector_load %arg7[%get3A_48, %get3A_49] {strides = array<i32>} : memref<16x256xf32, #tpu.memory_space<vmem>>, vector<1x16xf32>,
    %get3A_51 = vector.shape_cast %get3A_50 : vector<1x16xf32> to vector<16xf32>
    %get3A_52 = arith.constant 0 : i32
    %get3A_53 = arith.index_cast %get3A_52 : i32 to index
    %get3A_54 = arith.constant 96 : index
    %get3A_55 = tpu.vector_load %arg7[%get3A_53, %get3A_54] {strides = array<i32>} : memref<16x256xf32, #tpu.memory_space<vmem>>, vector<1x16xf32>,
    %get3A_56 = vector.shape_cast %get3A_55 : vector<1x16xf32> to vector<16xf32>
    %get3A_57 = arith.constant 0 : i32
    %get3A_58 = arith.index_cast %get3A_57 : i32 to index
    %get3A_59 = arith.constant 112 : index
    %get3A_60 = tpu.vector_load %arg7[%get3A_58, %get3A_59] {strides = array<i32>} : memref<16x256xf32, #tpu.memory_space<vmem>>, vector<1x16xf32>,
    %get3A_61 = vector.shape_cast %get3A_60 : vector<1x16xf32> to vector<16xf32>
    %get3A_62 = arith.constant 0 : i32
    %get3A_63 = arith.index_cast %get3A_62 : i32 to index
    %get3A_64 = arith.constant 128 : index
    %get3A_65 = tpu.vector_load %arg7[%get3A_63, %get3A_64] {strides = array<i32>} : memref<16x256xf32, #tpu.memory_space<vmem>>, vector<1x16xf32>,
    %get3A_66 = vector.shape_cast %get3A_65 : vector<1x16xf32> to vector<16xf32>
    %get3A_67 = arith.constant 0 : i32
    %get3A_68 = arith.index_cast %get3A_67 : i32 to index
    %get3A_69 = arith.constant 144 : index
    %get3A_70 = tpu.vector_load %arg7[%get3A_68, %get3A_69] {strides = array<i32>} : memref<16x256xf32, #tpu.memory_space<vmem>>, vector<1x16xf32>,
    %get3A_71 = vector.shape_cast %get3A_70 : vector<1x16xf32> to vector<16xf32>
    %get3A_72 = arith.constant 0 : i32
    %get3A_73 = arith.index_cast %get3A_72 : i32 to index
    %get3A_74 = arith.constant 160 : index
    %get3A_75 = tpu.vector_load %arg7[%get3A_73, %get3A_74] {strides = array<i32>} : memref<16x256xf32, #tpu.memory_space<vmem>>, vector<1x16xf32>,
    %get3A_76 = vector.shape_cast %get3A_75 : vector<1x16xf32> to vector<16xf32>
    %get3A_77 = arith.constant 0 : i32
    %get3A_78 = arith.index_cast %get3A_77 : i32 to index
    %get3A_79 = arith.constant 176 : index
    %get3A_80 = tpu.vector_load %arg7[%get3A_78, %get3A_79] {strides = array<i32>} : memref<16x256xf32, #tpu.memory_space<vmem>>, vector<1x16xf32>,
    %get3A_81 = vector.shape_cast %get3A_80 : vector<1x16xf32> to vector<16xf32>
    %get3A_82 = arith.constant 0 : i32
    %get3A_83 = arith.index_cast %get3A_82 : i32 to index
    %get3A_84 = arith.constant 192 : index
    %get3A_85 = tpu.vector_load %arg7[%get3A_83, %get3A_84] {strides = array<i32>} : memref<16x256xf32, #tpu.memory_space<vmem>>, vector<1x16xf32>,
    %get3A_86 = vector.shape_cast %get3A_85 : vector<1x16xf32> to vector<16xf32>
    %get3A_87 = arith.constant 0 : i32
    %get3A_88 = arith.index_cast %get3A_87 : i32 to index
    %get3A_89 = arith.constant 208 : index
    %get3A_90 = tpu.vector_load %arg7[%get3A_88, %get3A_89] {strides = array<i32>} : memref<16x256xf32, #tpu.memory_space<vmem>>, vector<1x16xf32>,
    %get3A_91 = vector.shape_cast %get3A_90 : vector<1x16xf32> to vector<16xf32>
    %get3A_92 = arith.constant 0 : i32
    %get3A_93 = arith.index_cast %get3A_92 : i32 to index
    %get3A_94 = arith.constant 224 : index
    %get3A_95 = tpu.vector_load %arg7[%get3A_93, %get3A_94] {strides = array<i32>} : memref<16x256xf32, #tpu.memory_space<vmem>>, vector<1x16xf32>,
    %get3A_96 = vector.shape_cast %get3A_95 : vector<1x16xf32> to vector<16xf32>
    %get3A_97 = arith.constant 0 : i32
    %get3A_98 = arith.index_cast %get3A_97 : i32 to index
    %get3A_99 = arith.constant 240 : index
    %get3A_100 = tpu.vector_load %arg7[%get3A_98, %get3A_99] {strides = array<i32>} : memref<16x256xf32, #tpu.memory_space<vmem>>, vector<1x16xf32>,
    %get3A_101 = vector.shape_cast %get3A_100 : vector<1x16xf32> to vector<16xf32>
    %mul3A_102 = arith.constant 4 : i32
    %mul3A_103 = arith.muli %mul3A_102, %arg0 : i32
    %add3A_104 = arith.constant 0 : i32
    %add3A_105 = arith.addi %mul3A_103, %add3A_104 : i32
    %mul3A_106 = arith.constant 64 : i32
    %mul3A_107 = arith.muli %mul3A_106, %arg1 : i32
    %add3A_108 = arith.addi %mul3A_107, %add3A_105 : i32
    %sub3A_109 = arith.constant 256 : i32
    %sub3A_110 = arith.subi %add3A_108, %sub3A_109 : i32
    %scan3A = arith.constant 0 : i32
    %scan3A_111 = arith.constant 0 : i32
    %scan3A_112 = arith.constant 64 : i32
    %scan3A_113 = arith.addi %scan3A_111, %scan3A_112 : i32
    %scan3A_114 = arith.constant 1 : i32
    scf.for %scan3A_777 = %scan3A_111 to %scan3A_113 step %scan3A_114  : i32 {
      %add3A_778 = arith.addi %sub3A_110, %scan3A_777 : i32
      %jit3A_779 = arith.constant 0 : i32
      %jit3A_780 = arith.constant 512 : i32
      %max3A_781 = arith.maxsi %jit3A_779, %add3A_778 : i32
      %min3A_782 = arith.minsi %jit3A_780, %max3A_781 : i32
      %sub3A_783 = arith.subi %min3A_782, %multiple_of3A : i32
      %ge3A = arith.constant 72 : i32
      %ge3A_784 = arith.cmpi sge, %sub3A_783, %ge3A : i32
      %min3A_785 = arith.constant 71 : i32
      %min3A_786 = arith.minsi %sub3A_783, %min3A_785 : i32
      %get3A_787 = arith.index_cast %min3A_786 : i32 to index
      %get3A_788 = arith.constant 0 : index
      %get3A_789 = tpu.vector_load %arg5[%get3A_787, %get3A_788] {strides = array<i32>} : memref<72x256xf32, #tpu.memory_space<vmem>>, vector<1x16xf32>,
      %get3A_790 = vector.shape_cast %get3A_789 : vector<1x16xf32> to vector<16xf32>
      %select_n3A_791 = arith.select %ge3A_784, %get3A_26, %get3A_790 : vector<16xf32>
      %swap3A_792 = arith.index_cast %scan3A_777 : i32 to index
      %swap3A_793 = arith.constant 0 : index
      %swap3A_794 = tpu.vector_load %arg8[%swap3A_792, %swap3A_793] {strides = array<i32>} : memref<64x256xf32, #tpu.memory_space<vmem>>, vector<1x16xf32>,
      %swap3A_795 = vector.shape_cast %swap3A_794 : vector<1x16xf32> to vector<16xf32>
      %swap3A_796 = vector.shape_cast %select_n3A_791 : vector<16xf32> to vector<1x16xf32>
      tpu.vector_store %arg8[%swap3A_792, %swap3A_793], %swap3A_796 {strides = array<i32>} : memref<64x256xf32, #tpu.memory_space<vmem>>, vector<1x16xf32>,
      %get3A_797 = arith.index_cast %min3A_786 : i32 to index
      %get3A_798 = arith.constant 16 : index
      %get3A_799 = tpu.vector_load %arg5[%get3A_797, %get3A_798] {strides = array<i32>} : memref<72x256xf32, #tpu.memory_space<vmem>>, vector<1x16xf32>,
      %get3A_800 = vector.shape_cast %get3A_799 : vector<1x16xf32> to vector<16xf32>
      %select_n3A_801 = arith.select %ge3A_784, %get3A_31, %get3A_800 : vector<16xf32>
      %swap3A_802 = arith.index_cast %scan3A_777 : i32 to index
      %swap3A_803 = arith.constant 16 : index
      %swap3A_804 = tpu.vector_load %arg8[%swap3A_802, %swap3A_803] {strides = array<i32>} : memref<64x256xf32, #tpu.memory_space<vmem>>, vector<1x16xf32>,
      %swap3A_805 = vector.shape_cast %swap3A_804 : vector<1x16xf32> to vector<16xf32>
      %swap3A_806 = vector.shape_cast %select_n3A_801 : vector<16xf32> to vector<1x16xf32>
      tpu.vector_store %arg8[%swap3A_802, %swap3A_803], %swap3A_806 {strides = array<i32>} : memref<64x256xf32, #tpu.memory_space<vmem>>, vector<1x16xf32>,
      %get3A_807 = arith.index_cast %min3A_786 : i32 to index
      %get3A_808 = arith.constant 32 : index
      %get3A_809 = tpu.vector_load %arg5[%get3A_807, %get3A_808] {strides = array<i32>} : memref<72x256xf32, #tpu.memory_space<vmem>>, vector<1x16xf32>,
      %get3A_810 = vector.shape_cast %get3A_809 : vector<1x16xf32> to vector<16xf32>
      %select_n3A_811 = arith.select %ge3A_784, %get3A_36, %get3A_810 : vector<16xf32>
      %swap3A_812 = arith.index_cast %scan3A_777 : i32 to index
      %swap3A_813 = arith.constant 32 : index
      %swap3A_814 = tpu.vector_load %arg8[%swap3A_812, %swap3A_813] {strides = array<i32>} : memref<64x256xf32, #tpu.memory_space<vmem>>, vector<1x16xf32>,
      %swap3A_815 = vector.shape_cast %swap3A_814 : vector<1x16xf32> to vector<16xf32>
      %swap3A_816 = vector.shape_cast %select_n3A_811 : vector<16xf32> to vector<1x16xf32>
      tpu.vector_store %arg8[%swap3A_812, %swap3A_813], %swap3A_816 {strides = array<i32>} : memref<64x256xf32, #tpu.memory_space<vmem>>, vector<1x16xf32>,
      %get3A_817 = arith.index_cast %min3A_786 : i32 to index
      %get3A_818 = arith.constant 48 : index
      %get3A_819 = tpu.vector_load %arg5[%get3A_817, %get3A_818] {strides = array<i32>} : memref<72x256xf32, #tpu.memory_space<vmem>>, vector<1x16xf32>,
      %get3A_820 = vector.shape_cast %get3A_819 : vector<1x16xf32> to vector<16xf32>
      %select_n3A_821 = arith.select %ge3A_784, %get3A_41, %get3A_820 : vector<16xf32>
      %swap3A_822 = arith.index_cast %scan3A_777 : i32 to index
      %swap3A_823 = arith.constant 48 : index
      %swap3A_824 = tpu.vector_load %arg8[%swap3A_822, %swap3A_823] {strides = array<i32>} : memref<64x256xf32, #tpu.memory_space<vmem>>, vector<1x16xf32>,
      %swap3A_825 = vector.shape_cast %swap3A_824 : vector<1x16xf32> to vector<16xf32>
      %swap3A_826 = vector.shape_cast %select_n3A_821 : vector<16xf32> to vector<1x16xf32>
      tpu.vector_store %arg8[%swap3A_822, %swap3A_823], %swap3A_826 {strides = array<i32>} : memref<64x256xf32, #tpu.memory_space<vmem>>, vector<1x16xf32>,
      %get3A_827 = arith.index_cast %min3A_786 : i32 to index
      %get3A_828 = arith.constant 64 : index
      %get3A_829 = tpu.vector_load %arg5[%get3A_827, %get3A_828] {strides = array<i32>} : memref<72x256xf32, #tpu.memory_space<vmem>>, vector<1x16xf32>,
      %get3A_830 = vector.shape_cast %get3A_829 : vector<1x16xf32> to vector<16xf32>
      %select_n3A_831 = arith.select %ge3A_784, %get3A_46, %get3A_830 : vector<16xf32>
      %swap3A_832 = arith.index_cast %scan3A_777 : i32 to index
      %swap3A_833 = arith.constant 64 : index
      %swap3A_834 = tpu.vector_load %arg8[%swap3A_832, %swap3A_833] {strides = array<i32>} : memref<64x256xf32, #tpu.memory_space<vmem>>, vector<1x16xf32>,
      %swap3A_835 = vector.shape_cast %swap3A_834 : vector<1x16xf32> to vector<16xf32>
      %swap3A_836 = vector.shape_cast %select_n3A_831 : vector<16xf32> to vector<1x16xf32>
      tpu.vector_store %arg8[%swap3A_832, %swap3A_833], %swap3A_836 {strides = array<i32>} : memref<64x256xf32, #tpu.memory_space<vmem>>, vector<1x16xf32>,
      %get3A_837 = arith.index_cast %min3A_786 : i32 to index
      %get3A_838 = arith.constant 80 : index
      %get3A_839 = tpu.vector_load %arg5[%get3A_837, %get3A_838] {strides = array<i32>} : memref<72x256xf32, #tpu.memory_space<vmem>>, vector<1x16xf32>,
      %get3A_840 = vector.shape_cast %get3A_839 : vector<1x16xf32> to vector<16xf32>
      %select_n3A_841 = arith.select %ge3A_784, %get3A_51, %get3A_840 : vector<16xf32>
      %swap3A_842 = arith.index_cast %scan3A_777 : i32 to index
      %swap3A_843 = arith.constant 80 : index
      %swap3A_844 = tpu.vector_load %arg8[%swap3A_842, %swap3A_843] {strides = array<i32>} : memref<64x256xf32, #tpu.memory_space<vmem>>, vector<1x16xf32>,
      %swap3A_845 = vector.shape_cast %swap3A_844 : vector<1x16xf32> to vector<16xf32>
      %swap3A_846 = vector.shape_cast %select_n3A_841 : vector<16xf32> to vector<1x16xf32>
      tpu.vector_store %arg8[%swap3A_842, %swap3A_843], %swap3A_846 {strides = array<i32>} : memref<64x256xf32, #tpu.memory_space<vmem>>, vector<1x16xf32>,
      %get3A_847 = arith.index_cast %min3A_786 : i32 to index
      %get3A_848 = arith.constant 96 : index
      %get3A_849 = tpu.vector_load %arg5[%get3A_847, %get3A_848] {strides = array<i32>} : memref<72x256xf32, #tpu.memory_space<vmem>>, vector<1x16xf32>,
      %get3A_850 = vector.shape_cast %get3A_849 : vector<1x16xf32> to vector<16xf32>
      %select_n3A_851 = arith.select %ge3A_784, %get3A_56, %get3A_850 : vector<16xf32>
      %swap3A_852 = arith.index_cast %scan3A_777 : i32 to index
      %swap3A_853 = arith.constant 96 : index
      %swap3A_854 = tpu.vector_load %arg8[%swap3A_852, %swap3A_853] {strides = array<i32>} : memref<64x256xf32, #tpu.memory_space<vmem>>, vector<1x16xf32>,
      %swap3A_855 = vector.shape_cast %swap3A_854 : vector<1x16xf32> to vector<16xf32>
      %swap3A_856 = vector.shape_cast %select_n3A_851 : vector<16xf32> to vector<1x16xf32>
      tpu.vector_store %arg8[%swap3A_852, %swap3A_853], %swap3A_856 {strides = array<i32>} : memref<64x256xf32, #tpu.memory_space<vmem>>, vector<1x16xf32>,
      %get3A_857 = arith.index_cast %min3A_786 : i32 to index
      %get3A_858 = arith.constant 112 : index
      %get3A_859 = tpu.vector_load %arg5[%get3A_857, %get3A_858] {strides = array<i32>} : memref<72x256xf32, #tpu.memory_space<vmem>>, vector<1x16xf32>,
      %get3A_860 = vector.shape_cast %get3A_859 : vector<1x16xf32> to vector<16xf32>
      %select_n3A_861 = arith.select %ge3A_784, %get3A_61, %get3A_860 : vector<16xf32>
      %swap3A_862 = arith.index_cast %scan3A_777 : i32 to index
      %swap3A_863 = arith.constant 112 : index
      %swap3A_864 = tpu.vector_load %arg8[%swap3A_862, %swap3A_863] {strides = array<i32>} : memref<64x256xf32, #tpu.memory_space<vmem>>, vector<1x16xf32>,
      %swap3A_865 = vector.shape_cast %swap3A_864 : vector<1x16xf32> to vector<16xf32>
      %swap3A_866 = vector.shape_cast %select_n3A_861 : vector<16xf32> to vector<1x16xf32>
      tpu.vector_store %arg8[%swap3A_862, %swap3A_863], %swap3A_866 {strides = array<i32>} : memref<64x256xf32, #tpu.memory_space<vmem>>, vector<1x16xf32>,
      %get3A_867 = arith.index_cast %min3A_786 : i32 to index
      %get3A_868 = arith.constant 128 : index
      %get3A_869 = tpu.vector_load %arg5[%get3A_867, %get3A_868] {strides = array<i32>} : memref<72x256xf32, #tpu.memory_space<vmem>>, vector<1x16xf32>,
      %get3A_870 = vector.shape_cast %get3A_869 : vector<1x16xf32> to vector<16xf32>
      %select_n3A_871 = arith.select %ge3A_784, %get3A_66, %get3A_870 : vector<16xf32>
      %swap3A_872 = arith.index_cast %scan3A_777 : i32 to index
      %swap3A_873 = arith.constant 128 : index
      %swap3A_874 = tpu.vector_load %arg8[%swap3A_872, %swap3A_873] {strides = array<i32>} : memref<64x256xf32, #tpu.memory_space<vmem>>, vector<1x16xf32>,
      %swap3A_875 = vector.shape_cast %swap3A_874 : vector<1x16xf32> to vector<16xf32>
      %swap3A_876 = vector.shape_cast %select_n3A_871 : vector<16xf32> to vector<1x16xf32>
      tpu.vector_store %arg8[%swap3A_872, %swap3A_873], %swap3A_876 {strides = array<i32>} : memref<64x256xf32, #tpu.memory_space<vmem>>, vector<1x16xf32>,
      %get3A_877 = arith.index_cast %min3A_786 : i32 to index
      %get3A_878 = arith.constant 144 : index
      %get3A_879 = tpu.vector_load %arg5[%get3A_877, %get3A_878] {strides = array<i32>} : memref<72x256xf32, #tpu.memory_space<vmem>>, vector<1x16xf32>,
      %get3A_880 = vector.shape_cast %get3A_879 : vector<1x16xf32> to vector<16xf32>
      %select_n3A_881 = arith.select %ge3A_784, %get3A_71, %get3A_880 : vector<16xf32>
      %swap3A_882 = arith.index_cast %scan3A_777 : i32 to index
      %swap3A_883 = arith.constant 144 : index
      %swap3A_884 = tpu.vector_load %arg8[%swap3A_882, %swap3A_883] {strides = array<i32>} : memref<64x256xf32, #tpu.memory_space<vmem>>, vector<1x16xf32>,
      %swap3A_885 = vector.shape_cast %swap3A_884 : vector<1x16xf32> to vector<16xf32>
      %swap3A_886 = vector.shape_cast %select_n3A_881 : vector<16xf32> to vector<1x16xf32>
      tpu.vector_store %arg8[%swap3A_882, %swap3A_883], %swap3A_886 {strides = array<i32>} : memref<64x256xf32, #tpu.memory_space<vmem>>, vector<1x16xf32>,
      %get3A_887 = arith.index_cast %min3A_786 : i32 to index
      %get3A_888 = arith.constant 160 : index
      %get3A_889 = tpu.vector_load %arg5[%get3A_887, %get3A_888] {strides = array<i32>} : memref<72x256xf32, #tpu.memory_space<vmem>>, vector<1x16xf32>,
      %get3A_890 = vector.shape_cast %get3A_889 : vector<1x16xf32> to vector<16xf32>
      %select_n3A_891 = arith.select %ge3A_784, %get3A_76, %get3A_890 : vector<16xf32>
      %swap3A_892 = arith.index_cast %scan3A_777 : i32 to index
      %swap3A_893 = arith.constant 160 : index
      %swap3A_894 = tpu.vector_load %arg8[%swap3A_892, %swap3A_893] {strides = array<i32>} : memref<64x256xf32, #tpu.memory_space<vmem>>, vector<1x16xf32>,
      %swap3A_895 = vector.shape_cast %swap3A_894 : vector<1x16xf32> to vector<16xf32>
      %swap3A_896 = vector.shape_cast %select_n3A_891 : vector<16xf32> to vector<1x16xf32>
      tpu.vector_store %arg8[%swap3A_892, %swap3A_893], %swap3A_896 {strides = array<i32>} : memref<64x256xf32, #tpu.memory_space<vmem>>, vector<1x16xf32>,
      %get3A_897 = arith.index_cast %min3A_786 : i32 to index
      %get3A_898 = arith.constant 176 : index
      %get3A_899 = tpu.vector_load %arg5[%get3A_897, %get3A_898] {strides = array<i32>} : memref<72x256xf32, #tpu.memory_space<vmem>>, vector<1x16xf32>,
      %get3A_900 = vector.shape_cast %get3A_899 : vector<1x16xf32> to vector<16xf32>
      %select_n3A_901 = arith.select %ge3A_784, %get3A_81, %get3A_900 : vector<16xf32>
      %swap3A_902 = arith.index_cast %scan3A_777 : i32 to index
      %swap3A_903 = arith.constant 176 : index
      %swap3A_904 = tpu.vector_load %arg8[%swap3A_902, %swap3A_903] {strides = array<i32>} : memref<64x256xf32, #tpu.memory_space<vmem>>, vector<1x16xf32>,
      %swap3A_905 = vector.shape_cast %swap3A_904 : vector<1x16xf32> to vector<16xf32>
      %swap3A_906 = vector.shape_cast %select_n3A_901 : vector<16xf32> to vector<1x16xf32>
      tpu.vector_store %arg8[%swap3A_902, %swap3A_903], %swap3A_906 {strides = array<i32>} : memref<64x256xf32, #tpu.memory_space<vmem>>, vector<1x16xf32>,
      %get3A_907 = arith.index_cast %min3A_786 : i32 to index
      %get3A_908 = arith.constant 192 : index
      %get3A_909 = tpu.vector_load %arg5[%get3A_907, %get3A_908] {strides = array<i32>} : memref<72x256xf32, #tpu.memory_space<vmem>>, vector<1x16xf32>,
      %get3A_910 = vector.shape_cast %get3A_909 : vector<1x16xf32> to vector<16xf32>
      %select_n3A_911 = arith.select %ge3A_784, %get3A_86, %get3A_910 : vector<16xf32>
      %swap3A_912 = arith.index_cast %scan3A_777 : i32 to index
      %swap3A_913 = arith.constant 192 : index
      %swap3A_914 = tpu.vector_load %arg8[%swap3A_912, %swap3A_913] {strides = array<i32>} : memref<64x256xf32, #tpu.memory_space<vmem>>, vector<1x16xf32>,
      %swap3A_915 = vector.shape_cast %swap3A_914 : vector<1x16xf32> to vector<16xf32>
      %swap3A_916 = vector.shape_cast %select_n3A_911 : vector<16xf32> to vector<1x16xf32>
      tpu.vector_store %arg8[%swap3A_912, %swap3A_913], %swap3A_916 {strides = array<i32>} : memref<64x256xf32, #tpu.memory_space<vmem>>, vector<1x16xf32>,
      %get3A_917 = arith.index_cast %min3A_786 : i32 to index
      %get3A_918 = arith.constant 208 : index
      %get3A_919 = tpu.vector_load %arg5[%get3A_917, %get3A_918] {strides = array<i32>} : memref<72x256xf32, #tpu.memory_space<vmem>>, vector<1x16xf32>,
      %get3A_920 = vector.shape_cast %get3A_919 : vector<1x16xf32> to vector<16xf32>
      %select_n3A_921 = arith.select %ge3A_784, %get3A_91, %get3A_920 : vector<16xf32>
      %swap3A_922 = arith.index_cast %scan3A_777 : i32 to index
      %swap3A_923 = arith.constant 208 : index
      %swap3A_924 = tpu.vector_load %arg8[%swap3A_922, %swap3A_923] {strides = array<i32>} : memref<64x256xf32, #tpu.memory_space<vmem>>, vector<1x16xf32>,
      %swap3A_925 = vector.shape_cast %swap3A_924 : vector<1x16xf32> to vector<16xf32>
      %swap3A_926 = vector.shape_cast %select_n3A_921 : vector<16xf32> to vector<1x16xf32>
      tpu.vector_store %arg8[%swap3A_922, %swap3A_923], %swap3A_926 {strides = array<i32>} : memref<64x256xf32, #tpu.memory_space<vmem>>, vector<1x16xf32>,
      %get3A_927 = arith.index_cast %min3A_786 : i32 to index
      %get3A_928 = arith.constant 224 : index
      %get3A_929 = tpu.vector_load %arg5[%get3A_927, %get3A_928] {strides = array<i32>} : memref<72x256xf32, #tpu.memory_space<vmem>>, vector<1x16xf32>,
      %get3A_930 = vector.shape_cast %get3A_929 : vector<1x16xf32> to vector<16xf32>
      %select_n3A_931 = arith.select %ge3A_784, %get3A_96, %get3A_930 : vector<16xf32>
      %swap3A_932 = arith.index_cast %scan3A_777 : i32 to index
      %swap3A_933 = arith.constant 224 : index
      %swap3A_934 = tpu.vector_load %arg8[%swap3A_932, %swap3A_933] {strides = array<i32>} : memref<64x256xf32, #tpu.memory_space<vmem>>, vector<1x16xf32>,
      %swap3A_935 = vector.shape_cast %swap3A_934 : vector<1x16xf32> to vector<16xf32>
      %swap3A_936 = vector.shape_cast %select_n3A_931 : vector<16xf32> to vector<1x16xf32>
      tpu.vector_store %arg8[%swap3A_932, %swap3A_933], %swap3A_936 {strides = array<i32>} : memref<64x256xf32, #tpu.memory_space<vmem>>, vector<1x16xf32>,
      %get3A_937 = arith.index_cast %min3A_786 : i32 to index
      %get3A_938 = arith.constant 240 : index
      %get3A_939 = tpu.vector_load %arg5[%get3A_937, %get3A_938] {strides = array<i32>} : memref<72x256xf32, #tpu.memory_space<vmem>>, vector<1x16xf32>,
      %get3A_940 = vector.shape_cast %get3A_939 : vector<1x16xf32> to vector<16xf32>
      %select_n3A_941 = arith.select %ge3A_784, %get3A_101, %get3A_940 : vector<16xf32>
      %swap3A_942 = arith.index_cast %scan3A_777 : i32 to index
      %swap3A_943 = arith.constant 240 : index
      %swap3A_944 = tpu.vector_load %arg8[%swap3A_942, %swap3A_943] {strides = array<i32>} : memref<64x256xf32, #tpu.memory_space<vmem>>, vector<1x16xf32>,
      %swap3A_945 = vector.shape_cast %swap3A_944 : vector<1x16xf32> to vector<16xf32>
      %swap3A_946 = vector.shape_cast %select_n3A_941 : vector<16xf32> to vector<1x16xf32>
      tpu.vector_store %arg8[%swap3A_942, %swap3A_943], %swap3A_946 {strides = array<i32>} : memref<64x256xf32, #tpu.memory_space<vmem>>, vector<1x16xf32>,
    }
    %scan3A_115 = arith.constant 64 : i32
    %mul3A_116 = arith.constant 64 : i32
    %mul3A_117 = arith.muli %mul3A_116, %arg1 : i32
    %dma_start3A_118 = arith.constant 0 : i32
    %dma_start3A_119 = arith.constant 0 : i32
    %dma_start3A_120 = tpu.memref_slice %arg4[%dma_start3A_118, %mul3A_117, %dma_start3A_119] : memref<4x1024x256xf32, #tpu.memory_space<vmem_shared>> -> memref<1x64x256xf32, #tpu.memory_space<vmem_shared>>
    %dma_start3A_121 = tpu.memref_squeeze %dma_start3A_120 : memref<1x64x256xf32, #tpu.memory_space<vmem_shared>> -> memref<64x256xf32, #tpu.memory_space<vmem_shared>>
    %dma_start3A_122 = arith.constant 0 : i32
    %dma_start3A_123 = tpu.memref_slice %arg4[%dma_start3A_118, %mul3A_117, %dma_start3A_122] : memref<4x1024x256xf32, #tpu.memory_space<vmem_shared>> -> memref<1x64x256xf32, #tpu.memory_space<vmem_shared>>
    %dma_start3A_124 = tpu.memref_squeeze %dma_start3A_123 : memref<1x64x256xf32, #tpu.memory_space<vmem_shared>> -> memref<64x256xf32, #tpu.memory_space<vmem_shared>>
    tpu.enqueue_dma source(%arg8 : memref<64x256xf32, #tpu.memory_space<vmem>>) target(%dma_start3A_124 : memref<64x256xf32, #tpu.memory_space<vmem_shared>>) target_semaphore(%arg11 : memref<!tpu.dma_semaphore, #tpu.memory_space<semaphore_mem>>)
    %dma_wait3A_125 = arith.constant 0 : i32
    %dma_wait3A_126 = arith.constant 0 : i32
    %dma_wait3A_127 = tpu.memref_slice %arg4[%dma_wait3A_125, %mul3A_117, %dma_wait3A_126] : memref<4x1024x256xf32, #tpu.memory_space<vmem_shared>> -> memref<1x64x256xf32, #tpu.memory_space<vmem_shared>>
    %dma_wait3A_128 = tpu.memref_squeeze %dma_wait3A_127 : memref<1x64x256xf32, #tpu.memory_space<vmem_shared>> -> memref<64x256xf32, #tpu.memory_space<vmem_shared>>
    %dma_wait3A_129 = arith.constant 0 : i32
    %dma_wait3A_130 = tpu.memref_slice %arg4[%dma_wait3A_125, %mul3A_117, %dma_wait3A_129] : memref<4x1024x256xf32, #tpu.memory_space<vmem_shared>> -> memref<1x64x256xf32, #tpu.memory_space<vmem_shared>>
    %dma_wait3A_131 = tpu.memref_squeeze %dma_wait3A_130 : memref<1x64x256xf32, #tpu.memory_space<vmem_shared>> -> memref<64x256xf32, #tpu.memory_space<vmem_shared>>
    tpu.wait_dma2 semaphore(%arg11 : memref<!tpu.dma_semaphore, #tpu.memory_space<semaphore_mem>>) src(%arg8 : memref<64x256xf32, #tpu.memory_space<vmem>>) dst(%dma_wait3A_131 : memref<64x256xf32, #tpu.memory_space<vmem_shared>>)
    %barrier3A = arith.constant 0 : index
    tpu.barrier barrier_id(%barrier3A)
    %mul3A_132 = arith.constant 4 : i32
    %mul3A_133 = arith.muli %mul3A_132, %arg0 : i32
    %add3A_134 = arith.constant 0 : i32
    %add3A_135 = arith.addi %mul3A_133, %add3A_134 : i32
    %sub3A_136 = arith.constant 8 : i32
    %sub3A_137 = arith.subi %sub3A_136, %add3A_135 : i32
    %jit3A_138 = arith.constant 8 : i32
    %eq3A = arith.constant 0 : i32
    %eq3A_139 = arith.cmpi eq, %jit3A_138, %eq3A : i32
    %jit3A_140 = arith.constant 1 : i32
    %select_n3A = arith.select %eq3A_139, %jit3A_140, %jit3A_138 : i32
    %rem3A = arith.remsi %sub3A_137, %select_n3A : i32
    %ne3A = arith.constant 0 : i32
    %ne3A_141 = arith.cmpi ne, %rem3A, %ne3A : i32
    %lt3A = arith.constant 0 : i32
    %lt3A_142 = arith.cmpi slt, %rem3A, %lt3A : i32
    %lt3A_143 = arith.constant 0 : i32
    %lt3A_144 = arith.cmpi slt, %select_n3A, %lt3A_143 : i32
    %ne3A_145 = arith.xori %lt3A_142, %lt3A_144 : i1
    %and3A = arith.andi %ne3A_145, %ne3A_141 : i1
    %add3A_146 = arith.addi %rem3A, %select_n3A : i32
    %select_n3A_147 = arith.select %and3A, %add3A_146, %rem3A : i32
    %gt3A = arith.constant 0 : i32
    %gt3A_148 = arith.cmpi sgt, %add3A_135, %gt3A : i32
    %jit3A_149 = arith.constant 1 : i32
    %jit3A_150 = arith.constant 0 : i32
    %select_n3A_151 = arith.select %gt3A_148, %jit3A_149, %jit3A_150 : i32
    %mul3A_152 = arith.constant 4 : i32
    %mul3A_153 = arith.muli %mul3A_152, %arg1 : i32
    %add3A_154 = arith.constant 0 : i32
    %add3A_155 = arith.addi %mul3A_153, %add3A_154 : i32
    %mul3A_156 = arith.constant 8 : i32
    %mul3A_157 = arith.muli %mul3A_156, %add3A_155 : i32
    %add3A_158 = arith.addi %mul3A_157, %select_n3A_147 : i32
    %sub3A_159 = arith.constant 64 : i32
    %sub3A_160 = arith.subi %sub3A_159, %add3A_155 : i32
    %sub3A_161 = arith.subi %sub3A_160, %select_n3A_151 : i32
    %mul3A_162 = arith.constant 8 : i32
    %mul3A_163 = arith.muli %mul3A_162, %sub3A_161 : i32
    %dma_start3A_164 = arith.constant 0 : i32
    %dma_start3A_165 = arith.constant 0 : i32
    %dma_start3A_166 = arith.constant 0 : i32
    %dma_start3A_167 = tpu.memref_slice %arg3[%add3A_158, %dma_start3A_165, %dma_start3A_166] : memref<512x512x256xf32, #tpu.memory_space<hbm>> -> memref<1x512x256xf32, #tpu.memory_space<hbm>>
    %dma_start3A_168 = tpu.memref_squeeze %dma_start3A_167 : memref<1x512x256xf32, #tpu.memory_space<hbm>> -> memref<512x256xf32, #tpu.memory_space<hbm>>
    %dma_start3A_169 = arith.constant 0 : i32
    %dma_start3A_170 = tpu.memref_slice %arg4[%dma_start3A_164, %mul3A_163, %dma_start3A_169] : memref<4x1024x256xf32, #tpu.memory_space<vmem_shared>> -> memref<1x512x256xf32, #tpu.memory_space<vmem_shared>>
    %dma_start3A_171 = tpu.memref_squeeze %dma_start3A_170 : memref<1x512x256xf32, #tpu.memory_space<vmem_shared>> -> memref<512x256xf32, #tpu.memory_space<vmem_shared>>
    tpu.enqueue_dma source(%dma_start3A_171 : memref<512x256xf32, #tpu.memory_space<vmem_shared>>) target(%dma_start3A_168 : memref<512x256xf32, #tpu.memory_space<hbm>>) target_semaphore(%arg13 : memref<!tpu.dma_semaphore, #tpu.memory_space<semaphore_mem>>)
    %mul3A_172 = arith.constant 4 : i32
    %mul3A_173 = arith.muli %mul3A_172, %arg1 : i32
    %add3A_174 = arith.constant 1 : i32
    %add3A_175 = arith.addi %mul3A_173, %add3A_174 : i32
    %mul3A_176 = arith.constant 8 : i32
    %mul3A_177 = arith.muli %mul3A_176, %add3A_175 : i32
    %add3A_178 = arith.addi %mul3A_177, %select_n3A_147 : i32
    %sub3A_179 = arith.constant 64 : i32
    %sub3A_180 = arith.subi %sub3A_179, %add3A_175 : i32
    %sub3A_181 = arith.subi %sub3A_180, %select_n3A_151 : i32
    %mul3A_182 = arith.constant 8 : i32
    %mul3A_183 = arith.muli %mul3A_182, %sub3A_181 : i32
    %dma_start3A_184 = arith.constant 0 : i32
    %dma_start3A_185 = arith.constant 0 : i32
    %dma_start3A_186 = arith.constant 0 : i32
    %dma_start3A_187 = tpu.memref_slice %arg3[%add3A_178, %dma_start3A_185, %dma_start3A_186] : memref<512x512x256xf32, #tpu.memory_space<hbm>> -> memref<1x512x256xf32, #tpu.memory_space<hbm>>
    %dma_start3A_188 = tpu.memref_squeeze %dma_start3A_187 : memref<1x512x256xf32, #tpu.memory_space<hbm>> -> memref<512x256xf32, #tpu.memory_space<hbm>>
    %dma_start3A_189 = arith.constant 0 : i32
    %dma_start3A_190 = tpu.memref_slice %arg4[%dma_start3A_184, %mul3A_183, %dma_start3A_189] : memref<4x1024x256xf32, #tpu.memory_space<vmem_shared>> -> memref<1x512x256xf32, #tpu.memory_space<vmem_shared>>
    %dma_start3A_191 = tpu.memref_squeeze %dma_start3A_190 : memref<1x512x256xf32, #tpu.memory_space<vmem_shared>> -> memref<512x256xf32, #tpu.memory_space<vmem_shared>>
    tpu.enqueue_dma source(%dma_start3A_191 : memref<512x256xf32, #tpu.memory_space<vmem_shared>>) target(%dma_start3A_188 : memref<512x256xf32, #tpu.memory_space<hbm>>) target_semaphore(%arg13 : memref<!tpu.dma_semaphore, #tpu.memory_space<semaphore_mem>>)
    %mul3A_192 = arith.constant 4 : i32
    %mul3A_193 = arith.muli %mul3A_192, %arg1 : i32
    %add3A_194 = arith.constant 2 : i32
    %add3A_195 = arith.addi %mul3A_193, %add3A_194 : i32
    %mul3A_196 = arith.constant 8 : i32
    %mul3A_197 = arith.muli %mul3A_196, %add3A_195 : i32
    %add3A_198 = arith.addi %mul3A_197, %select_n3A_147 : i32
    %sub3A_199 = arith.constant 64 : i32
    %sub3A_200 = arith.subi %sub3A_199, %add3A_195 : i32
    %sub3A_201 = arith.subi %sub3A_200, %select_n3A_151 : i32
    %mul3A_202 = arith.constant 8 : i32
    %mul3A_203 = arith.muli %mul3A_202, %sub3A_201 : i32
    %dma_start3A_204 = arith.constant 0 : i32
    %dma_start3A_205 = arith.constant 0 : i32
    %dma_start3A_206 = arith.constant 0 : i32
    %dma_start3A_207 = tpu.memref_slice %arg3[%add3A_198, %dma_start3A_205, %dma_start3A_206] : memref<512x512x256xf32, #tpu.memory_space<hbm>> -> memref<1x512x256xf32, #tpu.memory_space<hbm>>
    %dma_start3A_208 = tpu.memref_squeeze %dma_start3A_207 : memref<1x512x256xf32, #tpu.memory_space<hbm>> -> memref<512x256xf32, #tpu.memory_space<hbm>>
    %dma_start3A_209 = arith.constant 0 : i32
    %dma_start3A_210 = tpu.memref_slice %arg4[%dma_start3A_204, %mul3A_203, %dma_start3A_209] : memref<4x1024x256xf32, #tpu.memory_space<vmem_shared>> -> memref<1x512x256xf32, #tpu.memory_space<vmem_shared>>
    %dma_start3A_211 = tpu.memref_squeeze %dma_start3A_210 : memref<1x512x256xf32, #tpu.memory_space<vmem_shared>> -> memref<512x256xf32, #tpu.memory_space<vmem_shared>>
    tpu.enqueue_dma source(%dma_start3A_211 : memref<512x256xf32, #tpu.memory_space<vmem_shared>>) target(%dma_start3A_208 : memref<512x256xf32, #tpu.memory_space<hbm>>) target_semaphore(%arg13 : memref<!tpu.dma_semaphore, #tpu.memory_space<semaphore_mem>>)
    %mul3A_212 = arith.constant 4 : i32
    %mul3A_213 = arith.muli %mul3A_212, %arg1 : i32
    %add3A_214 = arith.constant 3 : i32
    %add3A_215 = arith.addi %mul3A_213, %add3A_214 : i32
    %mul3A_216 = arith.constant 8 : i32
    %mul3A_217 = arith.muli %mul3A_216, %add3A_215 : i32
    %add3A_218 = arith.addi %mul3A_217, %select_n3A_147 : i32
    %sub3A_219 = arith.constant 64 : i32
    %sub3A_220 = arith.subi %sub3A_219, %add3A_215 : i32
    %sub3A_221 = arith.subi %sub3A_220, %select_n3A_151 : i32
    %mul3A_222 = arith.constant 8 : i32
    %mul3A_223 = arith.muli %mul3A_222, %sub3A_221 : i32
    %dma_start3A_224 = arith.constant 0 : i32
    %dma_start3A_225 = arith.constant 0 : i32
    %dma_start3A_226 = arith.constant 0 : i32
    %dma_start3A_227 = tpu.memref_slice %arg3[%add3A_218, %dma_start3A_225, %dma_start3A_226] : memref<512x512x256xf32, #tpu.memory_space<hbm>> -> memref<1x512x256xf32, #tpu.memory_space<hbm>>
    %dma_start3A_228 = tpu.memref_squeeze %dma_start3A_227 : memref<1x512x256xf32, #tpu.memory_space<hbm>> -> memref<512x256xf32, #tpu.memory_space<hbm>>
    %dma_start3A_229 = arith.constant 0 : i32
    %dma_start3A_230 = tpu.memref_slice %arg4[%dma_start3A_224, %mul3A_223, %dma_start3A_229] : memref<4x1024x256xf32, #tpu.memory_space<vmem_shared>> -> memref<1x512x256xf32, #tpu.memory_space<vmem_shared>>
    %dma_start3A_231 = tpu.memref_squeeze %dma_start3A_230 : memref<1x512x256xf32, #tpu.memory_space<vmem_shared>> -> memref<512x256xf32, #tpu.memory_space<vmem_shared>>
    tpu.enqueue_dma source(%dma_start3A_231 : memref<512x256xf32, #tpu.memory_space<vmem_shared>>) target(%dma_start3A_228 : memref<512x256xf32, #tpu.memory_space<hbm>>) target_semaphore(%arg13 : memref<!tpu.dma_semaphore, #tpu.memory_space<semaphore_mem>>)
    %mul3A_232 = arith.constant 4 : i32
    %mul3A_233 = arith.muli %mul3A_232, %arg0 : i32
    %add3A_234 = arith.constant 1 : i32
    %add3A_235 = arith.addi %mul3A_233, %add3A_234 : i32
    %mul3A_236 = arith.constant 64 : i32
    %mul3A_237 = arith.muli %mul3A_236, %arg1 : i32
    %add3A_238 = arith.addi %mul3A_237, %add3A_235 : i32
    %sub3A_239 = arith.constant 256 : i32
    %sub3A_240 = arith.subi %add3A_238, %sub3A_239 : i32
    %scan3A_241 = arith.constant 0 : i32
    %scan3A_242 = arith.constant 0 : i32
    %scan3A_243 = arith.constant 64 : i32
    %scan3A_244 = arith.addi %scan3A_242, %scan3A_243 : i32
    %scan3A_245 = arith.constant 1 : i32
    scf.for %scan3A_777 = %scan3A_242 to %scan3A_244 step %scan3A_245  : i32 {
      %add3A_778 = arith.addi %sub3A_240, %scan3A_777 : i32
      %jit3A_779 = arith.constant 0 : i32
      %jit3A_780 = arith.constant 512 : i32
      %max3A_781 = arith.maxsi %jit3A_779, %add3A_778 : i32
      %min3A_782 = arith.minsi %jit3A_780, %max3A_781 : i32
      %sub3A_783 = arith.subi %min3A_782, %multiple_of3A : i32
      %ge3A = arith.constant 72 : i32
      %ge3A_784 = arith.cmpi sge, %sub3A_783, %ge3A : i32
      %min3A_785 = arith.constant 71 : i32
      %min3A_786 = arith.minsi %sub3A_783, %min3A_785 : i32
      %get3A_787 = arith.index_cast %min3A_786 : i32 to index
      %get3A_788 = arith.constant 0 : index
      %get3A_789 = tpu.vector_load %arg5[%get3A_787, %get3A_788] {strides = array<i32>} : memref<72x256xf32, #tpu.memory_space<vmem>>, vector<1x16xf32>,
      %get3A_790 = vector.shape_cast %get3A_789 : vector<1x16xf32> to vector<16xf32>
      %select_n3A_791 = arith.select %ge3A_784, %get3A_26, %get3A_790 : vector<16xf32>
      %swap3A_792 = arith.index_cast %scan3A_777 : i32 to index
      %swap3A_793 = arith.constant 0 : index
      %swap3A_794 = tpu.vector_load %arg9[%swap3A_792, %swap3A_793] {strides = array<i32>} : memref<64x256xf32, #tpu.memory_space<vmem>>, vector<1x16xf32>,
      %swap3A_795 = vector.shape_cast %swap3A_794 : vector<1x16xf32> to vector<16xf32>
      %swap3A_796 = vector.shape_cast %select_n3A_791 : vector<16xf32> to vector<1x16xf32>
      tpu.vector_store %arg9[%swap3A_792, %swap3A_793], %swap3A_796 {strides = array<i32>} : memref<64x256xf32, #tpu.memory_space<vmem>>, vector<1x16xf32>,
      %get3A_797 = arith.index_cast %min3A_786 : i32 to index
      %get3A_798 = arith.constant 16 : index
      %get3A_799 = tpu.vector_load %arg5[%get3A_797, %get3A_798] {strides = array<i32>} : memref<72x256xf32, #tpu.memory_space<vmem>>, vector<1x16xf32>,
      %get3A_800 = vector.shape_cast %get3A_799 : vector<1x16xf32> to vector<16xf32>
      %select_n3A_801 = arith.select %ge3A_784, %get3A_31, %get3A_800 : vector<16xf32>
      %swap3A_802 = arith.index_cast %scan3A_777 : i32 to index
      %swap3A_803 = arith.constant 16 : index
      %swap3A_804 = tpu.vector_load %arg9[%swap3A_802, %swap3A_803] {strides = array<i32>} : memref<64x256xf32, #tpu.memory_space<vmem>>, vector<1x16xf32>,
      %swap3A_805 = vector.shape_cast %swap3A_804 : vector<1x16xf32> to vector<16xf32>
      %swap3A_806 = vector.shape_cast %select_n3A_801 : vector<16xf32> to vector<1x16xf32>
      tpu.vector_store %arg9[%swap3A_802, %swap3A_803], %swap3A_806 {strides = array<i32>} : memref<64x256xf32, #tpu.memory_space<vmem>>, vector<1x16xf32>,
      %get3A_807 = arith.index_cast %min3A_786 : i32 to index
      %get3A_808 = arith.constant 32 : index
      %get3A_809 = tpu.vector_load %arg5[%get3A_807, %get3A_808] {strides = array<i32>} : memref<72x256xf32, #tpu.memory_space<vmem>>, vector<1x16xf32>,
      %get3A_810 = vector.shape_cast %get3A_809 : vector<1x16xf32> to vector<16xf32>
      %select_n3A_811 = arith.select %ge3A_784, %get3A_36, %get3A_810 : vector<16xf32>
      %swap3A_812 = arith.index_cast %scan3A_777 : i32 to index
      %swap3A_813 = arith.constant 32 : index
      %swap3A_814 = tpu.vector_load %arg9[%swap3A_812, %swap3A_813] {strides = array<i32>} : memref<64x256xf32, #tpu.memory_space<vmem>>, vector<1x16xf32>,
      %swap3A_815 = vector.shape_cast %swap3A_814 : vector<1x16xf32> to vector<16xf32>
      %swap3A_816 = vector.shape_cast %select_n3A_811 : vector<16xf32> to vector<1x16xf32>
      tpu.vector_store %arg9[%swap3A_812, %swap3A_813], %swap3A_816 {strides = array<i32>} : memref<64x256xf32, #tpu.memory_space<vmem>>, vector<1x16xf32>,
      %get3A_817 = arith.index_cast %min3A_786 : i32 to index
      %get3A_818 = arith.constant 48 : index
      %get3A_819 = tpu.vector_load %arg5[%get3A_817, %get3A_818] {strides = array<i32>} : memref<72x256xf32, #tpu.memory_space<vmem>>, vector<1x16xf32>,
      %get3A_820 = vector.shape_cast %get3A_819 : vector<1x16xf32> to vector<16xf32>
      %select_n3A_821 = arith.select %ge3A_784, %get3A_41, %get3A_820 : vector<16xf32>
      %swap3A_822 = arith.index_cast %scan3A_777 : i32 to index
      %swap3A_823 = arith.constant 48 : index
      %swap3A_824 = tpu.vector_load %arg9[%swap3A_822, %swap3A_823] {strides = array<i32>} : memref<64x256xf32, #tpu.memory_space<vmem>>, vector<1x16xf32>,
      %swap3A_825 = vector.shape_cast %swap3A_824 : vector<1x16xf32> to vector<16xf32>
      %swap3A_826 = vector.shape_cast %select_n3A_821 : vector<16xf32> to vector<1x16xf32>
      tpu.vector_store %arg9[%swap3A_822, %swap3A_823], %swap3A_826 {strides = array<i32>} : memref<64x256xf32, #tpu.memory_space<vmem>>, vector<1x16xf32>,
      %get3A_827 = arith.index_cast %min3A_786 : i32 to index
      %get3A_828 = arith.constant 64 : index
      %get3A_829 = tpu.vector_load %arg5[%get3A_827, %get3A_828] {strides = array<i32>} : memref<72x256xf32, #tpu.memory_space<vmem>>, vector<1x16xf32>,
      %get3A_830 = vector.shape_cast %get3A_829 : vector<1x16xf32> to vector<16xf32>
      %select_n3A_831 = arith.select %ge3A_784, %get3A_46, %get3A_830 : vector<16xf32>
      %swap3A_832 = arith.index_cast %scan3A_777 : i32 to index
      %swap3A_833 = arith.constant 64 : index
      %swap3A_834 = tpu.vector_load %arg9[%swap3A_832, %swap3A_833] {strides = array<i32>} : memref<64x256xf32, #tpu.memory_space<vmem>>, vector<1x16xf32>,
      %swap3A_835 = vector.shape_cast %swap3A_834 : vector<1x16xf32> to vector<16xf32>
      %swap3A_836 = vector.shape_cast %select_n3A_831 : vector<16xf32> to vector<1x16xf32>
      tpu.vector_store %arg9[%swap3A_832, %swap3A_833], %swap3A_836 {strides = array<i32>} : memref<64x256xf32, #tpu.memory_space<vmem>>, vector<1x16xf32>,
      %get3A_837 = arith.index_cast %min3A_786 : i32 to index
      %get3A_838 = arith.constant 80 : index
      %get3A_839 = tpu.vector_load %arg5[%get3A_837, %get3A_838] {strides = array<i32>} : memref<72x256xf32, #tpu.memory_space<vmem>>, vector<1x16xf32>,
      %get3A_840 = vector.shape_cast %get3A_839 : vector<1x16xf32> to vector<16xf32>
      %select_n3A_841 = arith.select %ge3A_784, %get3A_51, %get3A_840 : vector<16xf32>
      %swap3A_842 = arith.index_cast %scan3A_777 : i32 to index
      %swap3A_843 = arith.constant 80 : index
      %swap3A_844 = tpu.vector_load %arg9[%swap3A_842, %swap3A_843] {strides = array<i32>} : memref<64x256xf32, #tpu.memory_space<vmem>>, vector<1x16xf32>,
      %swap3A_845 = vector.shape_cast %swap3A_844 : vector<1x16xf32> to vector<16xf32>
      %swap3A_846 = vector.shape_cast %select_n3A_841 : vector<16xf32> to vector<1x16xf32>
      tpu.vector_store %arg9[%swap3A_842, %swap3A_843], %swap3A_846 {strides = array<i32>} : memref<64x256xf32, #tpu.memory_space<vmem>>, vector<1x16xf32>,
      %get3A_847 = arith.index_cast %min3A_786 : i32 to index
      %get3A_848 = arith.constant 96 : index
      %get3A_849 = tpu.vector_load %arg5[%get3A_847, %get3A_848] {strides = array<i32>} : memref<72x256xf32, #tpu.memory_space<vmem>>, vector<1x16xf32>,
      %get3A_850 = vector.shape_cast %get3A_849 : vector<1x16xf32> to vector<16xf32>
      %select_n3A_851 = arith.select %ge3A_784, %get3A_56, %get3A_850 : vector<16xf32>
      %swap3A_852 = arith.index_cast %scan3A_777 : i32 to index
      %swap3A_853 = arith.constant 96 : index
      %swap3A_854 = tpu.vector_load %arg9[%swap3A_852, %swap3A_853] {strides = array<i32>} : memref<64x256xf32, #tpu.memory_space<vmem>>, vector<1x16xf32>,
      %swap3A_855 = vector.shape_cast %swap3A_854 : vector<1x16xf32> to vector<16xf32>
      %swap3A_856 = vector.shape_cast %select_n3A_851 : vector<16xf32> to vector<1x16xf32>
      tpu.vector_store %arg9[%swap3A_852, %swap3A_853], %swap3A_856 {strides = array<i32>} : memref<64x256xf32, #tpu.memory_space<vmem>>, vector<1x16xf32>,
      %get3A_857 = arith.index_cast %min3A_786 : i32 to index
      %get3A_858 = arith.constant 112 : index
      %get3A_859 = tpu.vector_load %arg5[%get3A_857, %get3A_858] {strides = array<i32>} : memref<72x256xf32, #tpu.memory_space<vmem>>, vector<1x16xf32>,
      %get3A_860 = vector.shape_cast %get3A_859 : vector<1x16xf32> to vector<16xf32>
      %select_n3A_861 = arith.select %ge3A_784, %get3A_61, %get3A_860 : vector<16xf32>
      %swap3A_862 = arith.index_cast %scan3A_777 : i32 to index
      %swap3A_863 = arith.constant 112 : index
      %swap3A_864 = tpu.vector_load %arg9[%swap3A_862, %swap3A_863] {strides = array<i32>} : memref<64x256xf32, #tpu.memory_space<vmem>>, vector<1x16xf32>,
      %swap3A_865 = vector.shape_cast %swap3A_864 : vector<1x16xf32> to vector<16xf32>
      %swap3A_866 = vector.shape_cast %select_n3A_861 : vector<16xf32> to vector<1x16xf32>
      tpu.vector_store %arg9[%swap3A_862, %swap3A_863], %swap3A_866 {strides = array<i32>} : memref<64x256xf32, #tpu.memory_space<vmem>>, vector<1x16xf32>,
      %get3A_867 = arith.index_cast %min3A_786 : i32 to index
      %get3A_868 = arith.constant 128 : index
      %get3A_869 = tpu.vector_load %arg5[%get3A_867, %get3A_868] {strides = array<i32>} : memref<72x256xf32, #tpu.memory_space<vmem>>, vector<1x16xf32>,
      %get3A_870 = vector.shape_cast %get3A_869 : vector<1x16xf32> to vector<16xf32>
      %select_n3A_871 = arith.select %ge3A_784, %get3A_66, %get3A_870 : vector<16xf32>
      %swap3A_872 = arith.index_cast %scan3A_777 : i32 to index
      %swap3A_873 = arith.constant 128 : index
      %swap3A_874 = tpu.vector_load %arg9[%swap3A_872, %swap3A_873] {strides = array<i32>} : memref<64x256xf32, #tpu.memory_space<vmem>>, vector<1x16xf32>,
      %swap3A_875 = vector.shape_cast %swap3A_874 : vector<1x16xf32> to vector<16xf32>
      %swap3A_876 = vector.shape_cast %select_n3A_871 : vector<16xf32> to vector<1x16xf32>
      tpu.vector_store %arg9[%swap3A_872, %swap3A_873], %swap3A_876 {strides = array<i32>} : memref<64x256xf32, #tpu.memory_space<vmem>>, vector<1x16xf32>,
      %get3A_877 = arith.index_cast %min3A_786 : i32 to index
      %get3A_878 = arith.constant 144 : index
      %get3A_879 = tpu.vector_load %arg5[%get3A_877, %get3A_878] {strides = array<i32>} : memref<72x256xf32, #tpu.memory_space<vmem>>, vector<1x16xf32>,
      %get3A_880 = vector.shape_cast %get3A_879 : vector<1x16xf32> to vector<16xf32>
      %select_n3A_881 = arith.select %ge3A_784, %get3A_71, %get3A_880 : vector<16xf32>
      %swap3A_882 = arith.index_cast %scan3A_777 : i32 to index
      %swap3A_883 = arith.constant 144 : index
      %swap3A_884 = tpu.vector_load %arg9[%swap3A_882, %swap3A_883] {strides = array<i32>} : memref<64x256xf32, #tpu.memory_space<vmem>>, vector<1x16xf32>,
      %swap3A_885 = vector.shape_cast %swap3A_884 : vector<1x16xf32> to vector<16xf32>
      %swap3A_886 = vector.shape_cast %select_n3A_881 : vector<16xf32> to vector<1x16xf32>
      tpu.vector_store %arg9[%swap3A_882, %swap3A_883], %swap3A_886 {strides = array<i32>} : memref<64x256xf32, #tpu.memory_space<vmem>>, vector<1x16xf32>,
      %get3A_887 = arith.index_cast %min3A_786 : i32 to index
      %get3A_888 = arith.constant 160 : index
      %get3A_889 = tpu.vector_load %arg5[%get3A_887, %get3A_888] {strides = array<i32>} : memref<72x256xf32, #tpu.memory_space<vmem>>, vector<1x16xf32>,
      %get3A_890 = vector.shape_cast %get3A_889 : vector<1x16xf32> to vector<16xf32>
      %select_n3A_891 = arith.select %ge3A_784, %get3A_76, %get3A_890 : vector<16xf32>
      %swap3A_892 = arith.index_cast %scan3A_777 : i32 to index
      %swap3A_893 = arith.constant 160 : index
      %swap3A_894 = tpu.vector_load %arg9[%swap3A_892, %swap3A_893] {strides = array<i32>} : memref<64x256xf32, #tpu.memory_space<vmem>>, vector<1x16xf32>,
      %swap3A_895 = vector.shape_cast %swap3A_894 : vector<1x16xf32> to vector<16xf32>
      %swap3A_896 = vector.shape_cast %select_n3A_891 : vector<16xf32> to vector<1x16xf32>
      tpu.vector_store %arg9[%swap3A_892, %swap3A_893], %swap3A_896 {strides = array<i32>} : memref<64x256xf32, #tpu.memory_space<vmem>>, vector<1x16xf32>,
      %get3A_897 = arith.index_cast %min3A_786 : i32 to index
      %get3A_898 = arith.constant 176 : index
      %get3A_899 = tpu.vector_load %arg5[%get3A_897, %get3A_898] {strides = array<i32>} : memref<72x256xf32, #tpu.memory_space<vmem>>, vector<1x16xf32>,
      %get3A_900 = vector.shape_cast %get3A_899 : vector<1x16xf32> to vector<16xf32>
      %select_n3A_901 = arith.select %ge3A_784, %get3A_81, %get3A_900 : vector<16xf32>
      %swap3A_902 = arith.index_cast %scan3A_777 : i32 to index
      %swap3A_903 = arith.constant 176 : index
      %swap3A_904 = tpu.vector_load %arg9[%swap3A_902, %swap3A_903] {strides = array<i32>} : memref<64x256xf32, #tpu.memory_space<vmem>>, vector<1x16xf32>,
      %swap3A_905 = vector.shape_cast %swap3A_904 : vector<1x16xf32> to vector<16xf32>
      %swap3A_906 = vector.shape_cast %select_n3A_901 : vector<16xf32> to vector<1x16xf32>
      tpu.vector_store %arg9[%swap3A_902, %swap3A_903], %swap3A_906 {strides = array<i32>} : memref<64x256xf32, #tpu.memory_space<vmem>>, vector<1x16xf32>,
      %get3A_907 = arith.index_cast %min3A_786 : i32 to index
      %get3A_908 = arith.constant 192 : index
      %get3A_909 = tpu.vector_load %arg5[%get3A_907, %get3A_908] {strides = array<i32>} : memref<72x256xf32, #tpu.memory_space<vmem>>, vector<1x16xf32>,
      %get3A_910 = vector.shape_cast %get3A_909 : vector<1x16xf32> to vector<16xf32>
      %select_n3A_911 = arith.select %ge3A_784, %get3A_86, %get3A_910 : vector<16xf32>
      %swap3A_912 = arith.index_cast %scan3A_777 : i32 to index
      %swap3A_913 = arith.constant 192 : index
      %swap3A_914 = tpu.vector_load %arg9[%swap3A_912, %swap3A_913] {strides = array<i32>} : memref<64x256xf32, #tpu.memory_space<vmem>>, vector<1x16xf32>,
      %swap3A_915 = vector.shape_cast %swap3A_914 : vector<1x16xf32> to vector<16xf32>
      %swap3A_916 = vector.shape_cast %select_n3A_911 : vector<16xf32> to vector<1x16xf32>
      tpu.vector_store %arg9[%swap3A_912, %swap3A_913], %swap3A_916 {strides = array<i32>} : memref<64x256xf32, #tpu.memory_space<vmem>>, vector<1x16xf32>,
      %get3A_917 = arith.index_cast %min3A_786 : i32 to index
      %get3A_918 = arith.constant 208 : index
      %get3A_919 = tpu.vector_load %arg5[%get3A_917, %get3A_918] {strides = array<i32>} : memref<72x256xf32, #tpu.memory_space<vmem>>, vector<1x16xf32>,
      %get3A_920 = vector.shape_cast %get3A_919 : vector<1x16xf32> to vector<16xf32>
      %select_n3A_921 = arith.select %ge3A_784, %get3A_91, %get3A_920 : vector<16xf32>
      %swap3A_922 = arith.index_cast %scan3A_777 : i32 to index
      %swap3A_923 = arith.constant 208 : index
      %swap3A_924 = tpu.vector_load %arg9[%swap3A_922, %swap3A_923] {strides = array<i32>} : memref<64x256xf32, #tpu.memory_space<vmem>>, vector<1x16xf32>,
      %swap3A_925 = vector.shape_cast %swap3A_924 : vector<1x16xf32> to vector<16xf32>
      %swap3A_926 = vector.shape_cast %select_n3A_921 : vector<16xf32> to vector<1x16xf32>
      tpu.vector_store %arg9[%swap3A_922, %swap3A_923], %swap3A_926 {strides = array<i32>} : memref<64x256xf32, #tpu.memory_space<vmem>>, vector<1x16xf32>,
      %get3A_927 = arith.index_cast %min3A_786 : i32 to index
      %get3A_928 = arith.constant 224 : index
      %get3A_929 = tpu.vector_load %arg5[%get3A_927, %get3A_928] {strides = array<i32>} : memref<72x256xf32, #tpu.memory_space<vmem>>, vector<1x16xf32>,
      %get3A_930 = vector.shape_cast %get3A_929 : vector<1x16xf32> to vector<16xf32>
      %select_n3A_931 = arith.select %ge3A_784, %get3A_96, %get3A_930 : vector<16xf32>
      %swap3A_932 = arith.index_cast %scan3A_777 : i32 to index
      %swap3A_933 = arith.constant 224 : index
      %swap3A_934 = tpu.vector_load %arg9[%swap3A_932, %swap3A_933] {strides = array<i32>} : memref<64x256xf32, #tpu.memory_space<vmem>>, vector<1x16xf32>,
      %swap3A_935 = vector.shape_cast %swap3A_934 : vector<1x16xf32> to vector<16xf32>
      %swap3A_936 = vector.shape_cast %select_n3A_931 : vector<16xf32> to vector<1x16xf32>
      tpu.vector_store %arg9[%swap3A_932, %swap3A_933], %swap3A_936 {strides = array<i32>} : memref<64x256xf32, #tpu.memory_space<vmem>>, vector<1x16xf32>,
      %get3A_937 = arith.index_cast %min3A_786 : i32 to index
      %get3A_938 = arith.constant 240 : index
      %get3A_939 = tpu.vector_load %arg5[%get3A_937, %get3A_938] {strides = array<i32>} : memref<72x256xf32, #tpu.memory_space<vmem>>, vector<1x16xf32>,
      %get3A_940 = vector.shape_cast %get3A_939 : vector<1x16xf32> to vector<16xf32>
      %select_n3A_941 = arith.select %ge3A_784, %get3A_101, %get3A_940 : vector<16xf32>
      %swap3A_942 = arith.index_cast %scan3A_777 : i32 to index
      %swap3A_943 = arith.constant 240 : index
      %swap3A_944 = tpu.vector_load %arg9[%swap3A_942, %swap3A_943] {strides = array<i32>} : memref<64x256xf32, #tpu.memory_space<vmem>>, vector<1x16xf32>,
      %swap3A_945 = vector.shape_cast %swap3A_944 : vector<1x16xf32> to vector<16xf32>
      %swap3A_946 = vector.shape_cast %select_n3A_941 : vector<16xf32> to vector<1x16xf32>
      tpu.vector_store %arg9[%swap3A_942, %swap3A_943], %swap3A_946 {strides = array<i32>} : memref<64x256xf32, #tpu.memory_space<vmem>>, vector<1x16xf32>,
    }
    %scan3A_246 = arith.constant 64 : i32
    %mul3A_247 = arith.constant 64 : i32
    %mul3A_248 = arith.muli %mul3A_247, %arg1 : i32
    %dma_start3A_249 = arith.constant 1 : i32
    %dma_start3A_250 = arith.constant 0 : i32
    %dma_start3A_251 = tpu.memref_slice %arg4[%dma_start3A_249, %mul3A_248, %dma_start3A_250] : memref<4x1024x256xf32, #tpu.memory_space<vmem_shared>> -> memref<1x64x256xf32, #tpu.memory_space<vmem_shared>>
    %dma_start3A_252 = tpu.memref_squeeze %dma_start3A_251 : memref<1x64x256xf32, #tpu.memory_space<vmem_shared>> -> memref<64x256xf32, #tpu.memory_space<vmem_shared>>
    %dma_start3A_253 = arith.constant 0 : i32
    %dma_start3A_254 = tpu.memref_slice %arg4[%dma_start3A_249, %mul3A_248, %dma_start3A_253] : memref<4x1024x256xf32, #tpu.memory_space<vmem_shared>> -> memref<1x64x256xf32, #tpu.memory_space<vmem_shared>>
    %dma_start3A_255 = tpu.memref_squeeze %dma_start3A_254 : memref<1x64x256xf32, #tpu.memory_space<vmem_shared>> -> memref<64x256xf32, #tpu.memory_space<vmem_shared>>
    tpu.enqueue_dma source(%arg9 : memref<64x256xf32, #tpu.memory_space<vmem>>) target(%dma_start3A_255 : memref<64x256xf32, #tpu.memory_space<vmem_shared>>) target_semaphore(%arg12 : memref<!tpu.dma_semaphore, #tpu.memory_space<semaphore_mem>>)
    %dma_wait3A_256 = arith.constant 1 : i32
    %dma_wait3A_257 = arith.constant 0 : i32
    %dma_wait3A_258 = tpu.memref_slice %arg4[%dma_wait3A_256, %mul3A_248, %dma_wait3A_257] : memref<4x1024x256xf32, #tpu.memory_space<vmem_shared>> -> memref<1x64x256xf32, #tpu.memory_space<vmem_shared>>
    %dma_wait3A_259 = tpu.memref_squeeze %dma_wait3A_258 : memref<1x64x256xf32, #tpu.memory_space<vmem_shared>> -> memref<64x256xf32, #tpu.memory_space<vmem_shared>>
    %dma_wait3A_260 = arith.constant 0 : i32
    %dma_wait3A_261 = tpu.memref_slice %arg4[%dma_wait3A_256, %mul3A_248, %dma_wait3A_260] : memref<4x1024x256xf32, #tpu.memory_space<vmem_shared>> -> memref<1x64x256xf32, #tpu.memory_space<vmem_shared>>
    %dma_wait3A_262 = tpu.memref_squeeze %dma_wait3A_261 : memref<1x64x256xf32, #tpu.memory_space<vmem_shared>> -> memref<64x256xf32, #tpu.memory_space<vmem_shared>>
    tpu.wait_dma2 semaphore(%arg12 : memref<!tpu.dma_semaphore, #tpu.memory_space<semaphore_mem>>) src(%arg9 : memref<64x256xf32, #tpu.memory_space<vmem>>) dst(%dma_wait3A_262 : memref<64x256xf32, #tpu.memory_space<vmem_shared>>)
    %barrier3A_263 = arith.constant 0 : index
    tpu.barrier barrier_id(%barrier3A_263)
    %mul3A_264 = arith.constant 4 : i32
    %mul3A_265 = arith.muli %mul3A_264, %arg0 : i32
    %add3A_266 = arith.constant 1 : i32
    %add3A_267 = arith.addi %mul3A_265, %add3A_266 : i32
    %sub3A_268 = arith.constant 8 : i32
    %sub3A_269 = arith.subi %sub3A_268, %add3A_267 : i32
    %jit3A_270 = arith.constant 8 : i32
    %eq3A_271 = arith.constant 0 : i32
    %eq3A_272 = arith.cmpi eq, %jit3A_270, %eq3A_271 : i32
    %jit3A_273 = arith.constant 1 : i32
    %select_n3A_274 = arith.select %eq3A_272, %jit3A_273, %jit3A_270 : i32
    %rem3A_275 = arith.remsi %sub3A_269, %select_n3A_274 : i32
    %ne3A_276 = arith.constant 0 : i32
    %ne3A_277 = arith.cmpi ne, %rem3A_275, %ne3A_276 : i32
    %lt3A_278 = arith.constant 0 : i32
    %lt3A_279 = arith.cmpi slt, %rem3A_275, %lt3A_278 : i32
    %lt3A_280 = arith.constant 0 : i32
    %lt3A_281 = arith.cmpi slt, %select_n3A_274, %lt3A_280 : i32
    %ne3A_282 = arith.xori %lt3A_279, %lt3A_281 : i1
    %and3A_283 = arith.andi %ne3A_282, %ne3A_277 : i1
    %add3A_284 = arith.addi %rem3A_275, %select_n3A_274 : i32
    %select_n3A_285 = arith.select %and3A_283, %add3A_284, %rem3A_275 : i32
    %gt3A_286 = arith.constant 0 : i32
    %gt3A_287 = arith.cmpi sgt, %add3A_267, %gt3A_286 : i32
    %jit3A_288 = arith.constant 1 : i32
    %jit3A_289 = arith.constant 0 : i32
    %select_n3A_290 = arith.select %gt3A_287, %jit3A_288, %jit3A_289 : i32
    %mul3A_291 = arith.constant 4 : i32
    %mul3A_292 = arith.muli %mul3A_291, %arg1 : i32
    %add3A_293 = arith.constant 0 : i32
    %add3A_294 = arith.addi %mul3A_292, %add3A_293 : i32
    %mul3A_295 = arith.constant 8 : i32
    %mul3A_296 = arith.muli %mul3A_295, %add3A_294 : i32
    %add3A_297 = arith.addi %mul3A_296, %select_n3A_285 : i32
    %sub3A_298 = arith.constant 64 : i32
    %sub3A_299 = arith.subi %sub3A_298, %add3A_294 : i32
    %sub3A_300 = arith.subi %sub3A_299, %select_n3A_290 : i32
    %mul3A_301 = arith.constant 8 : i32
    %mul3A_302 = arith.muli %mul3A_301, %sub3A_300 : i32
    %dma_start3A_303 = arith.constant 1 : i32
    %dma_start3A_304 = arith.constant 0 : i32
    %dma_start3A_305 = arith.constant 0 : i32
    %dma_start3A_306 = tpu.memref_slice %arg3[%add3A_297, %dma_start3A_304, %dma_start3A_305] : memref<512x512x256xf32, #tpu.memory_space<hbm>> -> memref<1x512x256xf32, #tpu.memory_space<hbm>>
    %dma_start3A_307 = tpu.memref_squeeze %dma_start3A_306 : memref<1x512x256xf32, #tpu.memory_space<hbm>> -> memref<512x256xf32, #tpu.memory_space<hbm>>
    %dma_start3A_308 = arith.constant 0 : i32
    %dma_start3A_309 = tpu.memref_slice %arg4[%dma_start3A_303, %mul3A_302, %dma_start3A_308] : memref<4x1024x256xf32, #tpu.memory_space<vmem_shared>> -> memref<1x512x256xf32, #tpu.memory_space<vmem_shared>>
    %dma_start3A_310 = tpu.memref_squeeze %dma_start3A_309 : memref<1x512x256xf32, #tpu.memory_space<vmem_shared>> -> memref<512x256xf32, #tpu.memory_space<vmem_shared>>
    tpu.enqueue_dma source(%dma_start3A_310 : memref<512x256xf32, #tpu.memory_space<vmem_shared>>) target(%dma_start3A_307 : memref<512x256xf32, #tpu.memory_space<hbm>>) target_semaphore(%arg13 : memref<!tpu.dma_semaphore, #tpu.memory_space<semaphore_mem>>)
    %mul3A_311 = arith.constant 4 : i32
    %mul3A_312 = arith.muli %mul3A_311, %arg1 : i32
    %add3A_313 = arith.constant 1 : i32
    %add3A_314 = arith.addi %mul3A_312, %add3A_313 : i32
    %mul3A_315 = arith.constant 8 : i32
    %mul3A_316 = arith.muli %mul3A_315, %add3A_314 : i32
    %add3A_317 = arith.addi %mul3A_316, %select_n3A_285 : i32
    %sub3A_318 = arith.constant 64 : i32
    %sub3A_319 = arith.subi %sub3A_318, %add3A_314 : i32
    %sub3A_320 = arith.subi %sub3A_319, %select_n3A_290 : i32
    %mul3A_321 = arith.constant 8 : i32
    %mul3A_322 = arith.muli %mul3A_321, %sub3A_320 : i32
    %dma_start3A_323 = arith.constant 1 : i32
    %dma_start3A_324 = arith.constant 0 : i32
    %dma_start3A_325 = arith.constant 0 : i32
    %dma_start3A_326 = tpu.memref_slice %arg3[%add3A_317, %dma_start3A_324, %dma_start3A_325] : memref<512x512x256xf32, #tpu.memory_space<hbm>> -> memref<1x512x256xf32, #tpu.memory_space<hbm>>
    %dma_start3A_327 = tpu.memref_squeeze %dma_start3A_326 : memref<1x512x256xf32, #tpu.memory_space<hbm>> -> memref<512x256xf32, #tpu.memory_space<hbm>>
    %dma_start3A_328 = arith.constant 0 : i32
    %dma_start3A_329 = tpu.memref_slice %arg4[%dma_start3A_323, %mul3A_322, %dma_start3A_328] : memref<4x1024x256xf32, #tpu.memory_space<vmem_shared>> -> memref<1x512x256xf32, #tpu.memory_space<vmem_shared>>
    %dma_start3A_330 = tpu.memref_squeeze %dma_start3A_329 : memref<1x512x256xf32, #tpu.memory_space<vmem_shared>> -> memref<512x256xf32, #tpu.memory_space<vmem_shared>>
    tpu.enqueue_dma source(%dma_start3A_330 : memref<512x256xf32, #tpu.memory_space<vmem_shared>>) target(%dma_start3A_327 : memref<512x256xf32, #tpu.memory_space<hbm>>) target_semaphore(%arg13 : memref<!tpu.dma_semaphore, #tpu.memory_space<semaphore_mem>>)
    %mul3A_331 = arith.constant 4 : i32
    %mul3A_332 = arith.muli %mul3A_331, %arg1 : i32
    %add3A_333 = arith.constant 2 : i32
    %add3A_334 = arith.addi %mul3A_332, %add3A_333 : i32
    %mul3A_335 = arith.constant 8 : i32
    %mul3A_336 = arith.muli %mul3A_335, %add3A_334 : i32
    %add3A_337 = arith.addi %mul3A_336, %select_n3A_285 : i32
    %sub3A_338 = arith.constant 64 : i32
    %sub3A_339 = arith.subi %sub3A_338, %add3A_334 : i32
    %sub3A_340 = arith.subi %sub3A_339, %select_n3A_290 : i32
    %mul3A_341 = arith.constant 8 : i32
    %mul3A_342 = arith.muli %mul3A_341, %sub3A_340 : i32
    %dma_start3A_343 = arith.constant 1 : i32
    %dma_start3A_344 = arith.constant 0 : i32
    %dma_start3A_345 = arith.constant 0 : i32
    %dma_start3A_346 = tpu.memref_slice %arg3[%add3A_337, %dma_start3A_344, %dma_start3A_345] : memref<512x512x256xf32, #tpu.memory_space<hbm>> -> memref<1x512x256xf32, #tpu.memory_space<hbm>>
    %dma_start3A_347 = tpu.memref_squeeze %dma_start3A_346 : memref<1x512x256xf32, #tpu.memory_space<hbm>> -> memref<512x256xf32, #tpu.memory_space<hbm>>
    %dma_start3A_348 = arith.constant 0 : i32
    %dma_start3A_349 = tpu.memref_slice %arg4[%dma_start3A_343, %mul3A_342, %dma_start3A_348] : memref<4x1024x256xf32, #tpu.memory_space<vmem_shared>> -> memref<1x512x256xf32, #tpu.memory_space<vmem_shared>>
    %dma_start3A_350 = tpu.memref_squeeze %dma_start3A_349 : memref<1x512x256xf32, #tpu.memory_space<vmem_shared>> -> memref<512x256xf32, #tpu.memory_space<vmem_shared>>
    tpu.enqueue_dma source(%dma_start3A_350 : memref<512x256xf32, #tpu.memory_space<vmem_shared>>) target(%dma_start3A_347 : memref<512x256xf32, #tpu.memory_space<hbm>>) target_semaphore(%arg13 : memref<!tpu.dma_semaphore, #tpu.memory_space<semaphore_mem>>)
    %mul3A_351 = arith.constant 4 : i32
    %mul3A_352 = arith.muli %mul3A_351, %arg1 : i32
    %add3A_353 = arith.constant 3 : i32
    %add3A_354 = arith.addi %mul3A_352, %add3A_353 : i32
    %mul3A_355 = arith.constant 8 : i32
    %mul3A_356 = arith.muli %mul3A_355, %add3A_354 : i32
    %add3A_357 = arith.addi %mul3A_356, %select_n3A_285 : i32
    %sub3A_358 = arith.constant 64 : i32
    %sub3A_359 = arith.subi %sub3A_358, %add3A_354 : i32
    %sub3A_360 = arith.subi %sub3A_359, %select_n3A_290 : i32
    %mul3A_361 = arith.constant 8 : i32
    %mul3A_362 = arith.muli %mul3A_361, %sub3A_360 : i32
    %dma_start3A_363 = arith.constant 1 : i32
    %dma_start3A_364 = arith.constant 0 : i32
    %dma_start3A_365 = arith.constant 0 : i32
    %dma_start3A_366 = tpu.memref_slice %arg3[%add3A_357, %dma_start3A_364, %dma_start3A_365] : memref<512x512x256xf32, #tpu.memory_space<hbm>> -> memref<1x512x256xf32, #tpu.memory_space<hbm>>
    %dma_start3A_367 = tpu.memref_squeeze %dma_start3A_366 : memref<1x512x256xf32, #tpu.memory_space<hbm>> -> memref<512x256xf32, #tpu.memory_space<hbm>>
    %dma_start3A_368 = arith.constant 0 : i32
    %dma_start3A_369 = tpu.memref_slice %arg4[%dma_start3A_363, %mul3A_362, %dma_start3A_368] : memref<4x1024x256xf32, #tpu.memory_space<vmem_shared>> -> memref<1x512x256xf32, #tpu.memory_space<vmem_shared>>
    %dma_start3A_370 = tpu.memref_squeeze %dma_start3A_369 : memref<1x512x256xf32, #tpu.memory_space<vmem_shared>> -> memref<512x256xf32, #tpu.memory_space<vmem_shared>>
    tpu.enqueue_dma source(%dma_start3A_370 : memref<512x256xf32, #tpu.memory_space<vmem_shared>>) target(%dma_start3A_367 : memref<512x256xf32, #tpu.memory_space<hbm>>) target_semaphore(%arg13 : memref<!tpu.dma_semaphore, #tpu.memory_space<semaphore_mem>>)
    %mul3A_371 = arith.constant 4 : i32
    %mul3A_372 = arith.muli %mul3A_371, %arg0 : i32
    %add3A_373 = arith.constant 2 : i32
    %add3A_374 = arith.addi %mul3A_372, %add3A_373 : i32
    %mul3A_375 = arith.constant 64 : i32
    %mul3A_376 = arith.muli %mul3A_375, %arg1 : i32
    %add3A_377 = arith.addi %mul3A_376, %add3A_374 : i32
    %sub3A_378 = arith.constant 256 : i32
    %sub3A_379 = arith.subi %add3A_377, %sub3A_378 : i32
    %scan3A_380 = arith.constant 0 : i32
    %scan3A_381 = arith.constant 0 : i32
    %scan3A_382 = arith.constant 64 : i32
    %scan3A_383 = arith.addi %scan3A_381, %scan3A_382 : i32
    %scan3A_384 = arith.constant 1 : i32
    scf.for %scan3A_777 = %scan3A_381 to %scan3A_383 step %scan3A_384  : i32 {
      %add3A_778 = arith.addi %sub3A_379, %scan3A_777 : i32
      %jit3A_779 = arith.constant 0 : i32
      %jit3A_780 = arith.constant 512 : i32
      %max3A_781 = arith.maxsi %jit3A_779, %add3A_778 : i32
      %min3A_782 = arith.minsi %jit3A_780, %max3A_781 : i32
      %sub3A_783 = arith.subi %min3A_782, %multiple_of3A : i32
      %ge3A = arith.constant 72 : i32
      %ge3A_784 = arith.cmpi sge, %sub3A_783, %ge3A : i32
      %min3A_785 = arith.constant 71 : i32
      %min3A_786 = arith.minsi %sub3A_783, %min3A_785 : i32
      %get3A_787 = arith.index_cast %min3A_786 : i32 to index
      %get3A_788 = arith.constant 0 : index
      %get3A_789 = tpu.vector_load %arg5[%get3A_787, %get3A_788] {strides = array<i32>} : memref<72x256xf32, #tpu.memory_space<vmem>>, vector<1x16xf32>,
      %get3A_790 = vector.shape_cast %get3A_789 : vector<1x16xf32> to vector<16xf32>
      %select_n3A_791 = arith.select %ge3A_784, %get3A_26, %get3A_790 : vector<16xf32>
      %swap3A_792 = arith.index_cast %scan3A_777 : i32 to index
      %swap3A_793 = arith.constant 0 : index
      %swap3A_794 = tpu.vector_load %arg8[%swap3A_792, %swap3A_793] {strides = array<i32>} : memref<64x256xf32, #tpu.memory_space<vmem>>, vector<1x16xf32>,
      %swap3A_795 = vector.shape_cast %swap3A_794 : vector<1x16xf32> to vector<16xf32>
      %swap3A_796 = vector.shape_cast %select_n3A_791 : vector<16xf32> to vector<1x16xf32>
      tpu.vector_store %arg8[%swap3A_792, %swap3A_793], %swap3A_796 {strides = array<i32>} : memref<64x256xf32, #tpu.memory_space<vmem>>, vector<1x16xf32>,
      %get3A_797 = arith.index_cast %min3A_786 : i32 to index
      %get3A_798 = arith.constant 16 : index
      %get3A_799 = tpu.vector_load %arg5[%get3A_797, %get3A_798] {strides = array<i32>} : memref<72x256xf32, #tpu.memory_space<vmem>>, vector<1x16xf32>,
      %get3A_800 = vector.shape_cast %get3A_799 : vector<1x16xf32> to vector<16xf32>
      %select_n3A_801 = arith.select %ge3A_784, %get3A_31, %get3A_800 : vector<16xf32>
      %swap3A_802 = arith.index_cast %scan3A_777 : i32 to index
      %swap3A_803 = arith.constant 16 : index
      %swap3A_804 = tpu.vector_load %arg8[%swap3A_802, %swap3A_803] {strides = array<i32>} : memref<64x256xf32, #tpu.memory_space<vmem>>, vector<1x16xf32>,
      %swap3A_805 = vector.shape_cast %swap3A_804 : vector<1x16xf32> to vector<16xf32>
      %swap3A_806 = vector.shape_cast %select_n3A_801 : vector<16xf32> to vector<1x16xf32>
      tpu.vector_store %arg8[%swap3A_802, %swap3A_803], %swap3A_806 {strides = array<i32>} : memref<64x256xf32, #tpu.memory_space<vmem>>, vector<1x16xf32>,
      %get3A_807 = arith.index_cast %min3A_786 : i32 to index
      %get3A_808 = arith.constant 32 : index
      %get3A_809 = tpu.vector_load %arg5[%get3A_807, %get3A_808] {strides = array<i32>} : memref<72x256xf32, #tpu.memory_space<vmem>>, vector<1x16xf32>,
      %get3A_810 = vector.shape_cast %get3A_809 : vector<1x16xf32> to vector<16xf32>
      %select_n3A_811 = arith.select %ge3A_784, %get3A_36, %get3A_810 : vector<16xf32>
      %swap3A_812 = arith.index_cast %scan3A_777 : i32 to index
      %swap3A_813 = arith.constant 32 : index
      %swap3A_814 = tpu.vector_load %arg8[%swap3A_812, %swap3A_813] {strides = array<i32>} : memref<64x256xf32, #tpu.memory_space<vmem>>, vector<1x16xf32>,
      %swap3A_815 = vector.shape_cast %swap3A_814 : vector<1x16xf32> to vector<16xf32>
      %swap3A_816 = vector.shape_cast %select_n3A_811 : vector<16xf32> to vector<1x16xf32>
      tpu.vector_store %arg8[%swap3A_812, %swap3A_813], %swap3A_816 {strides = array<i32>} : memref<64x256xf32, #tpu.memory_space<vmem>>, vector<1x16xf32>,
      %get3A_817 = arith.index_cast %min3A_786 : i32 to index
      %get3A_818 = arith.constant 48 : index
      %get3A_819 = tpu.vector_load %arg5[%get3A_817, %get3A_818] {strides = array<i32>} : memref<72x256xf32, #tpu.memory_space<vmem>>, vector<1x16xf32>,
      %get3A_820 = vector.shape_cast %get3A_819 : vector<1x16xf32> to vector<16xf32>
      %select_n3A_821 = arith.select %ge3A_784, %get3A_41, %get3A_820 : vector<16xf32>
      %swap3A_822 = arith.index_cast %scan3A_777 : i32 to index
      %swap3A_823 = arith.constant 48 : index
      %swap3A_824 = tpu.vector_load %arg8[%swap3A_822, %swap3A_823] {strides = array<i32>} : memref<64x256xf32, #tpu.memory_space<vmem>>, vector<1x16xf32>,
      %swap3A_825 = vector.shape_cast %swap3A_824 : vector<1x16xf32> to vector<16xf32>
      %swap3A_826 = vector.shape_cast %select_n3A_821 : vector<16xf32> to vector<1x16xf32>
      tpu.vector_store %arg8[%swap3A_822, %swap3A_823], %swap3A_826 {strides = array<i32>} : memref<64x256xf32, #tpu.memory_space<vmem>>, vector<1x16xf32>,
      %get3A_827 = arith.index_cast %min3A_786 : i32 to index
      %get3A_828 = arith.constant 64 : index
      %get3A_829 = tpu.vector_load %arg5[%get3A_827, %get3A_828] {strides = array<i32>} : memref<72x256xf32, #tpu.memory_space<vmem>>, vector<1x16xf32>,
      %get3A_830 = vector.shape_cast %get3A_829 : vector<1x16xf32> to vector<16xf32>
      %select_n3A_831 = arith.select %ge3A_784, %get3A_46, %get3A_830 : vector<16xf32>
      %swap3A_832 = arith.index_cast %scan3A_777 : i32 to index
      %swap3A_833 = arith.constant 64 : index
      %swap3A_834 = tpu.vector_load %arg8[%swap3A_832, %swap3A_833] {strides = array<i32>} : memref<64x256xf32, #tpu.memory_space<vmem>>, vector<1x16xf32>,
      %swap3A_835 = vector.shape_cast %swap3A_834 : vector<1x16xf32> to vector<16xf32>
      %swap3A_836 = vector.shape_cast %select_n3A_831 : vector<16xf32> to vector<1x16xf32>
      tpu.vector_store %arg8[%swap3A_832, %swap3A_833], %swap3A_836 {strides = array<i32>} : memref<64x256xf32, #tpu.memory_space<vmem>>, vector<1x16xf32>,
      %get3A_837 = arith.index_cast %min3A_786 : i32 to index
      %get3A_838 = arith.constant 80 : index
      %get3A_839 = tpu.vector_load %arg5[%get3A_837, %get3A_838] {strides = array<i32>} : memref<72x256xf32, #tpu.memory_space<vmem>>, vector<1x16xf32>,
      %get3A_840 = vector.shape_cast %get3A_839 : vector<1x16xf32> to vector<16xf32>
      %select_n3A_841 = arith.select %ge3A_784, %get3A_51, %get3A_840 : vector<16xf32>
      %swap3A_842 = arith.index_cast %scan3A_777 : i32 to index
      %swap3A_843 = arith.constant 80 : index
      %swap3A_844 = tpu.vector_load %arg8[%swap3A_842, %swap3A_843] {strides = array<i32>} : memref<64x256xf32, #tpu.memory_space<vmem>>, vector<1x16xf32>,
      %swap3A_845 = vector.shape_cast %swap3A_844 : vector<1x16xf32> to vector<16xf32>
      %swap3A_846 = vector.shape_cast %select_n3A_841 : vector<16xf32> to vector<1x16xf32>
      tpu.vector_store %arg8[%swap3A_842, %swap3A_843], %swap3A_846 {strides = array<i32>} : memref<64x256xf32, #tpu.memory_space<vmem>>, vector<1x16xf32>,
      %get3A_847 = arith.index_cast %min3A_786 : i32 to index
      %get3A_848 = arith.constant 96 : index
      %get3A_849 = tpu.vector_load %arg5[%get3A_847, %get3A_848] {strides = array<i32>} : memref<72x256xf32, #tpu.memory_space<vmem>>, vector<1x16xf32>,
      %get3A_850 = vector.shape_cast %get3A_849 : vector<1x16xf32> to vector<16xf32>
      %select_n3A_851 = arith.select %ge3A_784, %get3A_56, %get3A_850 : vector<16xf32>
      %swap3A_852 = arith.index_cast %scan3A_777 : i32 to index
      %swap3A_853 = arith.constant 96 : index
      %swap3A_854 = tpu.vector_load %arg8[%swap3A_852, %swap3A_853] {strides = array<i32>} : memref<64x256xf32, #tpu.memory_space<vmem>>, vector<1x16xf32>,
      %swap3A_855 = vector.shape_cast %swap3A_854 : vector<1x16xf32> to vector<16xf32>
      %swap3A_856 = vector.shape_cast %select_n3A_851 : vector<16xf32> to vector<1x16xf32>
      tpu.vector_store %arg8[%swap3A_852, %swap3A_853], %swap3A_856 {strides = array<i32>} : memref<64x256xf32, #tpu.memory_space<vmem>>, vector<1x16xf32>,
      %get3A_857 = arith.index_cast %min3A_786 : i32 to index
      %get3A_858 = arith.constant 112 : index
      %get3A_859 = tpu.vector_load %arg5[%get3A_857, %get3A_858] {strides = array<i32>} : memref<72x256xf32, #tpu.memory_space<vmem>>, vector<1x16xf32>,
      %get3A_860 = vector.shape_cast %get3A_859 : vector<1x16xf32> to vector<16xf32>
      %select_n3A_861 = arith.select %ge3A_784, %get3A_61, %get3A_860 : vector<16xf32>
      %swap3A_862 = arith.index_cast %scan3A_777 : i32 to index
      %swap3A_863 = arith.constant 112 : index
      %swap3A_864 = tpu.vector_load %arg8[%swap3A_862, %swap3A_863] {strides = array<i32>} : memref<64x256xf32, #tpu.memory_space<vmem>>, vector<1x16xf32>,
      %swap3A_865 = vector.shape_cast %swap3A_864 : vector<1x16xf32> to vector<16xf32>
      %swap3A_866 = vector.shape_cast %select_n3A_861 : vector<16xf32> to vector<1x16xf32>
      tpu.vector_store %arg8[%swap3A_862, %swap3A_863], %swap3A_866 {strides = array<i32>} : memref<64x256xf32, #tpu.memory_space<vmem>>, vector<1x16xf32>,
      %get3A_867 = arith.index_cast %min3A_786 : i32 to index
      %get3A_868 = arith.constant 128 : index
      %get3A_869 = tpu.vector_load %arg5[%get3A_867, %get3A_868] {strides = array<i32>} : memref<72x256xf32, #tpu.memory_space<vmem>>, vector<1x16xf32>,
      %get3A_870 = vector.shape_cast %get3A_869 : vector<1x16xf32> to vector<16xf32>
      %select_n3A_871 = arith.select %ge3A_784, %get3A_66, %get3A_870 : vector<16xf32>
      %swap3A_872 = arith.index_cast %scan3A_777 : i32 to index
      %swap3A_873 = arith.constant 128 : index
      %swap3A_874 = tpu.vector_load %arg8[%swap3A_872, %swap3A_873] {strides = array<i32>} : memref<64x256xf32, #tpu.memory_space<vmem>>, vector<1x16xf32>,
      %swap3A_875 = vector.shape_cast %swap3A_874 : vector<1x16xf32> to vector<16xf32>
      %swap3A_876 = vector.shape_cast %select_n3A_871 : vector<16xf32> to vector<1x16xf32>
      tpu.vector_store %arg8[%swap3A_872, %swap3A_873], %swap3A_876 {strides = array<i32>} : memref<64x256xf32, #tpu.memory_space<vmem>>, vector<1x16xf32>,
      %get3A_877 = arith.index_cast %min3A_786 : i32 to index
      %get3A_878 = arith.constant 144 : index
      %get3A_879 = tpu.vector_load %arg5[%get3A_877, %get3A_878] {strides = array<i32>} : memref<72x256xf32, #tpu.memory_space<vmem>>, vector<1x16xf32>,
      %get3A_880 = vector.shape_cast %get3A_879 : vector<1x16xf32> to vector<16xf32>
      %select_n3A_881 = arith.select %ge3A_784, %get3A_71, %get3A_880 : vector<16xf32>
      %swap3A_882 = arith.index_cast %scan3A_777 : i32 to index
      %swap3A_883 = arith.constant 144 : index
      %swap3A_884 = tpu.vector_load %arg8[%swap3A_882, %swap3A_883] {strides = array<i32>} : memref<64x256xf32, #tpu.memory_space<vmem>>, vector<1x16xf32>,
      %swap3A_885 = vector.shape_cast %swap3A_884 : vector<1x16xf32> to vector<16xf32>
      %swap3A_886 = vector.shape_cast %select_n3A_881 : vector<16xf32> to vector<1x16xf32>
      tpu.vector_store %arg8[%swap3A_882, %swap3A_883], %swap3A_886 {strides = array<i32>} : memref<64x256xf32, #tpu.memory_space<vmem>>, vector<1x16xf32>,
      %get3A_887 = arith.index_cast %min3A_786 : i32 to index
      %get3A_888 = arith.constant 160 : index
      %get3A_889 = tpu.vector_load %arg5[%get3A_887, %get3A_888] {strides = array<i32>} : memref<72x256xf32, #tpu.memory_space<vmem>>, vector<1x16xf32>,
      %get3A_890 = vector.shape_cast %get3A_889 : vector<1x16xf32> to vector<16xf32>
      %select_n3A_891 = arith.select %ge3A_784, %get3A_76, %get3A_890 : vector<16xf32>
      %swap3A_892 = arith.index_cast %scan3A_777 : i32 to index
      %swap3A_893 = arith.constant 160 : index
      %swap3A_894 = tpu.vector_load %arg8[%swap3A_892, %swap3A_893] {strides = array<i32>} : memref<64x256xf32, #tpu.memory_space<vmem>>, vector<1x16xf32>,
      %swap3A_895 = vector.shape_cast %swap3A_894 : vector<1x16xf32> to vector<16xf32>
      %swap3A_896 = vector.shape_cast %select_n3A_891 : vector<16xf32> to vector<1x16xf32>
      tpu.vector_store %arg8[%swap3A_892, %swap3A_893], %swap3A_896 {strides = array<i32>} : memref<64x256xf32, #tpu.memory_space<vmem>>, vector<1x16xf32>,
      %get3A_897 = arith.index_cast %min3A_786 : i32 to index
      %get3A_898 = arith.constant 176 : index
      %get3A_899 = tpu.vector_load %arg5[%get3A_897, %get3A_898] {strides = array<i32>} : memref<72x256xf32, #tpu.memory_space<vmem>>, vector<1x16xf32>,
      %get3A_900 = vector.shape_cast %get3A_899 : vector<1x16xf32> to vector<16xf32>
      %select_n3A_901 = arith.select %ge3A_784, %get3A_81, %get3A_900 : vector<16xf32>
      %swap3A_902 = arith.index_cast %scan3A_777 : i32 to index
      %swap3A_903 = arith.constant 176 : index
      %swap3A_904 = tpu.vector_load %arg8[%swap3A_902, %swap3A_903] {strides = array<i32>} : memref<64x256xf32, #tpu.memory_space<vmem>>, vector<1x16xf32>,
      %swap3A_905 = vector.shape_cast %swap3A_904 : vector<1x16xf32> to vector<16xf32>
      %swap3A_906 = vector.shape_cast %select_n3A_901 : vector<16xf32> to vector<1x16xf32>
      tpu.vector_store %arg8[%swap3A_902, %swap3A_903], %swap3A_906 {strides = array<i32>} : memref<64x256xf32, #tpu.memory_space<vmem>>, vector<1x16xf32>,
      %get3A_907 = arith.index_cast %min3A_786 : i32 to index
      %get3A_908 = arith.constant 192 : index
      %get3A_909 = tpu.vector_load %arg5[%get3A_907, %get3A_908] {strides = array<i32>} : memref<72x256xf32, #tpu.memory_space<vmem>>, vector<1x16xf32>,
      %get3A_910 = vector.shape_cast %get3A_909 : vector<1x16xf32> to vector<16xf32>
      %select_n3A_911 = arith.select %ge3A_784, %get3A_86, %get3A_910 : vector<16xf32>
      %swap3A_912 = arith.index_cast %scan3A_777 : i32 to index
      %swap3A_913 = arith.constant 192 : index
      %swap3A_914 = tpu.vector_load %arg8[%swap3A_912, %swap3A_913] {strides = array<i32>} : memref<64x256xf32, #tpu.memory_space<vmem>>, vector<1x16xf32>,
      %swap3A_915 = vector.shape_cast %swap3A_914 : vector<1x16xf32> to vector<16xf32>
      %swap3A_916 = vector.shape_cast %select_n3A_911 : vector<16xf32> to vector<1x16xf32>
      tpu.vector_store %arg8[%swap3A_912, %swap3A_913], %swap3A_916 {strides = array<i32>} : memref<64x256xf32, #tpu.memory_space<vmem>>, vector<1x16xf32>,
      %get3A_917 = arith.index_cast %min3A_786 : i32 to index
      %get3A_918 = arith.constant 208 : index
      %get3A_919 = tpu.vector_load %arg5[%get3A_917, %get3A_918] {strides = array<i32>} : memref<72x256xf32, #tpu.memory_space<vmem>>, vector<1x16xf32>,
      %get3A_920 = vector.shape_cast %get3A_919 : vector<1x16xf32> to vector<16xf32>
      %select_n3A_921 = arith.select %ge3A_784, %get3A_91, %get3A_920 : vector<16xf32>
      %swap3A_922 = arith.index_cast %scan3A_777 : i32 to index
      %swap3A_923 = arith.constant 208 : index
      %swap3A_924 = tpu.vector_load %arg8[%swap3A_922, %swap3A_923] {strides = array<i32>} : memref<64x256xf32, #tpu.memory_space<vmem>>, vector<1x16xf32>,
      %swap3A_925 = vector.shape_cast %swap3A_924 : vector<1x16xf32> to vector<16xf32>
      %swap3A_926 = vector.shape_cast %select_n3A_921 : vector<16xf32> to vector<1x16xf32>
      tpu.vector_store %arg8[%swap3A_922, %swap3A_923], %swap3A_926 {strides = array<i32>} : memref<64x256xf32, #tpu.memory_space<vmem>>, vector<1x16xf32>,
      %get3A_927 = arith.index_cast %min3A_786 : i32 to index
      %get3A_928 = arith.constant 224 : index
      %get3A_929 = tpu.vector_load %arg5[%get3A_927, %get3A_928] {strides = array<i32>} : memref<72x256xf32, #tpu.memory_space<vmem>>, vector<1x16xf32>,
      %get3A_930 = vector.shape_cast %get3A_929 : vector<1x16xf32> to vector<16xf32>
      %select_n3A_931 = arith.select %ge3A_784, %get3A_96, %get3A_930 : vector<16xf32>
      %swap3A_932 = arith.index_cast %scan3A_777 : i32 to index
      %swap3A_933 = arith.constant 224 : index
      %swap3A_934 = tpu.vector_load %arg8[%swap3A_932, %swap3A_933] {strides = array<i32>} : memref<64x256xf32, #tpu.memory_space<vmem>>, vector<1x16xf32>,
      %swap3A_935 = vector.shape_cast %swap3A_934 : vector<1x16xf32> to vector<16xf32>
      %swap3A_936 = vector.shape_cast %select_n3A_931 : vector<16xf32> to vector<1x16xf32>
      tpu.vector_store %arg8[%swap3A_932, %swap3A_933], %swap3A_936 {strides = array<i32>} : memref<64x256xf32, #tpu.memory_space<vmem>>, vector<1x16xf32>,
      %get3A_937 = arith.index_cast %min3A_786 : i32 to index
      %get3A_938 = arith.constant 240 : index
      %get3A_939 = tpu.vector_load %arg5[%get3A_937, %get3A_938] {strides = array<i32>} : memref<72x256xf32, #tpu.memory_space<vmem>>, vector<1x16xf32>,
      %get3A_940 = vector.shape_cast %get3A_939 : vector<1x16xf32> to vector<16xf32>
      %select_n3A_941 = arith.select %ge3A_784, %get3A_101, %get3A_940 : vector<16xf32>
      %swap3A_942 = arith.index_cast %scan3A_777 : i32 to index
      %swap3A_943 = arith.constant 240 : index
      %swap3A_944 = tpu.vector_load %arg8[%swap3A_942, %swap3A_943] {strides = array<i32>} : memref<64x256xf32, #tpu.memory_space<vmem>>, vector<1x16xf32>,
      %swap3A_945 = vector.shape_cast %swap3A_944 : vector<1x16xf32> to vector<16xf32>
      %swap3A_946 = vector.shape_cast %select_n3A_941 : vector<16xf32> to vector<1x16xf32>
      tpu.vector_store %arg8[%swap3A_942, %swap3A_943], %swap3A_946 {strides = array<i32>} : memref<64x256xf32, #tpu.memory_space<vmem>>, vector<1x16xf32>,
    }
    %scan3A_385 = arith.constant 64 : i32
    %mul3A_386 = arith.constant 64 : i32
    %mul3A_387 = arith.muli %mul3A_386, %arg1 : i32
    %dma_start3A_388 = arith.constant 2 : i32
    %dma_start3A_389 = arith.constant 0 : i32
    %dma_start3A_390 = tpu.memref_slice %arg4[%dma_start3A_388, %mul3A_387, %dma_start3A_389] : memref<4x1024x256xf32, #tpu.memory_space<vmem_shared>> -> memref<1x64x256xf32, #tpu.memory_space<vmem_shared>>
    %dma_start3A_391 = tpu.memref_squeeze %dma_start3A_390 : memref<1x64x256xf32, #tpu.memory_space<vmem_shared>> -> memref<64x256xf32, #tpu.memory_space<vmem_shared>>
    %dma_start3A_392 = arith.constant 0 : i32
    %dma_start3A_393 = tpu.memref_slice %arg4[%dma_start3A_388, %mul3A_387, %dma_start3A_392] : memref<4x1024x256xf32, #tpu.memory_space<vmem_shared>> -> memref<1x64x256xf32, #tpu.memory_space<vmem_shared>>
    %dma_start3A_394 = tpu.memref_squeeze %dma_start3A_393 : memref<1x64x256xf32, #tpu.memory_space<vmem_shared>> -> memref<64x256xf32, #tpu.memory_space<vmem_shared>>
    tpu.enqueue_dma source(%arg8 : memref<64x256xf32, #tpu.memory_space<vmem>>) target(%dma_start3A_394 : memref<64x256xf32, #tpu.memory_space<vmem_shared>>) target_semaphore(%arg11 : memref<!tpu.dma_semaphore, #tpu.memory_space<semaphore_mem>>)
    %dma_wait3A_395 = arith.constant 2 : i32
    %dma_wait3A_396 = arith.constant 0 : i32
    %dma_wait3A_397 = tpu.memref_slice %arg4[%dma_wait3A_395, %mul3A_387, %dma_wait3A_396] : memref<4x1024x256xf32, #tpu.memory_space<vmem_shared>> -> memref<1x64x256xf32, #tpu.memory_space<vmem_shared>>
    %dma_wait3A_398 = tpu.memref_squeeze %dma_wait3A_397 : memref<1x64x256xf32, #tpu.memory_space<vmem_shared>> -> memref<64x256xf32, #tpu.memory_space<vmem_shared>>
    %dma_wait3A_399 = arith.constant 0 : i32
    %dma_wait3A_400 = tpu.memref_slice %arg4[%dma_wait3A_395, %mul3A_387, %dma_wait3A_399] : memref<4x1024x256xf32, #tpu.memory_space<vmem_shared>> -> memref<1x64x256xf32, #tpu.memory_space<vmem_shared>>
    %dma_wait3A_401 = tpu.memref_squeeze %dma_wait3A_400 : memref<1x64x256xf32, #tpu.memory_space<vmem_shared>> -> memref<64x256xf32, #tpu.memory_space<vmem_shared>>
    tpu.wait_dma2 semaphore(%arg11 : memref<!tpu.dma_semaphore, #tpu.memory_space<semaphore_mem>>) src(%arg8 : memref<64x256xf32, #tpu.memory_space<vmem>>) dst(%dma_wait3A_401 : memref<64x256xf32, #tpu.memory_space<vmem_shared>>)
    %barrier3A_402 = arith.constant 0 : index
    tpu.barrier barrier_id(%barrier3A_402)
    %mul3A_403 = arith.constant 4 : i32
    %mul3A_404 = arith.muli %mul3A_403, %arg0 : i32
    %add3A_405 = arith.constant 2 : i32
    %add3A_406 = arith.addi %mul3A_404, %add3A_405 : i32
    %sub3A_407 = arith.constant 8 : i32
    %sub3A_408 = arith.subi %sub3A_407, %add3A_406 : i32
    %jit3A_409 = arith.constant 8 : i32
    %eq3A_410 = arith.constant 0 : i32
    %eq3A_411 = arith.cmpi eq, %jit3A_409, %eq3A_410 : i32
    %jit3A_412 = arith.constant 1 : i32
    %select_n3A_413 = arith.select %eq3A_411, %jit3A_412, %jit3A_409 : i32
    %rem3A_414 = arith.remsi %sub3A_408, %select_n3A_413 : i32
    %ne3A_415 = arith.constant 0 : i32
    %ne3A_416 = arith.cmpi ne, %rem3A_414, %ne3A_415 : i32
    %lt3A_417 = arith.constant 0 : i32
    %lt3A_418 = arith.cmpi slt, %rem3A_414, %lt3A_417 : i32
    %lt3A_419 = arith.constant 0 : i32
    %lt3A_420 = arith.cmpi slt, %select_n3A_413, %lt3A_419 : i32
    %ne3A_421 = arith.xori %lt3A_418, %lt3A_420 : i1
    %and3A_422 = arith.andi %ne3A_421, %ne3A_416 : i1
    %add3A_423 = arith.addi %rem3A_414, %select_n3A_413 : i32
    %select_n3A_424 = arith.select %and3A_422, %add3A_423, %rem3A_414 : i32
    %gt3A_425 = arith.constant 0 : i32
    %gt3A_426 = arith.cmpi sgt, %add3A_406, %gt3A_425 : i32
    %jit3A_427 = arith.constant 1 : i32
    %jit3A_428 = arith.constant 0 : i32
    %select_n3A_429 = arith.select %gt3A_426, %jit3A_427, %jit3A_428 : i32
    %mul3A_430 = arith.constant 4 : i32
    %mul3A_431 = arith.muli %mul3A_430, %arg1 : i32
    %add3A_432 = arith.constant 0 : i32
    %add3A_433 = arith.addi %mul3A_431, %add3A_432 : i32
    %mul3A_434 = arith.constant 8 : i32
    %mul3A_435 = arith.muli %mul3A_434, %add3A_433 : i32
    %add3A_436 = arith.addi %mul3A_435, %select_n3A_424 : i32
    %sub3A_437 = arith.constant 64 : i32
    %sub3A_438 = arith.subi %sub3A_437, %add3A_433 : i32
    %sub3A_439 = arith.subi %sub3A_438, %select_n3A_429 : i32
    %mul3A_440 = arith.constant 8 : i32
    %mul3A_441 = arith.muli %mul3A_440, %sub3A_439 : i32
    %dma_start3A_442 = arith.constant 2 : i32
    %dma_start3A_443 = arith.constant 0 : i32
    %dma_start3A_444 = arith.constant 0 : i32
    %dma_start3A_445 = tpu.memref_slice %arg3[%add3A_436, %dma_start3A_443, %dma_start3A_444] : memref<512x512x256xf32, #tpu.memory_space<hbm>> -> memref<1x512x256xf32, #tpu.memory_space<hbm>>
    %dma_start3A_446 = tpu.memref_squeeze %dma_start3A_445 : memref<1x512x256xf32, #tpu.memory_space<hbm>> -> memref<512x256xf32, #tpu.memory_space<hbm>>
    %dma_start3A_447 = arith.constant 0 : i32
    %dma_start3A_448 = tpu.memref_slice %arg4[%dma_start3A_442, %mul3A_441, %dma_start3A_447] : memref<4x1024x256xf32, #tpu.memory_space<vmem_shared>> -> memref<1x512x256xf32, #tpu.memory_space<vmem_shared>>
    %dma_start3A_449 = tpu.memref_squeeze %dma_start3A_448 : memref<1x512x256xf32, #tpu.memory_space<vmem_shared>> -> memref<512x256xf32, #tpu.memory_space<vmem_shared>>
    tpu.enqueue_dma source(%dma_start3A_449 : memref<512x256xf32, #tpu.memory_space<vmem_shared>>) target(%dma_start3A_446 : memref<512x256xf32, #tpu.memory_space<hbm>>) target_semaphore(%arg13 : memref<!tpu.dma_semaphore, #tpu.memory_space<semaphore_mem>>)
    %mul3A_450 = arith.constant 4 : i32
    %mul3A_451 = arith.muli %mul3A_450, %arg1 : i32
    %add3A_452 = arith.constant 1 : i32
    %add3A_453 = arith.addi %mul3A_451, %add3A_452 : i32
    %mul3A_454 = arith.constant 8 : i32
    %mul3A_455 = arith.muli %mul3A_454, %add3A_453 : i32
    %add3A_456 = arith.addi %mul3A_455, %select_n3A_424 : i32
    %sub3A_457 = arith.constant 64 : i32
    %sub3A_458 = arith.subi %sub3A_457, %add3A_453 : i32
    %sub3A_459 = arith.subi %sub3A_458, %select_n3A_429 : i32
    %mul3A_460 = arith.constant 8 : i32
    %mul3A_461 = arith.muli %mul3A_460, %sub3A_459 : i32
    %dma_start3A_462 = arith.constant 2 : i32
    %dma_start3A_463 = arith.constant 0 : i32
    %dma_start3A_464 = arith.constant 0 : i32
    %dma_start3A_465 = tpu.memref_slice %arg3[%add3A_456, %dma_start3A_463, %dma_start3A_464] : memref<512x512x256xf32, #tpu.memory_space<hbm>> -> memref<1x512x256xf32, #tpu.memory_space<hbm>>
    %dma_start3A_466 = tpu.memref_squeeze %dma_start3A_465 : memref<1x512x256xf32, #tpu.memory_space<hbm>> -> memref<512x256xf32, #tpu.memory_space<hbm>>
    %dma_start3A_467 = arith.constant 0 : i32
    %dma_start3A_468 = tpu.memref_slice %arg4[%dma_start3A_462, %mul3A_461, %dma_start3A_467] : memref<4x1024x256xf32, #tpu.memory_space<vmem_shared>> -> memref<1x512x256xf32, #tpu.memory_space<vmem_shared>>
    %dma_start3A_469 = tpu.memref_squeeze %dma_start3A_468 : memref<1x512x256xf32, #tpu.memory_space<vmem_shared>> -> memref<512x256xf32, #tpu.memory_space<vmem_shared>>
    tpu.enqueue_dma source(%dma_start3A_469 : memref<512x256xf32, #tpu.memory_space<vmem_shared>>) target(%dma_start3A_466 : memref<512x256xf32, #tpu.memory_space<hbm>>) target_semaphore(%arg13 : memref<!tpu.dma_semaphore, #tpu.memory_space<semaphore_mem>>)
    %mul3A_470 = arith.constant 4 : i32
    %mul3A_471 = arith.muli %mul3A_470, %arg1 : i32
    %add3A_472 = arith.constant 2 : i32
    %add3A_473 = arith.addi %mul3A_471, %add3A_472 : i32
    %mul3A_474 = arith.constant 8 : i32
    %mul3A_475 = arith.muli %mul3A_474, %add3A_473 : i32
    %add3A_476 = arith.addi %mul3A_475, %select_n3A_424 : i32
    %sub3A_477 = arith.constant 64 : i32
    %sub3A_478 = arith.subi %sub3A_477, %add3A_473 : i32
    %sub3A_479 = arith.subi %sub3A_478, %select_n3A_429 : i32
    %mul3A_480 = arith.constant 8 : i32
    %mul3A_481 = arith.muli %mul3A_480, %sub3A_479 : i32
    %dma_start3A_482 = arith.constant 2 : i32
    %dma_start3A_483 = arith.constant 0 : i32
    %dma_start3A_484 = arith.constant 0 : i32
    %dma_start3A_485 = tpu.memref_slice %arg3[%add3A_476, %dma_start3A_483, %dma_start3A_484] : memref<512x512x256xf32, #tpu.memory_space<hbm>> -> memref<1x512x256xf32, #tpu.memory_space<hbm>>
    %dma_start3A_486 = tpu.memref_squeeze %dma_start3A_485 : memref<1x512x256xf32, #tpu.memory_space<hbm>> -> memref<512x256xf32, #tpu.memory_space<hbm>>
    %dma_start3A_487 = arith.constant 0 : i32
    %dma_start3A_488 = tpu.memref_slice %arg4[%dma_start3A_482, %mul3A_481, %dma_start3A_487] : memref<4x1024x256xf32, #tpu.memory_space<vmem_shared>> -> memref<1x512x256xf32, #tpu.memory_space<vmem_shared>>
    %dma_start3A_489 = tpu.memref_squeeze %dma_start3A_488 : memref<1x512x256xf32, #tpu.memory_space<vmem_shared>> -> memref<512x256xf32, #tpu.memory_space<vmem_shared>>
    tpu.enqueue_dma source(%dma_start3A_489 : memref<512x256xf32, #tpu.memory_space<vmem_shared>>) target(%dma_start3A_486 : memref<512x256xf32, #tpu.memory_space<hbm>>) target_semaphore(%arg13 : memref<!tpu.dma_semaphore, #tpu.memory_space<semaphore_mem>>)
    %mul3A_490 = arith.constant 4 : i32
    %mul3A_491 = arith.muli %mul3A_490, %arg1 : i32
    %add3A_492 = arith.constant 3 : i32
    %add3A_493 = arith.addi %mul3A_491, %add3A_492 : i32
    %mul3A_494 = arith.constant 8 : i32
    %mul3A_495 = arith.muli %mul3A_494, %add3A_493 : i32
    %add3A_496 = arith.addi %mul3A_495, %select_n3A_424 : i32
    %sub3A_497 = arith.constant 64 : i32
    %sub3A_498 = arith.subi %sub3A_497, %add3A_493 : i32
    %sub3A_499 = arith.subi %sub3A_498, %select_n3A_429 : i32
    %mul3A_500 = arith.constant 8 : i32
    %mul3A_501 = arith.muli %mul3A_500, %sub3A_499 : i32
    %dma_start3A_502 = arith.constant 2 : i32
    %dma_start3A_503 = arith.constant 0 : i32
    %dma_start3A_504 = arith.constant 0 : i32
    %dma_start3A_505 = tpu.memref_slice %arg3[%add3A_496, %dma_start3A_503, %dma_start3A_504] : memref<512x512x256xf32, #tpu.memory_space<hbm>> -> memref<1x512x256xf32, #tpu.memory_space<hbm>>
    %dma_start3A_506 = tpu.memref_squeeze %dma_start3A_505 : memref<1x512x256xf32, #tpu.memory_space<hbm>> -> memref<512x256xf32, #tpu.memory_space<hbm>>
    %dma_start3A_507 = arith.constant 0 : i32
    %dma_start3A_508 = tpu.memref_slice %arg4[%dma_start3A_502, %mul3A_501, %dma_start3A_507] : memref<4x1024x256xf32, #tpu.memory_space<vmem_shared>> -> memref<1x512x256xf32, #tpu.memory_space<vmem_shared>>
    %dma_start3A_509 = tpu.memref_squeeze %dma_start3A_508 : memref<1x512x256xf32, #tpu.memory_space<vmem_shared>> -> memref<512x256xf32, #tpu.memory_space<vmem_shared>>
    tpu.enqueue_dma source(%dma_start3A_509 : memref<512x256xf32, #tpu.memory_space<vmem_shared>>) target(%dma_start3A_506 : memref<512x256xf32, #tpu.memory_space<hbm>>) target_semaphore(%arg13 : memref<!tpu.dma_semaphore, #tpu.memory_space<semaphore_mem>>)
    %mul3A_510 = arith.constant 4 : i32
    %mul3A_511 = arith.muli %mul3A_510, %arg0 : i32
    %add3A_512 = arith.constant 3 : i32
    %add3A_513 = arith.addi %mul3A_511, %add3A_512 : i32
    %mul3A_514 = arith.constant 64 : i32
    %mul3A_515 = arith.muli %mul3A_514, %arg1 : i32
    %add3A_516 = arith.addi %mul3A_515, %add3A_513 : i32
    %sub3A_517 = arith.constant 256 : i32
    %sub3A_518 = arith.subi %add3A_516, %sub3A_517 : i32
    %scan3A_519 = arith.constant 0 : i32
    %scan3A_520 = arith.constant 0 : i32
    %scan3A_521 = arith.constant 64 : i32
    %scan3A_522 = arith.addi %scan3A_520, %scan3A_521 : i32
    %scan3A_523 = arith.constant 1 : i32
    scf.for %scan3A_777 = %scan3A_520 to %scan3A_522 step %scan3A_523  : i32 {
      %add3A_778 = arith.addi %sub3A_518, %scan3A_777 : i32
      %jit3A_779 = arith.constant 0 : i32
      %jit3A_780 = arith.constant 512 : i32
      %max3A_781 = arith.maxsi %jit3A_779, %add3A_778 : i32
      %min3A_782 = arith.minsi %jit3A_780, %max3A_781 : i32
      %sub3A_783 = arith.subi %min3A_782, %multiple_of3A : i32
      %ge3A = arith.constant 72 : i32
      %ge3A_784 = arith.cmpi sge, %sub3A_783, %ge3A : i32
      %min3A_785 = arith.constant 71 : i32
      %min3A_786 = arith.minsi %sub3A_783, %min3A_785 : i32
      %get3A_787 = arith.index_cast %min3A_786 : i32 to index
      %get3A_788 = arith.constant 0 : index
      %get3A_789 = tpu.vector_load %arg5[%get3A_787, %get3A_788] {strides = array<i32>} : memref<72x256xf32, #tpu.memory_space<vmem>>, vector<1x16xf32>,
      %get3A_790 = vector.shape_cast %get3A_789 : vector<1x16xf32> to vector<16xf32>
      %select_n3A_791 = arith.select %ge3A_784, %get3A_26, %get3A_790 : vector<16xf32>
      %swap3A_792 = arith.index_cast %scan3A_777 : i32 to index
      %swap3A_793 = arith.constant 0 : index
      %swap3A_794 = tpu.vector_load %arg9[%swap3A_792, %swap3A_793] {strides = array<i32>} : memref<64x256xf32, #tpu.memory_space<vmem>>, vector<1x16xf32>,
      %swap3A_795 = vector.shape_cast %swap3A_794 : vector<1x16xf32> to vector<16xf32>
      %swap3A_796 = vector.shape_cast %select_n3A_791 : vector<16xf32> to vector<1x16xf32>
      tpu.vector_store %arg9[%swap3A_792, %swap3A_793], %swap3A_796 {strides = array<i32>} : memref<64x256xf32, #tpu.memory_space<vmem>>, vector<1x16xf32>,
      %get3A_797 = arith.index_cast %min3A_786 : i32 to index
      %get3A_798 = arith.constant 16 : index
      %get3A_799 = tpu.vector_load %arg5[%get3A_797, %get3A_798] {strides = array<i32>} : memref<72x256xf32, #tpu.memory_space<vmem>>, vector<1x16xf32>,
      %get3A_800 = vector.shape_cast %get3A_799 : vector<1x16xf32> to vector<16xf32>
      %select_n3A_801 = arith.select %ge3A_784, %get3A_31, %get3A_800 : vector<16xf32>
      %swap3A_802 = arith.index_cast %scan3A_777 : i32 to index
      %swap3A_803 = arith.constant 16 : index
      %swap3A_804 = tpu.vector_load %arg9[%swap3A_802, %swap3A_803] {strides = array<i32>} : memref<64x256xf32, #tpu.memory_space<vmem>>, vector<1x16xf32>,
      %swap3A_805 = vector.shape_cast %swap3A_804 : vector<1x16xf32> to vector<16xf32>
      %swap3A_806 = vector.shape_cast %select_n3A_801 : vector<16xf32> to vector<1x16xf32>
      tpu.vector_store %arg9[%swap3A_802, %swap3A_803], %swap3A_806 {strides = array<i32>} : memref<64x256xf32, #tpu.memory_space<vmem>>, vector<1x16xf32>,
      %get3A_807 = arith.index_cast %min3A_786 : i32 to index
      %get3A_808 = arith.constant 32 : index
      %get3A_809 = tpu.vector_load %arg5[%get3A_807, %get3A_808] {strides = array<i32>} : memref<72x256xf32, #tpu.memory_space<vmem>>, vector<1x16xf32>,
      %get3A_810 = vector.shape_cast %get3A_809 : vector<1x16xf32> to vector<16xf32>
      %select_n3A_811 = arith.select %ge3A_784, %get3A_36, %get3A_810 : vector<16xf32>
      %swap3A_812 = arith.index_cast %scan3A_777 : i32 to index
      %swap3A_813 = arith.constant 32 : index
      %swap3A_814 = tpu.vector_load %arg9[%swap3A_812, %swap3A_813] {strides = array<i32>} : memref<64x256xf32, #tpu.memory_space<vmem>>, vector<1x16xf32>,
      %swap3A_815 = vector.shape_cast %swap3A_814 : vector<1x16xf32> to vector<16xf32>
      %swap3A_816 = vector.shape_cast %select_n3A_811 : vector<16xf32> to vector<1x16xf32>
      tpu.vector_store %arg9[%swap3A_812, %swap3A_813], %swap3A_816 {strides = array<i32>} : memref<64x256xf32, #tpu.memory_space<vmem>>, vector<1x16xf32>,
      %get3A_817 = arith.index_cast %min3A_786 : i32 to index
      %get3A_818 = arith.constant 48 : index
      %get3A_819 = tpu.vector_load %arg5[%get3A_817, %get3A_818] {strides = array<i32>} : memref<72x256xf32, #tpu.memory_space<vmem>>, vector<1x16xf32>,
      %get3A_820 = vector.shape_cast %get3A_819 : vector<1x16xf32> to vector<16xf32>
      %select_n3A_821 = arith.select %ge3A_784, %get3A_41, %get3A_820 : vector<16xf32>
      %swap3A_822 = arith.index_cast %scan3A_777 : i32 to index
      %swap3A_823 = arith.constant 48 : index
      %swap3A_824 = tpu.vector_load %arg9[%swap3A_822, %swap3A_823] {strides = array<i32>} : memref<64x256xf32, #tpu.memory_space<vmem>>, vector<1x16xf32>,
      %swap3A_825 = vector.shape_cast %swap3A_824 : vector<1x16xf32> to vector<16xf32>
      %swap3A_826 = vector.shape_cast %select_n3A_821 : vector<16xf32> to vector<1x16xf32>
      tpu.vector_store %arg9[%swap3A_822, %swap3A_823], %swap3A_826 {strides = array<i32>} : memref<64x256xf32, #tpu.memory_space<vmem>>, vector<1x16xf32>,
      %get3A_827 = arith.index_cast %min3A_786 : i32 to index
      %get3A_828 = arith.constant 64 : index
      %get3A_829 = tpu.vector_load %arg5[%get3A_827, %get3A_828] {strides = array<i32>} : memref<72x256xf32, #tpu.memory_space<vmem>>, vector<1x16xf32>,
      %get3A_830 = vector.shape_cast %get3A_829 : vector<1x16xf32> to vector<16xf32>
      %select_n3A_831 = arith.select %ge3A_784, %get3A_46, %get3A_830 : vector<16xf32>
      %swap3A_832 = arith.index_cast %scan3A_777 : i32 to index
      %swap3A_833 = arith.constant 64 : index
      %swap3A_834 = tpu.vector_load %arg9[%swap3A_832, %swap3A_833] {strides = array<i32>} : memref<64x256xf32, #tpu.memory_space<vmem>>, vector<1x16xf32>,
      %swap3A_835 = vector.shape_cast %swap3A_834 : vector<1x16xf32> to vector<16xf32>
      %swap3A_836 = vector.shape_cast %select_n3A_831 : vector<16xf32> to vector<1x16xf32>
      tpu.vector_store %arg9[%swap3A_832, %swap3A_833], %swap3A_836 {strides = array<i32>} : memref<64x256xf32, #tpu.memory_space<vmem>>, vector<1x16xf32>,
      %get3A_837 = arith.index_cast %min3A_786 : i32 to index
      %get3A_838 = arith.constant 80 : index
      %get3A_839 = tpu.vector_load %arg5[%get3A_837, %get3A_838] {strides = array<i32>} : memref<72x256xf32, #tpu.memory_space<vmem>>, vector<1x16xf32>,
      %get3A_840 = vector.shape_cast %get3A_839 : vector<1x16xf32> to vector<16xf32>
      %select_n3A_841 = arith.select %ge3A_784, %get3A_51, %get3A_840 : vector<16xf32>
      %swap3A_842 = arith.index_cast %scan3A_777 : i32 to index
      %swap3A_843 = arith.constant 80 : index
      %swap3A_844 = tpu.vector_load %arg9[%swap3A_842, %swap3A_843] {strides = array<i32>} : memref<64x256xf32, #tpu.memory_space<vmem>>, vector<1x16xf32>,
      %swap3A_845 = vector.shape_cast %swap3A_844 : vector<1x16xf32> to vector<16xf32>
      %swap3A_846 = vector.shape_cast %select_n3A_841 : vector<16xf32> to vector<1x16xf32>
      tpu.vector_store %arg9[%swap3A_842, %swap3A_843], %swap3A_846 {strides = array<i32>} : memref<64x256xf32, #tpu.memory_space<vmem>>, vector<1x16xf32>,
      %get3A_847 = arith.index_cast %min3A_786 : i32 to index
      %get3A_848 = arith.constant 96 : index
      %get3A_849 = tpu.vector_load %arg5[%get3A_847, %get3A_848] {strides = array<i32>} : memref<72x256xf32, #tpu.memory_space<vmem>>, vector<1x16xf32>,
      %get3A_850 = vector.shape_cast %get3A_849 : vector<1x16xf32> to vector<16xf32>
      %select_n3A_851 = arith.select %ge3A_784, %get3A_56, %get3A_850 : vector<16xf32>
      %swap3A_852 = arith.index_cast %scan3A_777 : i32 to index
      %swap3A_853 = arith.constant 96 : index
      %swap3A_854 = tpu.vector_load %arg9[%swap3A_852, %swap3A_853] {strides = array<i32>} : memref<64x256xf32, #tpu.memory_space<vmem>>, vector<1x16xf32>,
      %swap3A_855 = vector.shape_cast %swap3A_854 : vector<1x16xf32> to vector<16xf32>
      %swap3A_856 = vector.shape_cast %select_n3A_851 : vector<16xf32> to vector<1x16xf32>
      tpu.vector_store %arg9[%swap3A_852, %swap3A_853], %swap3A_856 {strides = array<i32>} : memref<64x256xf32, #tpu.memory_space<vmem>>, vector<1x16xf32>,
      %get3A_857 = arith.index_cast %min3A_786 : i32 to index
      %get3A_858 = arith.constant 112 : index
      %get3A_859 = tpu.vector_load %arg5[%get3A_857, %get3A_858] {strides = array<i32>} : memref<72x256xf32, #tpu.memory_space<vmem>>, vector<1x16xf32>,
      %get3A_860 = vector.shape_cast %get3A_859 : vector<1x16xf32> to vector<16xf32>
      %select_n3A_861 = arith.select %ge3A_784, %get3A_61, %get3A_860 : vector<16xf32>
      %swap3A_862 = arith.index_cast %scan3A_777 : i32 to index
      %swap3A_863 = arith.constant 112 : index
      %swap3A_864 = tpu.vector_load %arg9[%swap3A_862, %swap3A_863] {strides = array<i32>} : memref<64x256xf32, #tpu.memory_space<vmem>>, vector<1x16xf32>,
      %swap3A_865 = vector.shape_cast %swap3A_864 : vector<1x16xf32> to vector<16xf32>
      %swap3A_866 = vector.shape_cast %select_n3A_861 : vector<16xf32> to vector<1x16xf32>
      tpu.vector_store %arg9[%swap3A_862, %swap3A_863], %swap3A_866 {strides = array<i32>} : memref<64x256xf32, #tpu.memory_space<vmem>>, vector<1x16xf32>,
      %get3A_867 = arith.index_cast %min3A_786 : i32 to index
      %get3A_868 = arith.constant 128 : index
      %get3A_869 = tpu.vector_load %arg5[%get3A_867, %get3A_868] {strides = array<i32>} : memref<72x256xf32, #tpu.memory_space<vmem>>, vector<1x16xf32>,
      %get3A_870 = vector.shape_cast %get3A_869 : vector<1x16xf32> to vector<16xf32>
      %select_n3A_871 = arith.select %ge3A_784, %get3A_66, %get3A_870 : vector<16xf32>
      %swap3A_872 = arith.index_cast %scan3A_777 : i32 to index
      %swap3A_873 = arith.constant 128 : index
      %swap3A_874 = tpu.vector_load %arg9[%swap3A_872, %swap3A_873] {strides = array<i32>} : memref<64x256xf32, #tpu.memory_space<vmem>>, vector<1x16xf32>,
      %swap3A_875 = vector.shape_cast %swap3A_874 : vector<1x16xf32> to vector<16xf32>
      %swap3A_876 = vector.shape_cast %select_n3A_871 : vector<16xf32> to vector<1x16xf32>
      tpu.vector_store %arg9[%swap3A_872, %swap3A_873], %swap3A_876 {strides = array<i32>} : memref<64x256xf32, #tpu.memory_space<vmem>>, vector<1x16xf32>,
      %get3A_877 = arith.index_cast %min3A_786 : i32 to index
      %get3A_878 = arith.constant 144 : index
      %get3A_879 = tpu.vector_load %arg5[%get3A_877, %get3A_878] {strides = array<i32>} : memref<72x256xf32, #tpu.memory_space<vmem>>, vector<1x16xf32>,
      %get3A_880 = vector.shape_cast %get3A_879 : vector<1x16xf32> to vector<16xf32>
      %select_n3A_881 = arith.select %ge3A_784, %get3A_71, %get3A_880 : vector<16xf32>
      %swap3A_882 = arith.index_cast %scan3A_777 : i32 to index
      %swap3A_883 = arith.constant 144 : index
      %swap3A_884 = tpu.vector_load %arg9[%swap3A_882, %swap3A_883] {strides = array<i32>} : memref<64x256xf32, #tpu.memory_space<vmem>>, vector<1x16xf32>,
      %swap3A_885 = vector.shape_cast %swap3A_884 : vector<1x16xf32> to vector<16xf32>
      %swap3A_886 = vector.shape_cast %select_n3A_881 : vector<16xf32> to vector<1x16xf32>
      tpu.vector_store %arg9[%swap3A_882, %swap3A_883], %swap3A_886 {strides = array<i32>} : memref<64x256xf32, #tpu.memory_space<vmem>>, vector<1x16xf32>,
      %get3A_887 = arith.index_cast %min3A_786 : i32 to index
      %get3A_888 = arith.constant 160 : index
      %get3A_889 = tpu.vector_load %arg5[%get3A_887, %get3A_888] {strides = array<i32>} : memref<72x256xf32, #tpu.memory_space<vmem>>, vector<1x16xf32>,
      %get3A_890 = vector.shape_cast %get3A_889 : vector<1x16xf32> to vector<16xf32>
      %select_n3A_891 = arith.select %ge3A_784, %get3A_76, %get3A_890 : vector<16xf32>
      %swap3A_892 = arith.index_cast %scan3A_777 : i32 to index
      %swap3A_893 = arith.constant 160 : index
      %swap3A_894 = tpu.vector_load %arg9[%swap3A_892, %swap3A_893] {strides = array<i32>} : memref<64x256xf32, #tpu.memory_space<vmem>>, vector<1x16xf32>,
      %swap3A_895 = vector.shape_cast %swap3A_894 : vector<1x16xf32> to vector<16xf32>
      %swap3A_896 = vector.shape_cast %select_n3A_891 : vector<16xf32> to vector<1x16xf32>
      tpu.vector_store %arg9[%swap3A_892, %swap3A_893], %swap3A_896 {strides = array<i32>} : memref<64x256xf32, #tpu.memory_space<vmem>>, vector<1x16xf32>,
      %get3A_897 = arith.index_cast %min3A_786 : i32 to index
      %get3A_898 = arith.constant 176 : index
      %get3A_899 = tpu.vector_load %arg5[%get3A_897, %get3A_898] {strides = array<i32>} : memref<72x256xf32, #tpu.memory_space<vmem>>, vector<1x16xf32>,
      %get3A_900 = vector.shape_cast %get3A_899 : vector<1x16xf32> to vector<16xf32>
      %select_n3A_901 = arith.select %ge3A_784, %get3A_81, %get3A_900 : vector<16xf32>
      %swap3A_902 = arith.index_cast %scan3A_777 : i32 to index
      %swap3A_903 = arith.constant 176 : index
      %swap3A_904 = tpu.vector_load %arg9[%swap3A_902, %swap3A_903] {strides = array<i32>} : memref<64x256xf32, #tpu.memory_space<vmem>>, vector<1x16xf32>,
      %swap3A_905 = vector.shape_cast %swap3A_904 : vector<1x16xf32> to vector<16xf32>
      %swap3A_906 = vector.shape_cast %select_n3A_901 : vector<16xf32> to vector<1x16xf32>
      tpu.vector_store %arg9[%swap3A_902, %swap3A_903], %swap3A_906 {strides = array<i32>} : memref<64x256xf32, #tpu.memory_space<vmem>>, vector<1x16xf32>,
      %get3A_907 = arith.index_cast %min3A_786 : i32 to index
      %get3A_908 = arith.constant 192 : index
      %get3A_909 = tpu.vector_load %arg5[%get3A_907, %get3A_908] {strides = array<i32>} : memref<72x256xf32, #tpu.memory_space<vmem>>, vector<1x16xf32>,
      %get3A_910 = vector.shape_cast %get3A_909 : vector<1x16xf32> to vector<16xf32>
      %select_n3A_911 = arith.select %ge3A_784, %get3A_86, %get3A_910 : vector<16xf32>
      %swap3A_912 = arith.index_cast %scan3A_777 : i32 to index
      %swap3A_913 = arith.constant 192 : index
      %swap3A_914 = tpu.vector_load %arg9[%swap3A_912, %swap3A_913] {strides = array<i32>} : memref<64x256xf32, #tpu.memory_space<vmem>>, vector<1x16xf32>,
      %swap3A_915 = vector.shape_cast %swap3A_914 : vector<1x16xf32> to vector<16xf32>
      %swap3A_916 = vector.shape_cast %select_n3A_911 : vector<16xf32> to vector<1x16xf32>
      tpu.vector_store %arg9[%swap3A_912, %swap3A_913], %swap3A_916 {strides = array<i32>} : memref<64x256xf32, #tpu.memory_space<vmem>>, vector<1x16xf32>,
      %get3A_917 = arith.index_cast %min3A_786 : i32 to index
      %get3A_918 = arith.constant 208 : index
      %get3A_919 = tpu.vector_load %arg5[%get3A_917, %get3A_918] {strides = array<i32>} : memref<72x256xf32, #tpu.memory_space<vmem>>, vector<1x16xf32>,
      %get3A_920 = vector.shape_cast %get3A_919 : vector<1x16xf32> to vector<16xf32>
      %select_n3A_921 = arith.select %ge3A_784, %get3A_91, %get3A_920 : vector<16xf32>
      %swap3A_922 = arith.index_cast %scan3A_777 : i32 to index
      %swap3A_923 = arith.constant 208 : index
      %swap3A_924 = tpu.vector_load %arg9[%swap3A_922, %swap3A_923] {strides = array<i32>} : memref<64x256xf32, #tpu.memory_space<vmem>>, vector<1x16xf32>,
      %swap3A_925 = vector.shape_cast %swap3A_924 : vector<1x16xf32> to vector<16xf32>
      %swap3A_926 = vector.shape_cast %select_n3A_921 : vector<16xf32> to vector<1x16xf32>
      tpu.vector_store %arg9[%swap3A_922, %swap3A_923], %swap3A_926 {strides = array<i32>} : memref<64x256xf32, #tpu.memory_space<vmem>>, vector<1x16xf32>,
      %get3A_927 = arith.index_cast %min3A_786 : i32 to index
      %get3A_928 = arith.constant 224 : index
      %get3A_929 = tpu.vector_load %arg5[%get3A_927, %get3A_928] {strides = array<i32>} : memref<72x256xf32, #tpu.memory_space<vmem>>, vector<1x16xf32>,
      %get3A_930 = vector.shape_cast %get3A_929 : vector<1x16xf32> to vector<16xf32>
      %select_n3A_931 = arith.select %ge3A_784, %get3A_96, %get3A_930 : vector<16xf32>
      %swap3A_932 = arith.index_cast %scan3A_777 : i32 to index
      %swap3A_933 = arith.constant 224 : index
      %swap3A_934 = tpu.vector_load %arg9[%swap3A_932, %swap3A_933] {strides = array<i32>} : memref<64x256xf32, #tpu.memory_space<vmem>>, vector<1x16xf32>,
      %swap3A_935 = vector.shape_cast %swap3A_934 : vector<1x16xf32> to vector<16xf32>
      %swap3A_936 = vector.shape_cast %select_n3A_931 : vector<16xf32> to vector<1x16xf32>
      tpu.vector_store %arg9[%swap3A_932, %swap3A_933], %swap3A_936 {strides = array<i32>} : memref<64x256xf32, #tpu.memory_space<vmem>>, vector<1x16xf32>,
      %get3A_937 = arith.index_cast %min3A_786 : i32 to index
      %get3A_938 = arith.constant 240 : index
      %get3A_939 = tpu.vector_load %arg5[%get3A_937, %get3A_938] {strides = array<i32>} : memref<72x256xf32, #tpu.memory_space<vmem>>, vector<1x16xf32>,
      %get3A_940 = vector.shape_cast %get3A_939 : vector<1x16xf32> to vector<16xf32>
      %select_n3A_941 = arith.select %ge3A_784, %get3A_101, %get3A_940 : vector<16xf32>
      %swap3A_942 = arith.index_cast %scan3A_777 : i32 to index
      %swap3A_943 = arith.constant 240 : index
      %swap3A_944 = tpu.vector_load %arg9[%swap3A_942, %swap3A_943] {strides = array<i32>} : memref<64x256xf32, #tpu.memory_space<vmem>>, vector<1x16xf32>,
      %swap3A_945 = vector.shape_cast %swap3A_944 : vector<1x16xf32> to vector<16xf32>
      %swap3A_946 = vector.shape_cast %select_n3A_941 : vector<16xf32> to vector<1x16xf32>
      tpu.vector_store %arg9[%swap3A_942, %swap3A_943], %swap3A_946 {strides = array<i32>} : memref<64x256xf32, #tpu.memory_space<vmem>>, vector<1x16xf32>,
    }
    %scan3A_524 = arith.constant 64 : i32
    %mul3A_525 = arith.constant 64 : i32
    %mul3A_526 = arith.muli %mul3A_525, %arg1 : i32
    %dma_start3A_527 = arith.constant 3 : i32
    %dma_start3A_528 = arith.constant 0 : i32
    %dma_start3A_529 = tpu.memref_slice %arg4[%dma_start3A_527, %mul3A_526, %dma_start3A_528] : memref<4x1024x256xf32, #tpu.memory_space<vmem_shared>> -> memref<1x64x256xf32, #tpu.memory_space<vmem_shared>>
    %dma_start3A_530 = tpu.memref_squeeze %dma_start3A_529 : memref<1x64x256xf32, #tpu.memory_space<vmem_shared>> -> memref<64x256xf32, #tpu.memory_space<vmem_shared>>
    %dma_start3A_531 = arith.constant 0 : i32
    %dma_start3A_532 = tpu.memref_slice %arg4[%dma_start3A_527, %mul3A_526, %dma_start3A_531] : memref<4x1024x256xf32, #tpu.memory_space<vmem_shared>> -> memref<1x64x256xf32, #tpu.memory_space<vmem_shared>>
    %dma_start3A_533 = tpu.memref_squeeze %dma_start3A_532 : memref<1x64x256xf32, #tpu.memory_space<vmem_shared>> -> memref<64x256xf32, #tpu.memory_space<vmem_shared>>
    tpu.enqueue_dma source(%arg9 : memref<64x256xf32, #tpu.memory_space<vmem>>) target(%dma_start3A_533 : memref<64x256xf32, #tpu.memory_space<vmem_shared>>) target_semaphore(%arg12 : memref<!tpu.dma_semaphore, #tpu.memory_space<semaphore_mem>>)
    %dma_wait3A_534 = arith.constant 3 : i32
    %dma_wait3A_535 = arith.constant 0 : i32
    %dma_wait3A_536 = tpu.memref_slice %arg4[%dma_wait3A_534, %mul3A_526, %dma_wait3A_535] : memref<4x1024x256xf32, #tpu.memory_space<vmem_shared>> -> memref<1x64x256xf32, #tpu.memory_space<vmem_shared>>
    %dma_wait3A_537 = tpu.memref_squeeze %dma_wait3A_536 : memref<1x64x256xf32, #tpu.memory_space<vmem_shared>> -> memref<64x256xf32, #tpu.memory_space<vmem_shared>>
    %dma_wait3A_538 = arith.constant 0 : i32
    %dma_wait3A_539 = tpu.memref_slice %arg4[%dma_wait3A_534, %mul3A_526, %dma_wait3A_538] : memref<4x1024x256xf32, #tpu.memory_space<vmem_shared>> -> memref<1x64x256xf32, #tpu.memory_space<vmem_shared>>
    %dma_wait3A_540 = tpu.memref_squeeze %dma_wait3A_539 : memref<1x64x256xf32, #tpu.memory_space<vmem_shared>> -> memref<64x256xf32, #tpu.memory_space<vmem_shared>>
    tpu.wait_dma2 semaphore(%arg12 : memref<!tpu.dma_semaphore, #tpu.memory_space<semaphore_mem>>) src(%arg9 : memref<64x256xf32, #tpu.memory_space<vmem>>) dst(%dma_wait3A_540 : memref<64x256xf32, #tpu.memory_space<vmem_shared>>)
    %barrier3A_541 = arith.constant 0 : index
    tpu.barrier barrier_id(%barrier3A_541)
    %mul3A_542 = arith.constant 4 : i32
    %mul3A_543 = arith.muli %mul3A_542, %arg0 : i32
    %add3A_544 = arith.constant 3 : i32
    %add3A_545 = arith.addi %mul3A_543, %add3A_544 : i32
    %sub3A_546 = arith.constant 8 : i32
    %sub3A_547 = arith.subi %sub3A_546, %add3A_545 : i32
    %jit3A_548 = arith.constant 8 : i32
    %eq3A_549 = arith.constant 0 : i32
    %eq3A_550 = arith.cmpi eq, %jit3A_548, %eq3A_549 : i32
    %jit3A_551 = arith.constant 1 : i32
    %select_n3A_552 = arith.select %eq3A_550, %jit3A_551, %jit3A_548 : i32
    %rem3A_553 = arith.remsi %sub3A_547, %select_n3A_552 : i32
    %ne3A_554 = arith.constant 0 : i32
    %ne3A_555 = arith.cmpi ne, %rem3A_553, %ne3A_554 : i32
    %lt3A_556 = arith.constant 0 : i32
    %lt3A_557 = arith.cmpi slt, %rem3A_553, %lt3A_556 : i32
    %lt3A_558 = arith.constant 0 : i32
    %lt3A_559 = arith.cmpi slt, %select_n3A_552, %lt3A_558 : i32
    %ne3A_560 = arith.xori %lt3A_557, %lt3A_559 : i1
    %and3A_561 = arith.andi %ne3A_560, %ne3A_555 : i1
    %add3A_562 = arith.addi %rem3A_553, %select_n3A_552 : i32
    %select_n3A_563 = arith.select %and3A_561, %add3A_562, %rem3A_553 : i32
    %gt3A_564 = arith.constant 0 : i32
    %gt3A_565 = arith.cmpi sgt, %add3A_545, %gt3A_564 : i32
    %jit3A_566 = arith.constant 1 : i32
    %jit3A_567 = arith.constant 0 : i32
    %select_n3A_568 = arith.select %gt3A_565, %jit3A_566, %jit3A_567 : i32
    %mul3A_569 = arith.constant 4 : i32
    %mul3A_570 = arith.muli %mul3A_569, %arg1 : i32
    %add3A_571 = arith.constant 0 : i32
    %add3A_572 = arith.addi %mul3A_570, %add3A_571 : i32
    %mul3A_573 = arith.constant 8 : i32
    %mul3A_574 = arith.muli %mul3A_573, %add3A_572 : i32
    %add3A_575 = arith.addi %mul3A_574, %select_n3A_563 : i32
    %sub3A_576 = arith.constant 64 : i32
    %sub3A_577 = arith.subi %sub3A_576, %add3A_572 : i32
    %sub3A_578 = arith.subi %sub3A_577, %select_n3A_568 : i32
    %mul3A_579 = arith.constant 8 : i32
    %mul3A_580 = arith.muli %mul3A_579, %sub3A_578 : i32
    %dma_start3A_581 = arith.constant 3 : i32
    %dma_start3A_582 = arith.constant 0 : i32
    %dma_start3A_583 = arith.constant 0 : i32
    %dma_start3A_584 = tpu.memref_slice %arg3[%add3A_575, %dma_start3A_582, %dma_start3A_583] : memref<512x512x256xf32, #tpu.memory_space<hbm>> -> memref<1x512x256xf32, #tpu.memory_space<hbm>>
    %dma_start3A_585 = tpu.memref_squeeze %dma_start3A_584 : memref<1x512x256xf32, #tpu.memory_space<hbm>> -> memref<512x256xf32, #tpu.memory_space<hbm>>
    %dma_start3A_586 = arith.constant 0 : i32
    %dma_start3A_587 = tpu.memref_slice %arg4[%dma_start3A_581, %mul3A_580, %dma_start3A_586] : memref<4x1024x256xf32, #tpu.memory_space<vmem_shared>> -> memref<1x512x256xf32, #tpu.memory_space<vmem_shared>>
    %dma_start3A_588 = tpu.memref_squeeze %dma_start3A_587 : memref<1x512x256xf32, #tpu.memory_space<vmem_shared>> -> memref<512x256xf32, #tpu.memory_space<vmem_shared>>
    tpu.enqueue_dma source(%dma_start3A_588 : memref<512x256xf32, #tpu.memory_space<vmem_shared>>) target(%dma_start3A_585 : memref<512x256xf32, #tpu.memory_space<hbm>>) target_semaphore(%arg13 : memref<!tpu.dma_semaphore, #tpu.memory_space<semaphore_mem>>)
    %mul3A_589 = arith.constant 4 : i32
    %mul3A_590 = arith.muli %mul3A_589, %arg1 : i32
    %add3A_591 = arith.constant 1 : i32
    %add3A_592 = arith.addi %mul3A_590, %add3A_591 : i32
    %mul3A_593 = arith.constant 8 : i32
    %mul3A_594 = arith.muli %mul3A_593, %add3A_592 : i32
    %add3A_595 = arith.addi %mul3A_594, %select_n3A_563 : i32
    %sub3A_596 = arith.constant 64 : i32
    %sub3A_597 = arith.subi %sub3A_596, %add3A_592 : i32
    %sub3A_598 = arith.subi %sub3A_597, %select_n3A_568 : i32
    %mul3A_599 = arith.constant 8 : i32
    %mul3A_600 = arith.muli %mul3A_599, %sub3A_598 : i32
    %dma_start3A_601 = arith.constant 3 : i32
    %dma_start3A_602 = arith.constant 0 : i32
    %dma_start3A_603 = arith.constant 0 : i32
    %dma_start3A_604 = tpu.memref_slice %arg3[%add3A_595, %dma_start3A_602, %dma_start3A_603] : memref<512x512x256xf32, #tpu.memory_space<hbm>> -> memref<1x512x256xf32, #tpu.memory_space<hbm>>
    %dma_start3A_605 = tpu.memref_squeeze %dma_start3A_604 : memref<1x512x256xf32, #tpu.memory_space<hbm>> -> memref<512x256xf32, #tpu.memory_space<hbm>>
    %dma_start3A_606 = arith.constant 0 : i32
    %dma_start3A_607 = tpu.memref_slice %arg4[%dma_start3A_601, %mul3A_600, %dma_start3A_606] : memref<4x1024x256xf32, #tpu.memory_space<vmem_shared>> -> memref<1x512x256xf32, #tpu.memory_space<vmem_shared>>
    %dma_start3A_608 = tpu.memref_squeeze %dma_start3A_607 : memref<1x512x256xf32, #tpu.memory_space<vmem_shared>> -> memref<512x256xf32, #tpu.memory_space<vmem_shared>>
    tpu.enqueue_dma source(%dma_start3A_608 : memref<512x256xf32, #tpu.memory_space<vmem_shared>>) target(%dma_start3A_605 : memref<512x256xf32, #tpu.memory_space<hbm>>) target_semaphore(%arg13 : memref<!tpu.dma_semaphore, #tpu.memory_space<semaphore_mem>>)
    %mul3A_609 = arith.constant 4 : i32
    %mul3A_610 = arith.muli %mul3A_609, %arg1 : i32
    %add3A_611 = arith.constant 2 : i32
    %add3A_612 = arith.addi %mul3A_610, %add3A_611 : i32
    %mul3A_613 = arith.constant 8 : i32
    %mul3A_614 = arith.muli %mul3A_613, %add3A_612 : i32
    %add3A_615 = arith.addi %mul3A_614, %select_n3A_563 : i32
    %sub3A_616 = arith.constant 64 : i32
    %sub3A_617 = arith.subi %sub3A_616, %add3A_612 : i32
    %sub3A_618 = arith.subi %sub3A_617, %select_n3A_568 : i32
    %mul3A_619 = arith.constant 8 : i32
    %mul3A_620 = arith.muli %mul3A_619, %sub3A_618 : i32
    %dma_start3A_621 = arith.constant 3 : i32
    %dma_start3A_622 = arith.constant 0 : i32
    %dma_start3A_623 = arith.constant 0 : i32
    %dma_start3A_624 = tpu.memref_slice %arg3[%add3A_615, %dma_start3A_622, %dma_start3A_623] : memref<512x512x256xf32, #tpu.memory_space<hbm>> -> memref<1x512x256xf32, #tpu.memory_space<hbm>>
    %dma_start3A_625 = tpu.memref_squeeze %dma_start3A_624 : memref<1x512x256xf32, #tpu.memory_space<hbm>> -> memref<512x256xf32, #tpu.memory_space<hbm>>
    %dma_start3A_626 = arith.constant 0 : i32
    %dma_start3A_627 = tpu.memref_slice %arg4[%dma_start3A_621, %mul3A_620, %dma_start3A_626] : memref<4x1024x256xf32, #tpu.memory_space<vmem_shared>> -> memref<1x512x256xf32, #tpu.memory_space<vmem_shared>>
    %dma_start3A_628 = tpu.memref_squeeze %dma_start3A_627 : memref<1x512x256xf32, #tpu.memory_space<vmem_shared>> -> memref<512x256xf32, #tpu.memory_space<vmem_shared>>
    tpu.enqueue_dma source(%dma_start3A_628 : memref<512x256xf32, #tpu.memory_space<vmem_shared>>) target(%dma_start3A_625 : memref<512x256xf32, #tpu.memory_space<hbm>>) target_semaphore(%arg13 : memref<!tpu.dma_semaphore, #tpu.memory_space<semaphore_mem>>)
    %mul3A_629 = arith.constant 4 : i32
    %mul3A_630 = arith.muli %mul3A_629, %arg1 : i32
    %add3A_631 = arith.constant 3 : i32
    %add3A_632 = arith.addi %mul3A_630, %add3A_631 : i32
    %mul3A_633 = arith.constant 8 : i32
    %mul3A_634 = arith.muli %mul3A_633, %add3A_632 : i32
    %add3A_635 = arith.addi %mul3A_634, %select_n3A_563 : i32
    %sub3A_636 = arith.constant 64 : i32
    %sub3A_637 = arith.subi %sub3A_636, %add3A_632 : i32
    %sub3A_638 = arith.subi %sub3A_637, %select_n3A_568 : i32
    %mul3A_639 = arith.constant 8 : i32
    %mul3A_640 = arith.muli %mul3A_639, %sub3A_638 : i32
    %dma_start3A_641 = arith.constant 3 : i32
    %dma_start3A_642 = arith.constant 0 : i32
    %dma_start3A_643 = arith.constant 0 : i32
    %dma_start3A_644 = tpu.memref_slice %arg3[%add3A_635, %dma_start3A_642, %dma_start3A_643] : memref<512x512x256xf32, #tpu.memory_space<hbm>> -> memref<1x512x256xf32, #tpu.memory_space<hbm>>
    %dma_start3A_645 = tpu.memref_squeeze %dma_start3A_644 : memref<1x512x256xf32, #tpu.memory_space<hbm>> -> memref<512x256xf32, #tpu.memory_space<hbm>>
    %dma_start3A_646 = arith.constant 0 : i32
    %dma_start3A_647 = tpu.memref_slice %arg4[%dma_start3A_641, %mul3A_640, %dma_start3A_646] : memref<4x1024x256xf32, #tpu.memory_space<vmem_shared>> -> memref<1x512x256xf32, #tpu.memory_space<vmem_shared>>
    %dma_start3A_648 = tpu.memref_squeeze %dma_start3A_647 : memref<1x512x256xf32, #tpu.memory_space<vmem_shared>> -> memref<512x256xf32, #tpu.memory_space<vmem_shared>>
    tpu.enqueue_dma source(%dma_start3A_648 : memref<512x256xf32, #tpu.memory_space<vmem_shared>>) target(%dma_start3A_645 : memref<512x256xf32, #tpu.memory_space<hbm>>) target_semaphore(%arg13 : memref<!tpu.dma_semaphore, #tpu.memory_space<semaphore_mem>>)
    %dma_wait3A_649 = arith.constant 0 : i32
    %dma_wait3A_650 = arith.constant 0 : i32
    %dma_wait3A_651 = arith.constant 0 : i32
    %dma_wait3A_652 = tpu.memref_slice %arg3[%add3A_158, %dma_wait3A_650, %dma_wait3A_651] : memref<512x512x256xf32, #tpu.memory_space<hbm>> -> memref<1x512x256xf32, #tpu.memory_space<hbm>>
    %dma_wait3A_653 = tpu.memref_squeeze %dma_wait3A_652 : memref<1x512x256xf32, #tpu.memory_space<hbm>> -> memref<512x256xf32, #tpu.memory_space<hbm>>
    %dma_wait3A_654 = arith.constant 0 : i32
    %dma_wait3A_655 = tpu.memref_slice %arg4[%dma_wait3A_649, %mul3A_163, %dma_wait3A_654] : memref<4x1024x256xf32, #tpu.memory_space<vmem_shared>> -> memref<1x512x256xf32, #tpu.memory_space<vmem_shared>>
    %dma_wait3A_656 = tpu.memref_squeeze %dma_wait3A_655 : memref<1x512x256xf32, #tpu.memory_space<vmem_shared>> -> memref<512x256xf32, #tpu.memory_space<vmem_shared>>
    tpu.wait_dma2 semaphore(%arg13 : memref<!tpu.dma_semaphore, #tpu.memory_space<semaphore_mem>>) src(%dma_wait3A_656 : memref<512x256xf32, #tpu.memory_space<vmem_shared>>) dst(%dma_wait3A_653 : memref<512x256xf32, #tpu.memory_space<hbm>>)
    %dma_wait3A_657 = arith.constant 0 : i32
    %dma_wait3A_658 = arith.constant 0 : i32
    %dma_wait3A_659 = arith.constant 0 : i32
    %dma_wait3A_660 = tpu.memref_slice %arg3[%add3A_178, %dma_wait3A_658, %dma_wait3A_659] : memref<512x512x256xf32, #tpu.memory_space<hbm>> -> memref<1x512x256xf32, #tpu.memory_space<hbm>>
    %dma_wait3A_661 = tpu.memref_squeeze %dma_wait3A_660 : memref<1x512x256xf32, #tpu.memory_space<hbm>> -> memref<512x256xf32, #tpu.memory_space<hbm>>
    %dma_wait3A_662 = arith.constant 0 : i32
    %dma_wait3A_663 = tpu.memref_slice %arg4[%dma_wait3A_657, %mul3A_183, %dma_wait3A_662] : memref<4x1024x256xf32, #tpu.memory_space<vmem_shared>> -> memref<1x512x256xf32, #tpu.memory_space<vmem_shared>>
    %dma_wait3A_664 = tpu.memref_squeeze %dma_wait3A_663 : memref<1x512x256xf32, #tpu.memory_space<vmem_shared>> -> memref<512x256xf32, #tpu.memory_space<vmem_shared>>
    tpu.wait_dma2 semaphore(%arg13 : memref<!tpu.dma_semaphore, #tpu.memory_space<semaphore_mem>>) src(%dma_wait3A_664 : memref<512x256xf32, #tpu.memory_space<vmem_shared>>) dst(%dma_wait3A_661 : memref<512x256xf32, #tpu.memory_space<hbm>>)
    %dma_wait3A_665 = arith.constant 0 : i32
    %dma_wait3A_666 = arith.constant 0 : i32
    %dma_wait3A_667 = arith.constant 0 : i32
    %dma_wait3A_668 = tpu.memref_slice %arg3[%add3A_198, %dma_wait3A_666, %dma_wait3A_667] : memref<512x512x256xf32, #tpu.memory_space<hbm>> -> memref<1x512x256xf32, #tpu.memory_space<hbm>>
    %dma_wait3A_669 = tpu.memref_squeeze %dma_wait3A_668 : memref<1x512x256xf32, #tpu.memory_space<hbm>> -> memref<512x256xf32, #tpu.memory_space<hbm>>
    %dma_wait3A_670 = arith.constant 0 : i32
    %dma_wait3A_671 = tpu.memref_slice %arg4[%dma_wait3A_665, %mul3A_203, %dma_wait3A_670] : memref<4x1024x256xf32, #tpu.memory_space<vmem_shared>> -> memref<1x512x256xf32, #tpu.memory_space<vmem_shared>>
    %dma_wait3A_672 = tpu.memref_squeeze %dma_wait3A_671 : memref<1x512x256xf32, #tpu.memory_space<vmem_shared>> -> memref<512x256xf32, #tpu.memory_space<vmem_shared>>
    tpu.wait_dma2 semaphore(%arg13 : memref<!tpu.dma_semaphore, #tpu.memory_space<semaphore_mem>>) src(%dma_wait3A_672 : memref<512x256xf32, #tpu.memory_space<vmem_shared>>) dst(%dma_wait3A_669 : memref<512x256xf32, #tpu.memory_space<hbm>>)
    %dma_wait3A_673 = arith.constant 0 : i32
    %dma_wait3A_674 = arith.constant 0 : i32
    %dma_wait3A_675 = arith.constant 0 : i32
    %dma_wait3A_676 = tpu.memref_slice %arg3[%add3A_218, %dma_wait3A_674, %dma_wait3A_675] : memref<512x512x256xf32, #tpu.memory_space<hbm>> -> memref<1x512x256xf32, #tpu.memory_space<hbm>>
    %dma_wait3A_677 = tpu.memref_squeeze %dma_wait3A_676 : memref<1x512x256xf32, #tpu.memory_space<hbm>> -> memref<512x256xf32, #tpu.memory_space<hbm>>
    %dma_wait3A_678 = arith.constant 0 : i32
    %dma_wait3A_679 = tpu.memref_slice %arg4[%dma_wait3A_673, %mul3A_223, %dma_wait3A_678] : memref<4x1024x256xf32, #tpu.memory_space<vmem_shared>> -> memref<1x512x256xf32, #tpu.memory_space<vmem_shared>>
    %dma_wait3A_680 = tpu.memref_squeeze %dma_wait3A_679 : memref<1x512x256xf32, #tpu.memory_space<vmem_shared>> -> memref<512x256xf32, #tpu.memory_space<vmem_shared>>
    tpu.wait_dma2 semaphore(%arg13 : memref<!tpu.dma_semaphore, #tpu.memory_space<semaphore_mem>>) src(%dma_wait3A_680 : memref<512x256xf32, #tpu.memory_space<vmem_shared>>) dst(%dma_wait3A_677 : memref<512x256xf32, #tpu.memory_space<hbm>>)
    %dma_wait3A_681 = arith.constant 1 : i32
    %dma_wait3A_682 = arith.constant 0 : i32
    %dma_wait3A_683 = arith.constant 0 : i32
    %dma_wait3A_684 = tpu.memref_slice %arg3[%add3A_297, %dma_wait3A_682, %dma_wait3A_683] : memref<512x512x256xf32, #tpu.memory_space<hbm>> -> memref<1x512x256xf32, #tpu.memory_space<hbm>>
    %dma_wait3A_685 = tpu.memref_squeeze %dma_wait3A_684 : memref<1x512x256xf32, #tpu.memory_space<hbm>> -> memref<512x256xf32, #tpu.memory_space<hbm>>
    %dma_wait3A_686 = arith.constant 0 : i32
    %dma_wait3A_687 = tpu.memref_slice %arg4[%dma_wait3A_681, %mul3A_302, %dma_wait3A_686] : memref<4x1024x256xf32, #tpu.memory_space<vmem_shared>> -> memref<1x512x256xf32, #tpu.memory_space<vmem_shared>>
    %dma_wait3A_688 = tpu.memref_squeeze %dma_wait3A_687 : memref<1x512x256xf32, #tpu.memory_space<vmem_shared>> -> memref<512x256xf32, #tpu.memory_space<vmem_shared>>
    tpu.wait_dma2 semaphore(%arg13 : memref<!tpu.dma_semaphore, #tpu.memory_space<semaphore_mem>>) src(%dma_wait3A_688 : memref<512x256xf32, #tpu.memory_space<vmem_shared>>) dst(%dma_wait3A_685 : memref<512x256xf32, #tpu.memory_space<hbm>>)
    %dma_wait3A_689 = arith.constant 1 : i32
    %dma_wait3A_690 = arith.constant 0 : i32
    %dma_wait3A_691 = arith.constant 0 : i32
    %dma_wait3A_692 = tpu.memref_slice %arg3[%add3A_317, %dma_wait3A_690, %dma_wait3A_691] : memref<512x512x256xf32, #tpu.memory_space<hbm>> -> memref<1x512x256xf32, #tpu.memory_space<hbm>>
    %dma_wait3A_693 = tpu.memref_squeeze %dma_wait3A_692 : memref<1x512x256xf32, #tpu.memory_space<hbm>> -> memref<512x256xf32, #tpu.memory_space<hbm>>
    %dma_wait3A_694 = arith.constant 0 : i32
    %dma_wait3A_695 = tpu.memref_slice %arg4[%dma_wait3A_689, %mul3A_322, %dma_wait3A_694] : memref<4x1024x256xf32, #tpu.memory_space<vmem_shared>> -> memref<1x512x256xf32, #tpu.memory_space<vmem_shared>>
    %dma_wait3A_696 = tpu.memref_squeeze %dma_wait3A_695 : memref<1x512x256xf32, #tpu.memory_space<vmem_shared>> -> memref<512x256xf32, #tpu.memory_space<vmem_shared>>
    tpu.wait_dma2 semaphore(%arg13 : memref<!tpu.dma_semaphore, #tpu.memory_space<semaphore_mem>>) src(%dma_wait3A_696 : memref<512x256xf32, #tpu.memory_space<vmem_shared>>) dst(%dma_wait3A_693 : memref<512x256xf32, #tpu.memory_space<hbm>>)
    %dma_wait3A_697 = arith.constant 1 : i32
    %dma_wait3A_698 = arith.constant 0 : i32
    %dma_wait3A_699 = arith.constant 0 : i32
    %dma_wait3A_700 = tpu.memref_slice %arg3[%add3A_337, %dma_wait3A_698, %dma_wait3A_699] : memref<512x512x256xf32, #tpu.memory_space<hbm>> -> memref<1x512x256xf32, #tpu.memory_space<hbm>>
    %dma_wait3A_701 = tpu.memref_squeeze %dma_wait3A_700 : memref<1x512x256xf32, #tpu.memory_space<hbm>> -> memref<512x256xf32, #tpu.memory_space<hbm>>
    %dma_wait3A_702 = arith.constant 0 : i32
    %dma_wait3A_703 = tpu.memref_slice %arg4[%dma_wait3A_697, %mul3A_342, %dma_wait3A_702] : memref<4x1024x256xf32, #tpu.memory_space<vmem_shared>> -> memref<1x512x256xf32, #tpu.memory_space<vmem_shared>>
    %dma_wait3A_704 = tpu.memref_squeeze %dma_wait3A_703 : memref<1x512x256xf32, #tpu.memory_space<vmem_shared>> -> memref<512x256xf32, #tpu.memory_space<vmem_shared>>
    tpu.wait_dma2 semaphore(%arg13 : memref<!tpu.dma_semaphore, #tpu.memory_space<semaphore_mem>>) src(%dma_wait3A_704 : memref<512x256xf32, #tpu.memory_space<vmem_shared>>) dst(%dma_wait3A_701 : memref<512x256xf32, #tpu.memory_space<hbm>>)
    %dma_wait3A_705 = arith.constant 1 : i32
    %dma_wait3A_706 = arith.constant 0 : i32
    %dma_wait3A_707 = arith.constant 0 : i32
    %dma_wait3A_708 = tpu.memref_slice %arg3[%add3A_357, %dma_wait3A_706, %dma_wait3A_707] : memref<512x512x256xf32, #tpu.memory_space<hbm>> -> memref<1x512x256xf32, #tpu.memory_space<hbm>>
    %dma_wait3A_709 = tpu.memref_squeeze %dma_wait3A_708 : memref<1x512x256xf32, #tpu.memory_space<hbm>> -> memref<512x256xf32, #tpu.memory_space<hbm>>
    %dma_wait3A_710 = arith.constant 0 : i32
    %dma_wait3A_711 = tpu.memref_slice %arg4[%dma_wait3A_705, %mul3A_362, %dma_wait3A_710] : memref<4x1024x256xf32, #tpu.memory_space<vmem_shared>> -> memref<1x512x256xf32, #tpu.memory_space<vmem_shared>>
    %dma_wait3A_712 = tpu.memref_squeeze %dma_wait3A_711 : memref<1x512x256xf32, #tpu.memory_space<vmem_shared>> -> memref<512x256xf32, #tpu.memory_space<vmem_shared>>
    tpu.wait_dma2 semaphore(%arg13 : memref<!tpu.dma_semaphore, #tpu.memory_space<semaphore_mem>>) src(%dma_wait3A_712 : memref<512x256xf32, #tpu.memory_space<vmem_shared>>) dst(%dma_wait3A_709 : memref<512x256xf32, #tpu.memory_space<hbm>>)
    %dma_wait3A_713 = arith.constant 2 : i32
    %dma_wait3A_714 = arith.constant 0 : i32
    %dma_wait3A_715 = arith.constant 0 : i32
    %dma_wait3A_716 = tpu.memref_slice %arg3[%add3A_436, %dma_wait3A_714, %dma_wait3A_715] : memref<512x512x256xf32, #tpu.memory_space<hbm>> -> memref<1x512x256xf32, #tpu.memory_space<hbm>>
    %dma_wait3A_717 = tpu.memref_squeeze %dma_wait3A_716 : memref<1x512x256xf32, #tpu.memory_space<hbm>> -> memref<512x256xf32, #tpu.memory_space<hbm>>
    %dma_wait3A_718 = arith.constant 0 : i32
    %dma_wait3A_719 = tpu.memref_slice %arg4[%dma_wait3A_713, %mul3A_441, %dma_wait3A_718] : memref<4x1024x256xf32, #tpu.memory_space<vmem_shared>> -> memref<1x512x256xf32, #tpu.memory_space<vmem_shared>>
    %dma_wait3A_720 = tpu.memref_squeeze %dma_wait3A_719 : memref<1x512x256xf32, #tpu.memory_space<vmem_shared>> -> memref<512x256xf32, #tpu.memory_space<vmem_shared>>
    tpu.wait_dma2 semaphore(%arg13 : memref<!tpu.dma_semaphore, #tpu.memory_space<semaphore_mem>>) src(%dma_wait3A_720 : memref<512x256xf32, #tpu.memory_space<vmem_shared>>) dst(%dma_wait3A_717 : memref<512x256xf32, #tpu.memory_space<hbm>>)
    %dma_wait3A_721 = arith.constant 2 : i32
    %dma_wait3A_722 = arith.constant 0 : i32
    %dma_wait3A_723 = arith.constant 0 : i32
    %dma_wait3A_724 = tpu.memref_slice %arg3[%add3A_456, %dma_wait3A_722, %dma_wait3A_723] : memref<512x512x256xf32, #tpu.memory_space<hbm>> -> memref<1x512x256xf32, #tpu.memory_space<hbm>>
    %dma_wait3A_725 = tpu.memref_squeeze %dma_wait3A_724 : memref<1x512x256xf32, #tpu.memory_space<hbm>> -> memref<512x256xf32, #tpu.memory_space<hbm>>
    %dma_wait3A_726 = arith.constant 0 : i32
    %dma_wait3A_727 = tpu.memref_slice %arg4[%dma_wait3A_721, %mul3A_461, %dma_wait3A_726] : memref<4x1024x256xf32, #tpu.memory_space<vmem_shared>> -> memref<1x512x256xf32, #tpu.memory_space<vmem_shared>>
    %dma_wait3A_728 = tpu.memref_squeeze %dma_wait3A_727 : memref<1x512x256xf32, #tpu.memory_space<vmem_shared>> -> memref<512x256xf32, #tpu.memory_space<vmem_shared>>
    tpu.wait_dma2 semaphore(%arg13 : memref<!tpu.dma_semaphore, #tpu.memory_space<semaphore_mem>>) src(%dma_wait3A_728 : memref<512x256xf32, #tpu.memory_space<vmem_shared>>) dst(%dma_wait3A_725 : memref<512x256xf32, #tpu.memory_space<hbm>>)
    %dma_wait3A_729 = arith.constant 2 : i32
    %dma_wait3A_730 = arith.constant 0 : i32
    %dma_wait3A_731 = arith.constant 0 : i32
    %dma_wait3A_732 = tpu.memref_slice %arg3[%add3A_476, %dma_wait3A_730, %dma_wait3A_731] : memref<512x512x256xf32, #tpu.memory_space<hbm>> -> memref<1x512x256xf32, #tpu.memory_space<hbm>>
    %dma_wait3A_733 = tpu.memref_squeeze %dma_wait3A_732 : memref<1x512x256xf32, #tpu.memory_space<hbm>> -> memref<512x256xf32, #tpu.memory_space<hbm>>
    %dma_wait3A_734 = arith.constant 0 : i32
    %dma_wait3A_735 = tpu.memref_slice %arg4[%dma_wait3A_729, %mul3A_481, %dma_wait3A_734] : memref<4x1024x256xf32, #tpu.memory_space<vmem_shared>> -> memref<1x512x256xf32, #tpu.memory_space<vmem_shared>>
    %dma_wait3A_736 = tpu.memref_squeeze %dma_wait3A_735 : memref<1x512x256xf32, #tpu.memory_space<vmem_shared>> -> memref<512x256xf32, #tpu.memory_space<vmem_shared>>
    tpu.wait_dma2 semaphore(%arg13 : memref<!tpu.dma_semaphore, #tpu.memory_space<semaphore_mem>>) src(%dma_wait3A_736 : memref<512x256xf32, #tpu.memory_space<vmem_shared>>) dst(%dma_wait3A_733 : memref<512x256xf32, #tpu.memory_space<hbm>>)
    %dma_wait3A_737 = arith.constant 2 : i32
    %dma_wait3A_738 = arith.constant 0 : i32
    %dma_wait3A_739 = arith.constant 0 : i32
    %dma_wait3A_740 = tpu.memref_slice %arg3[%add3A_496, %dma_wait3A_738, %dma_wait3A_739] : memref<512x512x256xf32, #tpu.memory_space<hbm>> -> memref<1x512x256xf32, #tpu.memory_space<hbm>>
    %dma_wait3A_741 = tpu.memref_squeeze %dma_wait3A_740 : memref<1x512x256xf32, #tpu.memory_space<hbm>> -> memref<512x256xf32, #tpu.memory_space<hbm>>
    %dma_wait3A_742 = arith.constant 0 : i32
    %dma_wait3A_743 = tpu.memref_slice %arg4[%dma_wait3A_737, %mul3A_501, %dma_wait3A_742] : memref<4x1024x256xf32, #tpu.memory_space<vmem_shared>> -> memref<1x512x256xf32, #tpu.memory_space<vmem_shared>>
    %dma_wait3A_744 = tpu.memref_squeeze %dma_wait3A_743 : memref<1x512x256xf32, #tpu.memory_space<vmem_shared>> -> memref<512x256xf32, #tpu.memory_space<vmem_shared>>
    tpu.wait_dma2 semaphore(%arg13 : memref<!tpu.dma_semaphore, #tpu.memory_space<semaphore_mem>>) src(%dma_wait3A_744 : memref<512x256xf32, #tpu.memory_space<vmem_shared>>) dst(%dma_wait3A_741 : memref<512x256xf32, #tpu.memory_space<hbm>>)
    %dma_wait3A_745 = arith.constant 3 : i32
    %dma_wait3A_746 = arith.constant 0 : i32
    %dma_wait3A_747 = arith.constant 0 : i32
    %dma_wait3A_748 = tpu.memref_slice %arg3[%add3A_575, %dma_wait3A_746, %dma_wait3A_747] : memref<512x512x256xf32, #tpu.memory_space<hbm>> -> memref<1x512x256xf32, #tpu.memory_space<hbm>>
    %dma_wait3A_749 = tpu.memref_squeeze %dma_wait3A_748 : memref<1x512x256xf32, #tpu.memory_space<hbm>> -> memref<512x256xf32, #tpu.memory_space<hbm>>
    %dma_wait3A_750 = arith.constant 0 : i32
    %dma_wait3A_751 = tpu.memref_slice %arg4[%dma_wait3A_745, %mul3A_580, %dma_wait3A_750] : memref<4x1024x256xf32, #tpu.memory_space<vmem_shared>> -> memref<1x512x256xf32, #tpu.memory_space<vmem_shared>>
    %dma_wait3A_752 = tpu.memref_squeeze %dma_wait3A_751 : memref<1x512x256xf32, #tpu.memory_space<vmem_shared>> -> memref<512x256xf32, #tpu.memory_space<vmem_shared>>
    tpu.wait_dma2 semaphore(%arg13 : memref<!tpu.dma_semaphore, #tpu.memory_space<semaphore_mem>>) src(%dma_wait3A_752 : memref<512x256xf32, #tpu.memory_space<vmem_shared>>) dst(%dma_wait3A_749 : memref<512x256xf32, #tpu.memory_space<hbm>>)
    %dma_wait3A_753 = arith.constant 3 : i32
    %dma_wait3A_754 = arith.constant 0 : i32
    %dma_wait3A_755 = arith.constant 0 : i32
    %dma_wait3A_756 = tpu.memref_slice %arg3[%add3A_595, %dma_wait3A_754, %dma_wait3A_755] : memref<512x512x256xf32, #tpu.memory_space<hbm>> -> memref<1x512x256xf32, #tpu.memory_space<hbm>>
    %dma_wait3A_757 = tpu.memref_squeeze %dma_wait3A_756 : memref<1x512x256xf32, #tpu.memory_space<hbm>> -> memref<512x256xf32, #tpu.memory_space<hbm>>
    %dma_wait3A_758 = arith.constant 0 : i32
    %dma_wait3A_759 = tpu.memref_slice %arg4[%dma_wait3A_753, %mul3A_600, %dma_wait3A_758] : memref<4x1024x256xf32, #tpu.memory_space<vmem_shared>> -> memref<1x512x256xf32, #tpu.memory_space<vmem_shared>>
    %dma_wait3A_760 = tpu.memref_squeeze %dma_wait3A_759 : memref<1x512x256xf32, #tpu.memory_space<vmem_shared>> -> memref<512x256xf32, #tpu.memory_space<vmem_shared>>
    tpu.wait_dma2 semaphore(%arg13 : memref<!tpu.dma_semaphore, #tpu.memory_space<semaphore_mem>>) src(%dma_wait3A_760 : memref<512x256xf32, #tpu.memory_space<vmem_shared>>) dst(%dma_wait3A_757 : memref<512x256xf32, #tpu.memory_space<hbm>>)
    %dma_wait3A_761 = arith.constant 3 : i32
    %dma_wait3A_762 = arith.constant 0 : i32
    %dma_wait3A_763 = arith.constant 0 : i32
    %dma_wait3A_764 = tpu.memref_slice %arg3[%add3A_615, %dma_wait3A_762, %dma_wait3A_763] : memref<512x512x256xf32, #tpu.memory_space<hbm>> -> memref<1x512x256xf32, #tpu.memory_space<hbm>>
    %dma_wait3A_765 = tpu.memref_squeeze %dma_wait3A_764 : memref<1x512x256xf32, #tpu.memory_space<hbm>> -> memref<512x256xf32, #tpu.memory_space<hbm>>
    %dma_wait3A_766 = arith.constant 0 : i32
    %dma_wait3A_767 = tpu.memref_slice %arg4[%dma_wait3A_761, %mul3A_620, %dma_wait3A_766] : memref<4x1024x256xf32, #tpu.memory_space<vmem_shared>> -> memref<1x512x256xf32, #tpu.memory_space<vmem_shared>>
    %dma_wait3A_768 = tpu.memref_squeeze %dma_wait3A_767 : memref<1x512x256xf32, #tpu.memory_space<vmem_shared>> -> memref<512x256xf32, #tpu.memory_space<vmem_shared>>
    tpu.wait_dma2 semaphore(%arg13 : memref<!tpu.dma_semaphore, #tpu.memory_space<semaphore_mem>>) src(%dma_wait3A_768 : memref<512x256xf32, #tpu.memory_space<vmem_shared>>) dst(%dma_wait3A_765 : memref<512x256xf32, #tpu.memory_space<hbm>>)
    %dma_wait3A_769 = arith.constant 3 : i32
    %dma_wait3A_770 = arith.constant 0 : i32
    %dma_wait3A_771 = arith.constant 0 : i32
    %dma_wait3A_772 = tpu.memref_slice %arg3[%add3A_635, %dma_wait3A_770, %dma_wait3A_771] : memref<512x512x256xf32, #tpu.memory_space<hbm>> -> memref<1x512x256xf32, #tpu.memory_space<hbm>>
    %dma_wait3A_773 = tpu.memref_squeeze %dma_wait3A_772 : memref<1x512x256xf32, #tpu.memory_space<hbm>> -> memref<512x256xf32, #tpu.memory_space<hbm>>
    %dma_wait3A_774 = arith.constant 0 : i32
    %dma_wait3A_775 = tpu.memref_slice %arg4[%dma_wait3A_769, %mul3A_640, %dma_wait3A_774] : memref<4x1024x256xf32, #tpu.memory_space<vmem_shared>> -> memref<1x512x256xf32, #tpu.memory_space<vmem_shared>>
    %dma_wait3A_776 = tpu.memref_squeeze %dma_wait3A_775 : memref<1x512x256xf32, #tpu.memory_space<vmem_shared>> -> memref<512x256xf32, #tpu.memory_space<vmem_shared>>
    tpu.wait_dma2 semaphore(%arg13 : memref<!tpu.dma_semaphore, #tpu.memory_space<semaphore_mem>>) src(%dma_wait3A_776 : memref<512x256xf32, #tpu.memory_space<vmem_shared>>) dst(%dma_wait3A_773 : memref<512x256xf32, #tpu.memory_space<hbm>>)
    return
  }
}

</mosaic_0001>

<sc_bundles>
// kernel: kernel.3.cloned.1.call-start
scs
__scs_entry_jumppad:
0x0: {  	(pc) =	sbr.rel $0x88, $3  }
0x1: {  	(tag) =	ssettag $0x0;
	lr =	simm.s32 $0x1  }
0x2: {  	[smem:$0x3FA0] =	sst lr;
	_ =	strace $0xD0000000  }
0x3: {  	_ = 	snop  }
0x4: {  	_ = 	snop  }
0x5: {  	_ = 	snop  }
0x6: {  	_ = 	snop  }
0x7: {  	_ = 	snop  }
__scs_overlays_trampoline_lowered:
0x8: {  	[smem:$0x3FAF] =	sst s0  }
0x9: {  	[smem:$0x3FB0] =	sst s1  }
0xa: {  	[smem:$0x3FB1] =	sst s2  }
0xb: {  	[smem:$0x3FB2] =	sst s3  }
0xc: {  	[smem:$0x3FB3] =	sst s4  }
0xd: {  	[smem:$0x3FB4] =	sst s5  }
0xe: {  	[smem:$0x3FB5] =	sst s6  }
0xf: {  	[smem:$0x3FB6] =	sst s7  }
0x10: {  	[smem:$0x3FB7] =	sst s8  }
0x11: {  	[smem:$0x3FB8] =	sst s9;
	s0 =	simm.s32 @!p0 $0x0  }
0x12: {  	s1 =	sld [smem:$0x3F9E];
	s0 =	simm.s32 @p0 $0x1  }
0x13: {  	[smem:$0x3FB9] =	sst s0;
	s0 =	simm.s32 @!p1 $0x0  }
0x14: {  	s2 =	sld [smem:$0x3F9D];
	s0 =	simm.s32 @p1 $0x1  }
0x15: {  	[smem:$0x3FBA] =	sst s0;
	s0 =	simm.s32 @!p2 $0x0  }
0x16: {  	s3 =	sld [smem:$0x3FDB];
	s0 =	simm.s32 @p2 $0x1  }
0x17: {  	s4 =	simm.s32 $0x1BF5;
	[smem:$0x3FBC] =	sst s0  }
0x18: {  	s0 =	sld [smem:$0x3F9F];
	_ =	swait.ge [sflag:s4], $0x0  }
0x19: {  	s7 =	sld [smem:$0x3FA0]  }
0x1a: {  	s8 =	sadd.s32 $0xFFFFE003, lr  }
0x1b: {  	s9 =	sadd.s32 $0xFFFFFEF7, lr;
	s5 =	simm.s32 $0xFFFFFFFF;
	p2 =	slt.u32 s8, $0xFFFFF086  }
0x1c: {  	p1 =	slt.u32 s9, $0xF7A;
	s5 =	simm.s32 @!p2 $0x0  }
0x1d: {  	s5 =	simm.s32 @p1 $0x1;
	p0 =	seq.s32 s7, s2  }
0x1e: {  	s7 =	smul.u32 @!p0 $0xF7A, s2;
	p2 =	seq.s32 @!p0 s5, $0x0  }
0x1f: {  	s9 =	smul.u32 $0xF7A, s1;
	s8 =	simm.s32 @!p0 $0x1BF5;
	p2 =	por !p2, p0  }
0x20: {  	[sflag:s8] =	ssyncset.s32 @!p0 $0xFFFFF086;
	s6 =	sadd.s32 @!p0 s3, s7;
	s7 =	simm.s32 @!p0 $0x108  }
0x21: {  	s3 =	sadd.s32 s3, s9;
	s6 =	sadd.s32 @!p0 $0x88, s6;
	s7 =	simm.s32 @p2 $0x1082  }
0x22: {  	[simem:s7], [sflag:s8] =	dma.local @!p0 [hbm:s6], $0xF7A  }
0x23: {  	s9 =	sor.u32 $0xD0000000, s2;
	s6 =	simm.s32 $0x108;
	_ =	swait.ge @!p0 [sflag:s8], $0x0  }
0x24: {  	s3 =	sadd.s32 $0x88, s3;
	s6 =	simm.s32 @!p1 $0x1082;
	[sflag:s4] =	ssyncset.s32 $0xFFFFF086  }
0x25: {  	[simem:s6], [sflag:s4] =	dma.local [hbm:s3], $0xF7A  }
0x26: {  	[smem:$0x3FA0] =	sst s1;
	(tag) =	ssettag s2;
	_ =	strace s9  }
0x27: {  	s1 =	sld [smem:$0x3FB0]  }
0x28: {  	s2 =	sld [smem:$0x3FB1]  }
0x29: {  	s4 =	sld [smem:$0x3FB3]  }
0x2a: {  	p0 =	seq.s32 s5, $0x0;
	s5 =	sld [smem:$0x3FB4]  }
0x2b: {  	s6 =	sld [smem:$0x3FB5]  }
0x2c: {  	s7 =	sld [smem:$0x3FB6]  }
0x2d: {  	s3 =	simm.s32 $0x108;
	s8 =	sld [smem:$0x3FB7]  }
0x2e: {  	s3 =	simm.s32 @!p0 $0x1082;
	s9 =	sld [smem:$0x3FB8]  }
0x2f: {  	lr =	sadd.s32 s0, s3;
	s0 =	sld [smem:$0x3FAF]  }
0x30: {  	s3 =	sld [smem:$0x3FB2]  }
0x31: {  	[smem:$0x3FBB] =	sst s10  }
0x32: {  	s10 =	sld [smem:$0x3FB9];
	_ =	sdelay $0x3  }
0x33: {  	p0 =	seq.s32 s10, $0x1;
	s10 =	sld [smem:$0x3FBB];
	_ =	sdelay $0x3  }
0x34: {  	[smem:$0x3FBB] =	sst s10  }
0x35: {  	s10 =	sld [smem:$0x3FBA];
	_ =	sdelay $0x3  }
0x36: {  	p1 =	seq.s32 s10, $0x1;
	s10 =	sld [smem:$0x3FBB];
	_ =	sdelay $0x3  }
0x37: {  	[smem:$0x3FBB] =	sst s10  }
0x38: {  	s10 =	sld [smem:$0x3FBC]  }
0x39: {  	_ = 	snop;
	(pc) =	sbr.ind lr, $3  }
0x3a: {  	_ = 	snop  }
0x3b: {  	_ = 	snop  }
0x3c: {  	p2 =	seq.s32 s10, $0x1;
	s10 =	sld [smem:$0x3FBB]  }
0x3d: {  	_ =	shalt  }
0x3e: {  	_ =	shalt  }
0x3f: {  	_ =	shalt  }
0x40: {  	_ =	shalt  }
0x41: {  	_ =	shalt  }
0x42: {  	_ =	shalt  }
0x43: {  	_ =	shalt  }
0x44: {  	_ =	shalt  }
0x45: {  	_ =	shalt  }
0x46: {  	_ =	shalt  }
0x47: {  	_ =	shalt  }
0x48: {  	_ =	shalt  }
0x49: {  	_ =	shalt  }
0x4a: {  	_ =	shalt  }
0x4b: {  	_ =	shalt  }
0x4c: {  	_ =	shalt  }
0x4d: {  	_ =	shalt  }
0x4e: {  	_ =	shalt  }
0x4f: {  	_ =	shalt  }
0x50: {  	_ =	shalt  }
0x51: {  	_ =	shalt  }
0x52: {  	_ =	shalt  }
0x53: {  	_ =	shalt  }
0x54: {  	_ =	shalt  }
0x55: {  	_ =	shalt  }
0x56: {  	_ =	shalt  }
0x57: {  	_ =	shalt  }
0x58: {  	_ =	shalt  }
0x59: {  	_ =	shalt  }
0x5a: {  	_ =	shalt  }
0x5b: {  	_ =	shalt  }
0x5c: {  	_ =	shalt  }
0x5d: {  	_ =	shalt  }
0x5e: {  	_ =	shalt  }
0x5f: {  	_ =	shalt  }
0x60: {  	_ =	shalt  }
0x61: {  	_ =	shalt  }
0x62: {  	_ =	shalt  }
0x63: {  	_ =	shalt  }
0x64: {  	_ =	shalt  }
0x65: {  	_ =	shalt  }
0x66: {  	_ =	shalt  }
0x67: {  	_ =	shalt  }
0x68: {  	_ =	shalt  }
0x69: {  	_ =	shalt  }
0x6a: {  	_ =	shalt  }
0x6b: {  	_ =	shalt  }
0x6c: {  	_ =	shalt  }
0x6d: {  	_ =	shalt  }
0x6e: {  	_ =	shalt  }
0x6f: {  	_ =	shalt  }
0x70: {  	_ =	shalt  }
0x71: {  	_ =	shalt  }
0x72: {  	_ =	shalt  }
0x73: {  	_ =	shalt  }
0x74: {  	_ =	shalt  }
0x75: {  	_ =	shalt  }
0x76: {  	_ =	shalt  }
0x77: {  	_ =	shalt  }
0x78: {  	_ =	shalt  }
0x79: {  	_ =	shalt  }
0x7a: {  	_ =	shalt  }
0x7b: {  	_ =	shalt  }
0x7c: {  	_ =	shalt  }
0x7d: {  	_ =	shalt  }
0x7e: {  	_ =	shalt  }
0x7f: {  	_ =	shalt  }
0x80: {  	_ =	shalt  }
0x81: {  	_ =	shalt  }
0x82: {  	_ =	shalt  }
0x83: {  	_ =	shalt  }
0x84: {  	_ =	shalt  }
0x85: {  	_ =	shalt  }
0x86: {  	_ =	shalt  }
0x87: {  	_ =	shalt  }
.Lfunc_end0:
.L_simem_size_0:
called_computation_lowered:
.L_overlay_start_0:
0x88: {  	s2 =	sld [smem:$0x3FD9]  }
0x89: {  	s3 =	sld [smem:$0x3FFE];
	_ =	sdelay $0x1  }
0x8a: {  	s1 =	srdreg.scid  }
0x8b: {  	s0 =	sand.u32 $0x1, s1  }
0x8c: {  	s18 =	sshll.u32 s0, $0xA;
	s2 =	sadd.s32 s3, s2  }
0x8d: {  	s2 =	sadd.s32 s2, s18  }
0x8e: {  	[smem:$0x3FC7] =	sst s2  }
0x8f: {  	_ = 	snop  }
0x90: {  	s2 =	sld [smem:$0x3FC9]  }
0x91: {  	s19 =	sld [smem:$0x3FD0];
	(tm) =	ssettm $0x1  }
0x92: {  	s4 =	sld [smem:$0x3FFB];
	_ =	sdelay $0x3  }
0x93: {  	_ =	strace s4  }
0x94: {  	s4 =	sld [smem:$0x3FFC];
	_ =	sdelay $0x3  }
0x95: {  	_ =	strace s4  }
0x96: {  	s4 =	sld [smem:$0x3FFD];
	_ =	sdelay $0x3  }
0x97: {  	_ =	strace s4  }
0x98: {  	_ =	strace $0x8FFFFFFF  }
0x99: {  	s20 =	sld [smem:$0x3FDB];
	_ =	sdelay $0x1  }
0x9a: {  	s5 =	simm.s32 $_scs_section_size  }
0x9b: {  	s6 =	simm.s32 $_size__tile_overlayer_lowered;
	s7 =	simm.s32 $_tile_overlayer_lowered  }
0x9c: {  	s23 =	simm.s32 $0x1BFF;
	s22 =	sshll.u32 s7, $0x1;
	s4 =	sadd.s32 s5, s20  }
0x9d: {  	s8 =	simm.s32 $0x0;
	s21 =	sshll.u32 s6, $0x1;
	s6 =	sadd.s32 s22, s4  }
0x9e: {  	[timem:s8], [sflag:s23] =	dma.local [hbm:s6], s21  }
0x9f: {  	_ =	swait.ge [sflag:s23], s21  }
0xa0: {  	s5 =	ssub.s32 $0x0, s21;
	[sflag:s23] =	ssyncset.done $0x0  }
0xa1: {  	[sflag:s23] =	ssyncadd.s32 s5;
	_ =	sdelay $0x1  }
0xa2: {  	s24 =	simm.s32 $0x1B8B  }
0xa3: {  	_ =	swait.ge [sflag:s24], $0x1  }
0xa4: {  	[sflag:s24] =	ssyncset.done $0x0  }
0xa5: {  	s25 =	simm.s32 $0x1B8E;
	[sflag:s24] =	ssyncadd.s32 $0xFFFFFFFF  }
0xa6: {  	s26 =	simm.s32 $execute0_lowered;
	[smem:$0x3FD2] =	sst s25  }
0xa7: {  	s5 =	sshll.u32 s26, $0x1;
	_ =	strace $0x80000046;
	[dreg:$0x1] =	wrdreg $0xFFFFFFFF  }
0xa8: {  	s28 =	simm.s32 $_size_execute0_lowered;
	s4 =	sadd.s32 s4, s5;
	[dreg:$0x0] =	wrdreg $0x0  }
0xa9: {  	s5 =	sshll.u32 s28, $0x1;
	[dreg:$0x2] =	wrdreg s4  }
0xaa: {  	[dreg:$0x3] =	wrdreg s5  }
0xab: {  	[dreg:$0x4] =	wrdreg $0xC0  }
0xac: {  	_ =	task [dreg:s8], $0x5FFFF  }
0xad: {  	[dreg:$0x1] =	wrdreg $0xFFFFFFFF  }
0xae: {  	[dreg:$0x0] =	wrdreg $0x60  }
0xaf: {  	[dreg:$0x2] =	wrdreg s2  }
0xb0: {  	[dreg:$0x3] =	wrdreg s19  }
0xb1: {  	[dreg:$0x4] =	wrdreg $0x0  }
0xb2: {  	[dreg:$0x5] =	wrdreg $0x9  }
0xb3: {  	_ =	task.clear_ibuf [dreg:s8], $0x6FFFF;
	_ =	strace $0x90000046  }
0xb4: {  	s29 =	simm.s32 $0x9;
	_ =	strace $0x80000048  }
0xb5: {  	_ =	swait.ge [sflag:s29], $0x1  }
0xb6: {  	[sflag:s29] =	ssyncadd.s32 $0xFFFFFFFF  }
0xb7: {  	_ =	strace $0x90000048  }
0xb8: {  	_ =	sfence  }
0xb9: {  	s30 =	sld [smem:$0x0];
	_ =	sdelay $0x2  }
0xba: {  	s31 =	sshll.u32 s1, $0xD;
	s1 =	sshrl.u32 s1, $0x2  }
0xbb: {  	s3 =	sand.u32 $0x4000, s31;
	s1 =	sadd.s32 s1, s30  }
0xbc: {  	s0 =	sor.u32 s3, s0;
	s1 =	sshll.u32 s1, $0x11  }
0xbd: {  	s0 =	sor.u32 s1, s0  }
0xbe: {  	s0 =	sadd.s32 $0x8F2B, s0  }
0xbf: {  	[sflag:s0] =	ssyncadd.remote.s32 $0x1  }
0xc0: {  	_ =	sfence.sel $0xFFFF  }
0xc1: {  	[dreg:$0x0] =	wrdreg $0xFFFFFFFF;
	(pc) =	sbr.abs _section_cstart, $3  }
0xc2: {  	[dreg:$0x1] =	wrdreg $0xFFFFFFFF  }
0xc3: {  	_ =	task.clear_ibuf [dreg:s8], $0x2FFFF;
	_ =	strace $0x9FFFFFFF  }
0xc4: {  	(tm) =	ssettm $0x7FFFFFFF  }
0xc5: {  	_ =	shalt  }
tec
execute0_lowered:
.L_overlay_start_1:
0x0: {  	(tag) =	ssettag $0x1  }
0x1: {  	s0 =	srdreg.scid;
	s31 =	stileid.u32  }
0x2: {  	s2 =	rddreg [dreg:$0x2];
	s1 =	sand.u32 $0x1, s0;
	s19 =	sshll.u32 s31, $0xE  }
0x3: {  	s9 =	sshll.u32 s31, $0xF;
	s14 =	sshll.u32 s31, $0x5;
	s0 =	ssub.s32 $0x2, s1  }
0x4: {  	s5 =	sshll.u32 s1, $0x2;
	s1 =	sshll.u32 s1, $0xD;
	s16 =	sor.u32 $0x8, s14  }
0x5: {  	s3 =	sshrl.u32 s0, $0x1;
	s4 =	ssub.s32 $0x0, s5;
	s10 =	sor.u32 s1, s9  }
0x6: {  	s1 =	sadd.s32 s19, s2;
	s19 =	sor.u32 $0x18, s14;
	s13 =	sxor.u32 $0x7, s5  }
0x7: {  	s0 =	ssub.s32 s0, s3;
	s4 =	sand.u32 $0x4, s4;
	s20 =	ssub.s32 $0x80000, s10  }
0x8: {  	s7 =	sxor.u32 $0x7E000, s10;
	s8 =	ssub.s32 $0x7C000, s10;
	s22 =	sxor.u32 $0x7A000, s10  }
0x9: {  	s15 =	sor.u32 s14, s4;
	s3 =	sshrl.u32 s20, $0x2;
	s17 =	sor.u32 s4, s16  }
0xa: {  	s21 =	sshrl.u32 s7, $0x2;
	s8 =	sshrl.u32 s8, $0x2;
	s20 =	sor.u32 s4, s19  }
0xb: {  	s0 =	smax.u32 s0, $0x1;
	s6 =	sadd.s32 s3, s2;
	s7 =	sadd.s32 s21, s2  }
0xc: {  	s3 =	sor.u32 $0x10, s14;
	s8 =	sadd.s32 s8, s2;
	s21 =	sshrl.u32 s9, $0x2  }
0xd: {  	s15 =	sshll.u32 s15, $0xE;
	s17 =	sshll.u32 s17, $0xE;
	s18 =	sor.u32 s4, s3  }
0xe: {  	s4 =	sshrl.u32 s22, $0x2;
	s22 =	sor.u32 s14, s13;
	s23 =	sxor.u32 $0x1F800, s21  }
0xf: {  	s24 =	sxor.u32 $0x1F000, s21;
	s25 =	sxor.u32 $0x1E800, s21;
	s26 =	sxor.u32 $0x1E000, s21  }
0x10: {  	s21 =	sxor.u32 $0x6, s5;
	s9 =	sadd.s32 s4, s2;
	s10 =	sadd.s32 s23, s2  }
0x11: {  	s23 =	sor.u32 s13, s16;
	s11 =	sadd.s32 s24, s2;
	s24 =	sor.u32 s13, s3  }
0x12: {  	s12 =	sadd.s32 s25, s2;
	s25 =	sor.u32 s13, s19;
	s13 =	sadd.s32 s26, s2  }
0x13: {  	s26 =	sor.u32 s14, s21;
	s28 =	sor.u32 s21, s16;
	s29 =	sor.u32 s21, s3  }
0x14: {  	s4 =	sxor.u32 $0x5, s5;
	s21 =	sor.u32 s21, s19;
	s2 =	simm.s32 $0x0  }
0x15: {  	s22 =	sshll.u32 s22, $0xE;
	s14 =	sor.u32 s14, s4;
	s16 =	sor.u32 s4, s16  }
0x16: {  	s30 =	sor.u32 s4, s3;
	s3 =	sshll.u32 s31, $0x6;
	[smem:$0x7FF] =	sst s2  }
0x17: {  	s19 =	sor.u32 s4, s19;
	s31 =	rddreg [dreg:$0x1];
	s23 =	sshll.u32 s23, $0xE  }
0x18: {  	s24 =	sshll.u32 s24, $0xE;
	s4 =	smax.u32 s3, $0x100;
	s15 =	sadd.s32 s31, s15  }
0x19: {  	s14 =	sshll.u32 s14, $0xE;
	s4 =	smin.u32 s4, $0x2B8;
	[dreg:$0x4] =	wrdreg s15  }
0x1a: {  	s15 =	sadd.s32 s31, s17;
	s17 =	sshll.u32 s18, $0xE;
	s18 =	sshll.u32 s20, $0xE  }
0x1b: {  	s14 =	sadd.s32 s31, s14;
	s4 =	sadd.s32 $0xFFFFFF00, s4;
	[dreg:$0x5] =	wrdreg s15  }
0x1c: {  	s15 =	sadd.s32 s31, s17;
	s20 =	sadd.s32 s31, s18;
	[dreg:$0x10] =	wrdreg s14  }
0x1d: {  	s18 =	sadd.s32 s31, s24;
	s17 =	sshll.u32 s16, $0xE;
	[dreg:$0x6] =	wrdreg s15  }
0x1e: {  	s16 =	sadd.s32 $0x40000, s11;
	[dreg:$0x7] =	wrdreg s20;
	s15 =	sadd.s32 s31, s22  }
0x1f: {  	[dreg:$0xa] =	wrdreg s18;
	s20 =	sshll.u32 s25, $0xE;
	s22 =	sshll.u32 s26, $0xE  }
0x20: {  	s25 =	sshll.u32 s29, $0xE;
	s26 =	sshll.u32 s21, $0xE;
	s14 =	sadd.s32 s31, s17  }
0x21: {  	s18 =	sshll.u32 s30, $0xE;
	s21 =	sshll.u32 s19, $0xE;
	s17 =	sadd.s32 $0x80000, s11  }
0x22: {  	s19 =	sadd.s32 $0x80000, s12;
	s30 =	simm.s32 $0x3;
	[dreg:$0x8] =	wrdreg s15  }
0x23: {  	s15 =	sadd.s32 s31, s23;
	s23 =	sshll.u32 s28, $0xE;
	[dreg:$0x11] =	wrdreg s14  }
0x24: {  	s14 =	sadd.s32 s31, s18;
	s18 =	sadd.s32 $0xC0000, s11;
	[dreg:$0x9] =	wrdreg s15  }
0x25: {  	s11 =	sadd.s32 $0x40000, s12;
	s15 =	sadd.s32 s31, s20;
	s20 =	rddreg [dreg:$0x0]  }
0x26: {  	s24 =	sadd.s32 s31, s23;
	[dreg:$0x12] =	wrdreg s14;
	s14 =	sadd.s32 s31, s21  }
0x27: {  	s21 =	sadd.s32 $0x80000, s13;
	s23 =	sor.u32 s5, s3;
	[dreg:$0xb] =	wrdreg s15  }
0x28: {  	s5 =	sshrl.u32 s7, $0x3;
	s7 =	sshrl.u32 s9, $0x3;
	[dreg:$0xd] =	wrdreg s24  }
0x29: {  	s9 =	sshrl.u32 s16, $0x3;
	s15 =	sadd.s32 s31, s22;
	[dreg:$0x13] =	wrdreg s14  }
0x2a: {  	s22 =	sshll.u32 s4, $0x5;
	[dreg:$0xc] =	wrdreg s15;
	s15 =	sadd.s32 s31, s25  }
0x2b: {  	s28 =	sadd.s32 $0xFFFFFF02, s23;
	[dreg:$0xe] =	wrdreg s15;
	s15 =	sadd.s32 s31, s26  }
0x2c: {  	s29 =	sadd.s32 $0xFFFFFF03, s23;
	s14 =	sadd.s32 s20, s22;
	[dreg:$0xf] =	wrdreg s15  }
0x2d: {  	s24 =	sshrl.u32 s6, $0x3;
	_ =	strace $0x80000047;
	[dreg:$0x14] =	wrdreg s14  }
0x2e: {  	s6 =	sshrl.u32 s8, $0x3;
	s20 =	sadd.s32 $0xC0000, s12;
	[dreg:$0x15] =	wrdreg s0  }
0x2f: {  	s12 =	sadd.s32 $0x40000, s13;
	s22 =	sadd.s32 $0xC0000, s13;
	[dreg:$0x16] =	wrdreg s24  }
0x30: {  	s25 =	sadd.s32 $0xFFFFFF00, s23;
	s13 =	sshrl.u32 s11, $0x3;
	[dreg:$0x17] =	wrdreg s5  }
0x31: {  	s26 =	sadd.s32 $0xFFFFFF01, s23;
	s23 =	sshrl.u32 s17, $0x3;
	[dreg:$0x18] =	wrdreg s6  }
0x32: {  	s17 =	sadd.s32 $0x40000, s1;
	s31 =	simm.s32 $0x4;
	[dreg:$0x19] =	wrdreg s7  }
0x33: {  	s15 =	sadd.s32 $0x80000, s10;
	s14 =	sadd.s32 $0x40000, s10;
	[dreg:$0x1b] =	wrdreg s9  }
0x34: {  	s10 =	sadd.s32 $0xC0000, s10;
	[dreg:$0x1c] =	wrdreg s13;
	s16 =	sshrl.u32 s15, $0x3  }
0x35: {  	[dreg:$0x1f] =	wrdreg s23;
	s24 =	sshrl.u32 s19, $0x3;
	s15 =	sshrl.u32 s20, $0x3  }
0x36: {  	s19 =	sadd.s32 $0x80000, s1;
	s20 =	sadd.s32 $0xC0000, s1;
	s23 =	simm.s32 $0x2  }
0x37: {  	s8 =	sshrl.u32 s14, $0x3;
	s14 =	sshrl.u32 s12, $0x3;
	[dreg:$0x1e] =	wrdreg s16  }
0x38: {  	v3 =	vlaneseq.u32;
	[smem:$0x7FD] =	sst s24;
	s12 =	sshrl.u32 s21, $0x3;
	s13 =	sshrl.u32 s10, $0x3  }
0x39: {  	v0 =	vimm.s32 $0x200;
	vm0 =	vmmov $0xffff;
	v2 =	vshrl.u32 v3, $0x3;
	s16 =	sshrl.u32 s22, $0x3;
	s21 =	simm.s32 $0x1;
	[dreg:$0x1a] =	wrdreg s8  }
0x3a: {  	v1 =	vand.u32 $0x7, v3;
	v3 =	vor.u32 $0x8, v3;
	v2 =	vmul.u32 $0x8, v2;
	[dreg:$0x1d] =	wrdreg s14;
	s14 =	sshrl.u32 s18, $0x3;
	s18 =	simm.s32 $0x0  }
.LBB2_1:
0x3b: {  	[tilespmem:$0x14800] =	vst v0;
	s0 =	rddreg [dreg:$0x14];
	s5 =	simm.s32 $0x10000  }
0x3c: {  	[tilespmem:s5], [sflag:$0x1] =	stream.linear.gather [hbm4b:s0+s2], $0x4800, $0x38;
	[tilespmem:$0x1D880] =	vst v63  }
0x3d: {  	_ =	swait.ge [sflag:s21], $0x4800  }
0x3e: {  	[sflag:s21] =	ssyncset.done $0x0  }
0x3f: {  	[sflag:s21] =	ssyncadd.s32 $0xFFFFB800  }
0x40: {  	v4 =	vld [tilespmem:$0x14800];
	_ =	sdelay $0x4  }
0x41: {  	v5 =	vshll.u32 v4, $0x1  }
0x42: {  	v4 =	vand.u32 $0x7, v4;
	v5 =	vand.u32 $0xFFFFFFF0, v5  }
0x43: {  	v4 =	vor.u32 v4, v5  }
0x44: {  	v5 =	vperm.xlane v4, v1;
	_ =	sdelay $0x1  }
0x45: {  	v4 =	vperm.xlane v4, v3;
	v5 =	vadd.s32 v2, v5;
	_ =	sdelay $0x1  }
0x46: {  	v4 =	vadd.s32 v2, v4;
	_ =	sdelay $0x1  }
0x47: {  	s9 =	simm.s32 $0x14880;
	s8 =	rddreg [dreg:$0x0]  }
0x48: {  	[tilespmem:s9], [sflag:$0x1] =	stream.indirect_vreg.gather [hbm4b:s8+s2], $0x80, v5, vm0, $0xb8;
	[tilespmem:$0x1D880] =	vst v63  }
0x49: {  	s10 =	simm.s32 $0x15080  }
0x4a: {  	[tilespmem:s10], [sflag:$0x1] =	stream.indirect_vreg.gather [hbm4b:s8+s2], $0x80, v4, vm0, $0xb8;
	[tilespmem:$0x1D880] =	vst v63  }
0x4b: {  	_ =	swait.ge [sflag:s21], $0x1000  }
0x4c: {  	[sflag:s21] =	ssyncset.done $0x0  }
0x4d: {  	[sflag:s21] =	ssyncadd.s32 $0xFFFFF000  }
0x4e: {  	v19 =	vld [tilespmem:$0x14880]  }
0x4f: {  	p0 =	sgt.s32 s25, $0x0;
	s0 =	smov.u32 s25;
	v18 =	vld [tilespmem:$0x14890]  }
0x50: {  	s0 =	simm.s32 @!p0 $0x0;
	v16 =	vld [tilespmem:$0x148A0]  }
0x51: {  	s0 =	smin.u32 s0, $0x200;
	v17 =	vld [tilespmem:$0x148B0]  }
0x52: {  	s0 =	ssub.s32 s0, s4;
	v15 =	vld [tilespmem:$0x148C0]  }
0x53: {  	p1 =	slt.s32 s0, $0x47;
	v14 =	vld [tilespmem:$0x148D0]  }
0x54: {  	p6 =	sgt.s32 s0, $0x47;
	s0 =	simm.s32 @!p1 $0x47;
	v12 =	vld [tilespmem:$0x148E0]  }
0x55: {  	s11 =	sshll.u32 s0, $0x8;
	s0 =	sshll.u32 s0, $0x7;
	v13 =	vld [tilespmem:$0x148F0]  }
0x56: {  	s5 =	sand.u32 $0xFFFFF800, s11;
	s0 =	sand.u32 $0x380, s0;
	v8 =	vld [tilespmem:$0x14C80]  }
0x57: {  	s0 =	sor.u32 s0, s5;
	v9 =	vld [tilespmem:$0x14C90]  }
0x58: {  	v20 =	vld [tilespmem:s0+$0x10000]  }
0x59: {  	v10 =	vld [tilespmem:$0x14CA0]  }
0x5a: {  	v11 =	vld [tilespmem:$0x14CB0]  }
0x5b: {  	v7 =	vld [tilespmem:$0x14CC0]  }
0x5c: {  	s22 =	sand.u32 $0x3800, s2;
	s6 =	sand.u32 $0x380, s2;
	v6 =	vld [tilespmem:$0x14CD0]  }
0x5d: {  	s5 =	sor.u32 s6, s22;
	v4 =	vld [tilespmem:$0x14CE0];
	v20 =	vpsel p6, v19, v20  }
0x5e: {  	s24 =	sadd.s32 $0x10000, s0;
	v5 =	vld [tilespmem:$0x14CF0];
	[tilespmem:s5+$0x15880] =	vst v20  }
0x5f: {  	v20 =	vld [tilespmem:s24+$0x10];
	_ =	sdelay $0x4  }
0x60: {  	s0 =	sadd.s32 $0x15880, s5;
	v20 =	vpsel p6, v18, v20  }
0x61: {  	[tilespmem:s0+$0x10] =	vst v20  }
0x62: {  	v20 =	vld [tilespmem:s24+$0x20];
	_ =	sdelay $0x4  }
0x63: {  	v20 =	vpsel p6, v16, v20  }
0x64: {  	[tilespmem:s0+$0x20] =	vst v20  }
0x65: {  	v20 =	vld [tilespmem:s24+$0x30];
	_ =	sdelay $0x4  }
0x66: {  	v20 =	vpsel p6, v17, v20  }
0x67: {  	[tilespmem:s0+$0x30] =	vst v20  }
0x68: {  	v20 =	vld [tilespmem:s24+$0x40];
	_ =	sdelay $0x4  }
0x69: {  	v20 =	vpsel p6, v15, v20  }
0x6a: {  	[tilespmem:s0+$0x40] =	vst v20  }
0x6b: {  	v20 =	vld [tilespmem:s24+$0x50];
	_ =	sdelay $0x4  }
0x6c: {  	v20 =	vpsel p6, v14, v20  }
0x6d: {  	[tilespmem:s0+$0x50] =	vst v20  }
0x6e: {  	v20 =	vld [tilespmem:s24+$0x60];
	_ =	sdelay $0x4  }
0x6f: {  	v20 =	vpsel p6, v12, v20  }
0x70: {  	[tilespmem:s0+$0x60] =	vst v20  }
0x71: {  	v20 =	vld [tilespmem:s24+$0x70];
	_ =	sdelay $0x4  }
0x72: {  	v20 =	vpsel p6, v13, v20  }
0x73: {  	[tilespmem:s0+$0x70] =	vst v20  }
0x74: {  	v20 =	vld [tilespmem:s24+$0x400];
	_ =	sdelay $0x4  }
0x75: {  	v20 =	vpsel p6, v8, v20  }
0x76: {  	[tilespmem:s0+$0x400] =	vst v20  }
0x77: {  	v20 =	vld [tilespmem:s24+$0x410];
	_ =	sdelay $0x4  }
0x78: {  	v20 =	vpsel p6, v9, v20  }
0x79: {  	[tilespmem:s0+$0x410] =	vst v20  }
0x7a: {  	v20 =	vld [tilespmem:s24+$0x420];
	_ =	sdelay $0x4  }
0x7b: {  	v20 =	vpsel p6, v10, v20  }
0x7c: {  	[tilespmem:s0+$0x420] =	vst v20  }
0x7d: {  	v20 =	vld [tilespmem:s24+$0x430];
	_ =	sdelay $0x4  }
0x7e: {  	v20 =	vpsel p6, v11, v20  }
0x7f: {  	[tilespmem:s0+$0x430] =	vst v20  }
0x80: {  	v20 =	vld [tilespmem:s24+$0x440];
	_ =	sdelay $0x4  }
0x81: {  	v20 =	vpsel p6, v7, v20  }
0x82: {  	[tilespmem:s0+$0x440] =	vst v20  }
0x83: {  	v20 =	vld [tilespmem:s24+$0x450];
	_ =	sdelay $0x4  }
0x84: {  	v20 =	vpsel p6, v6, v20  }
0x85: {  	[tilespmem:s0+$0x450] =	vst v20  }
0x86: {  	v20 =	vld [tilespmem:s24+$0x460];
	_ =	sdelay $0x3  }
0x87: {  	s5 =	sadd.s32 $0x1, s25  }
0x88: {  	p1 =	sgt.s32 s5, $0x0;
	s7 =	smov.u32 s5;
	v20 =	vpsel p6, v4, v20  }
0x89: {  	s7 =	simm.s32 @!p1 $0x0;
	[tilespmem:s0+$0x460] =	vst v20  }
0x8a: {  	s7 =	smin.u32 s7, $0x200;
	v20 =	vld [tilespmem:s24+$0x470]  }
0x8b: {  	s8 =	ssub.s32 s7, s4  }
0x8c: {  	p1 =	slt.s32 s8, $0x47;
	s9 =	smov.u32 s8  }
0x8d: {  	s6 =	simm.s32 $0x100;
	s9 =	simm.s32 @!p1 $0x47  }
0x8e: {  	s22 =	simm.s32 $0x0;
	s10 =	sshll.u32 s9, $0x8;
	s9 =	sshll.u32 s9, $0x7  }
0x8f: {  	s7 =	simm.s32 $0x200;
	s9 =	sand.u32 $0x380, s9;
	s24 =	sand.u32 $0xFFFFF800, s10;
	v20 =	vpsel p6, v5, v20  }
.LBB2_2:
0x90: {  	p0 =	sne.s32 s7, $0x3F00;
	s9 =	sor.u32 s9, s24;
	[tilespmem:s0+$0x470] =	vst v20;
	s22 =	sadd.s32 $0x80, s22  }
0x91: {  	s0 =	smov.u32 s7;
	s7 =	sadd.s32 $0x100, s7;
	v20 =	vld [tilespmem:s9+$0x10000];
	_ =	sdelay $0x3  }
0x92: {  	p1 =	sgt.s32 s8, $0x47;
	s6 =	sand.u32 $0x3800, s6;
	s8 =	sand.u32 $0x380, s22  }
0x93: {  	s8 =	sor.u32 s8, s6;
	s6 =	smov.u32 s0;
	v20 =	vpsel p1, v19, v20  }
0x94: {  	s24 =	sadd.s32 $0x10000, s9;
	[tilespmem:s8+$0x15880] =	vst v20  }
0x95: {  	v20 =	vld [tilespmem:s24+$0x10];
	_ =	sdelay $0x4  }
0x96: {  	s0 =	sadd.s32 $0x15880, s8;
	v20 =	vpsel p1, v18, v20  }
0x97: {  	[tilespmem:s0+$0x10] =	vst v20  }
0x98: {  	v20 =	vld [tilespmem:s24+$0x20];
	_ =	sdelay $0x4  }
0x99: {  	v20 =	vpsel p1, v16, v20  }
0x9a: {  	[tilespmem:s0+$0x20] =	vst v20  }
0x9b: {  	v20 =	vld [tilespmem:s24+$0x30];
	_ =	sdelay $0x4  }
0x9c: {  	v20 =	vpsel p1, v17, v20  }
0x9d: {  	[tilespmem:s0+$0x30] =	vst v20  }
0x9e: {  	v20 =	vld [tilespmem:s24+$0x40];
	_ =	sdelay $0x4  }
0x9f: {  	v20 =	vpsel p1, v15, v20  }
0xa0: {  	[tilespmem:s0+$0x40] =	vst v20  }
0xa1: {  	v20 =	vld [tilespmem:s24+$0x50];
	_ =	sdelay $0x4  }
0xa2: {  	v20 =	vpsel p1, v14, v20  }
0xa3: {  	[tilespmem:s0+$0x50] =	vst v20  }
0xa4: {  	v20 =	vld [tilespmem:s24+$0x60];
	_ =	sdelay $0x4  }
0xa5: {  	v20 =	vpsel p1, v12, v20  }
0xa6: {  	[tilespmem:s0+$0x60] =	vst v20  }
0xa7: {  	v20 =	vld [tilespmem:s24+$0x70];
	_ =	sdelay $0x4  }
0xa8: {  	v20 =	vpsel p1, v13, v20  }
0xa9: {  	[tilespmem:s0+$0x70] =	vst v20  }
0xaa: {  	v20 =	vld [tilespmem:s24+$0x400];
	_ =	sdelay $0x4  }
0xab: {  	v20 =	vpsel p1, v8, v20  }
0xac: {  	[tilespmem:s0+$0x400] =	vst v20  }
0xad: {  	v20 =	vld [tilespmem:s24+$0x410];
	_ =	sdelay $0x4  }
0xae: {  	v20 =	vpsel p1, v9, v20  }
0xaf: {  	[tilespmem:s0+$0x410] =	vst v20  }
0xb0: {  	v20 =	vld [tilespmem:s24+$0x420];
	_ =	sdelay $0x4  }
0xb1: {  	v20 =	vpsel p1, v10, v20  }
0xb2: {  	[tilespmem:s0+$0x420] =	vst v20  }
0xb3: {  	v20 =	vld [tilespmem:s24+$0x430];
	_ =	sdelay $0x4  }
0xb4: {  	v20 =	vpsel p1, v11, v20  }
0xb5: {  	[tilespmem:s0+$0x430] =	vst v20  }
0xb6: {  	v20 =	vld [tilespmem:s24+$0x440];
	_ =	sdelay $0x4  }
0xb7: {  	v20 =	vpsel p1, v7, v20  }
0xb8: {  	[tilespmem:s0+$0x440] =	vst v20  }
0xb9: {  	v20 =	vld [tilespmem:s24+$0x450];
	_ =	sdelay $0x4  }
0xba: {  	v20 =	vpsel p1, v6, v20  }
0xbb: {  	[tilespmem:s0+$0x450] =	vst v20  }
0xbc: {  	v20 =	vld [tilespmem:s24+$0x460];
	_ =	sdelay $0x3  }
0xbd: {  	s5 =	sadd.s32 $0x1, s5  }
0xbe: {  	p2 =	sgt.s32 s5, $0x0;
	s8 =	smov.u32 s5;
	v20 =	vpsel p1, v4, v20  }
0xbf: {  	s8 =	simm.s32 @!p2 $0x0;
	[tilespmem:s0+$0x460] =	vst v20  }
0xc0: {  	s8 =	smin.u32 s8, $0x200;
	v20 =	vld [tilespmem:s24+$0x470]  }
.Ltmp0:
0xc1: {  	s8 =	ssub.s32 s8, s4;
	(pc) =	sbr.rel @p0 .LBB2_2-.Ltmp0, $4  }
0xc2: {  	p2 =	slt.s32 s8, $0x47;
	s9 =	smov.u32 s8  }
0xc3: {  	s9 =	simm.s32 @!p2 $0x47  }
0xc4: {  	s10 =	sshll.u32 s9, $0x8;
	s9 =	sshll.u32 s9, $0x7  }
0xc5: {  	s9 =	sand.u32 $0x380, s9;
	s24 =	sand.u32 $0xFFFFF800, s10;
	v20 =	vpsel p1, v5, v20  }
0xc6: {  	s5 =	sor.u32 s9, s24;
	[tilespmem:s0+$0x470] =	vst v20  }
0xc7: {  	v20 =	vld [tilespmem:s5+$0x10000];
	_ =	sdelay $0x2  }
0xc8: {  	s7 =	sadd.s32 $0x80, s22  }
0xc9: {  	p0 =	sgt.s32 s8, $0x47;
	s6 =	sand.u32 $0x3800, s6;
	s0 =	sand.u32 $0x380, s7  }
0xca: {  	s0 =	sor.u32 s0, s6;
	v20 =	vpsel p0, v19, v20  }
0xcb: {  	s5 =	sadd.s32 $0x10000, s5;
	[tilespmem:s0+$0x15880] =	vst v20  }
0xcc: {  	v20 =	vld [tilespmem:s5+$0x10];
	_ =	sdelay $0x4  }
0xcd: {  	s0 =	sadd.s32 $0x15880, s0;
	v20 =	vpsel p0, v18, v20  }
0xce: {  	[tilespmem:s0+$0x10] =	vst v20  }
0xcf: {  	v20 =	vld [tilespmem:s5+$0x20];
	_ =	sdelay $0x4  }
0xd0: {  	v20 =	vpsel p0, v16, v20  }
0xd1: {  	[tilespmem:s0+$0x20] =	vst v20  }
0xd2: {  	v20 =	vld [tilespmem:s5+$0x30];
	_ =	sdelay $0x4  }
0xd3: {  	v20 =	vpsel p0, v17, v20  }
0xd4: {  	[tilespmem:s0+$0x30] =	vst v20  }
0xd5: {  	v20 =	vld [tilespmem:s5+$0x40];
	_ =	sdelay $0x4  }
0xd6: {  	v20 =	vpsel p0, v15, v20  }
0xd7: {  	[tilespmem:s0+$0x40] =	vst v20  }
0xd8: {  	v20 =	vld [tilespmem:s5+$0x50];
	_ =	sdelay $0x4  }
0xd9: {  	v20 =	vpsel p0, v14, v20  }
0xda: {  	[tilespmem:s0+$0x50] =	vst v20  }
0xdb: {  	v20 =	vld [tilespmem:s5+$0x60];
	_ =	sdelay $0x4  }
0xdc: {  	v20 =	vpsel p0, v12, v20  }
0xdd: {  	[tilespmem:s0+$0x60] =	vst v20  }
0xde: {  	v20 =	vld [tilespmem:s5+$0x70];
	_ =	sdelay $0x4  }
0xdf: {  	v20 =	vpsel p0, v13, v20  }
0xe0: {  	[tilespmem:s0+$0x70] =	vst v20  }
0xe1: {  	v20 =	vld [tilespmem:s5+$0x400];
	_ =	sdelay $0x4  }
0xe2: {  	v20 =	vpsel p0, v8, v20  }
0xe3: {  	[tilespmem:s0+$0x400] =	vst v20  }
0xe4: {  	v20 =	vld [tilespmem:s5+$0x410];
	_ =	sdelay $0x4  }
0xe5: {  	v20 =	vpsel p0, v9, v20  }
0xe6: {  	[tilespmem:s0+$0x410] =	vst v20  }
0xe7: {  	v20 =	vld [tilespmem:s5+$0x420];
	_ =	sdelay $0x4  }
0xe8: {  	v20 =	vpsel p0, v10, v20  }
0xe9: {  	[tilespmem:s0+$0x420] =	vst v20  }
0xea: {  	v20 =	vld [tilespmem:s5+$0x430];
	_ =	sdelay $0x4  }
0xeb: {  	v20 =	vpsel p0, v11, v20  }
0xec: {  	[tilespmem:s0+$0x430] =	vst v20  }
0xed: {  	v20 =	vld [tilespmem:s5+$0x440];
	_ =	sdelay $0x4  }
0xee: {  	v20 =	vpsel p0, v7, v20  }
0xef: {  	[tilespmem:s0+$0x440] =	vst v20  }
0xf0: {  	v20 =	vld [tilespmem:s5+$0x450];
	_ =	sdelay $0x4  }
0xf1: {  	v20 =	vpsel p0, v6, v20  }
0xf2: {  	[tilespmem:s0+$0x450] =	vst v20  }
0xf3: {  	v20 =	vld [tilespmem:s5+$0x460];
	_ =	sdelay $0x4  }
0xf4: {  	v20 =	vpsel p0, v4, v20  }
0xf5: {  	[tilespmem:s0+$0x460] =	vst v20  }
0xf6: {  	v20 =	vld [tilespmem:s5+$0x470];
	_ =	sdelay $0x4  }
0xf7: {  	v20 =	vpsel p0, v5, v20  }
0xf8: {  	s8 =	simm.s32 $0x15880;
	[tilespmem:s0+$0x470] =	vst v20  }
0xf9: {  	[spmem:s1] =	stream.linear.scatter [tilespmem:s8], [sflag:$0x2], $0x4000, $0x38;
	[tilespmem:$0x1D880] =	vst v63  }
0xfa: {  	_ =	swait.ge [sflag:s23], $0x4000  }
0xfb: {  	[sflag:s23] =	ssyncset.done $0x0  }
0xfc: {  	[sflag:s23] =	ssyncadd.s32 $0xFFFFC000  }
0xfd: {  	[bflag:$0x0] =	sbarrier.arrive $0xFFFF  }
0xfe: {  	s9 =	rddreg [dreg:$0x4]  }
0xff: {  	s0 =	sor.u32 $0x1C04, s3;
	s10 =	rddreg [dreg:$0x16]  }
0x100: {  	[hbm:s9], [sflag:s0] =	dma.local [spmem:s10], $0x4000  }
0x101: {  	s5 =	rddreg [dreg:$0x5]  }
0x102: {  	s6 =	rddreg [dreg:$0x17]  }
0x103: {  	[hbm:s5], [sflag:s0] =	dma.local [spmem:s6], $0x4000  }
0x104: {  	s5 =	rddreg [dreg:$0x6]  }
0x105: {  	s6 =	rddreg [dreg:$0x18]  }
0x106: {  	[hbm:s5], [sflag:s0] =	dma.local [spmem:s6], $0x4000  }
0x107: {  	s5 =	rddreg [dreg:$0x7]  }
0x108: {  	s6 =	rddreg [dreg:$0x19]  }
0x109: {  	[hbm:s5], [sflag:s0] =	dma.local [spmem:s6], $0x4000  }
0x10a: {  	p0 =	sgt.s32 s26, $0x0;
	s5 =	smov.u32 s26  }
0x10b: {  	s5 =	simm.s32 @!p0 $0x0  }
0x10c: {  	s5 =	smin.u32 s5, $0x200  }
0x10d: {  	s5 =	ssub.s32 s5, s4  }
0x10e: {  	p1 =	slt.s32 s5, $0x47  }
0x10f: {  	p6 =	sgt.s32 s5, $0x47;
	s5 =	simm.s32 @!p1 $0x47  }
0x110: {  	s11 =	sshll.u32 s5, $0x8;
	s5 =	sshll.u32 s5, $0x7  }
0x111: {  	s6 =	sand.u32 $0xFFFFF800, s11;
	s5 =	sand.u32 $0x380, s5  }
0x112: {  	s6 =	sor.u32 s5, s6  }
0x113: {  	v20 =	vld [tilespmem:s6+$0x10000];
	_ =	sdelay $0x2  }
0x114: {  	s5 =	simm.s32 $0x0  }
0x115: {  	s7 =	sand.u32 $0x3800, s5;
	s22 =	sand.u32 $0x380, s5  }
0x116: {  	s7 =	sor.u32 s22, s7;
	v20 =	vpsel p6, v19, v20  }
0x117: {  	s24 =	sadd.s32 $0x10000, s6;
	[tilespmem:s7+$0x19880] =	vst v20  }
0x118: {  	v20 =	vld [tilespmem:s24+$0x10];
	_ =	sdelay $0x4  }
0x119: {  	s22 =	sadd.s32 $0x19880, s7;
	v20 =	vpsel p6, v18, v20  }
0x11a: {  	[tilespmem:s22+$0x10] =	vst v20  }
0x11b: {  	v20 =	vld [tilespmem:s24+$0x20];
	_ =	sdelay $0x4  }
0x11c: {  	v20 =	vpsel p6, v16, v20  }
0x11d: {  	[tilespmem:s22+$0x20] =	vst v20  }
0x11e: {  	v20 =	vld [tilespmem:s24+$0x30];
	_ =	sdelay $0x4  }
0x11f: {  	v20 =	vpsel p6, v17, v20  }
0x120: {  	[tilespmem:s22+$0x30] =	vst v20  }
0x121: {  	v20 =	vld [tilespmem:s24+$0x40];
	_ =	sdelay $0x4  }
0x122: {  	v20 =	vpsel p6, v15, v20  }
0x123: {  	[tilespmem:s22+$0x40] =	vst v20  }
0x124: {  	v20 =	vld [tilespmem:s24+$0x50];
	_ =	sdelay $0x4  }
0x125: {  	v20 =	vpsel p6, v14, v20  }
0x126: {  	[tilespmem:s22+$0x50] =	vst v20  }
0x127: {  	v20 =	vld [tilespmem:s24+$0x60];
	_ =	sdelay $0x4  }
0x128: {  	v20 =	vpsel p6, v12, v20  }
0x129: {  	[tilespmem:s22+$0x60] =	vst v20  }
0x12a: {  	v20 =	vld [tilespmem:s24+$0x70];
	_ =	sdelay $0x4  }
0x12b: {  	v20 =	vpsel p6, v13, v20  }
0x12c: {  	[tilespmem:s22+$0x70] =	vst v20  }
0x12d: {  	v20 =	vld [tilespmem:s24+$0x400];
	_ =	sdelay $0x4  }
0x12e: {  	v20 =	vpsel p6, v8, v20  }
0x12f: {  	[tilespmem:s22+$0x400] =	vst v20  }
0x130: {  	v20 =	vld [tilespmem:s24+$0x410];
	_ =	sdelay $0x4  }
0x131: {  	v20 =	vpsel p6, v9, v20  }
0x132: {  	[tilespmem:s22+$0x410] =	vst v20  }
0x133: {  	v20 =	vld [tilespmem:s24+$0x420];
	_ =	sdelay $0x4  }
0x134: {  	v20 =	vpsel p6, v10, v20  }
0x135: {  	[tilespmem:s22+$0x420] =	vst v20  }
0x136: {  	v20 =	vld [tilespmem:s24+$0x430];
	_ =	sdelay $0x4  }
0x137: {  	v20 =	vpsel p6, v11, v20  }
0x138: {  	[tilespmem:s22+$0x430] =	vst v20  }
0x139: {  	v20 =	vld [tilespmem:s24+$0x440];
	_ =	sdelay $0x4  }
0x13a: {  	v20 =	vpsel p6, v7, v20  }
0x13b: {  	[tilespmem:s22+$0x440] =	vst v20  }
0x13c: {  	v20 =	vld [tilespmem:s24+$0x450];
	_ =	sdelay $0x4  }
0x13d: {  	v20 =	vpsel p6, v6, v20  }
0x13e: {  	[tilespmem:s22+$0x450] =	vst v20  }
0x13f: {  	v20 =	vld [tilespmem:s24+$0x460];
	_ =	sdelay $0x3  }
0x140: {  	s6 =	sadd.s32 $0x1, s26  }
0x141: {  	p1 =	sgt.s32 s6, $0x0;
	s7 =	smov.u32 s6;
	v20 =	vpsel p6, v4, v20  }
0x142: {  	s7 =	simm.s32 @!p1 $0x0;
	[tilespmem:s22+$0x460] =	vst v20  }
0x143: {  	s7 =	smin.u32 s7, $0x200;
	v20 =	vld [tilespmem:s24+$0x470]  }
0x144: {  	s8 =	ssub.s32 s7, s4  }
0x145: {  	p1 =	slt.s32 s8, $0x47;
	s9 =	smov.u32 s8  }
0x146: {  	s9 =	simm.s32 @!p1 $0x47  }
0x147: {  	s7 =	simm.s32 $0x100;
	s10 =	sshll.u32 s9, $0x8;
	s11 =	sshll.u32 s9, $0x7  }
0x148: {  	s9 =	sand.u32 $0xFFFFF800, s10;
	s10 =	sand.u32 $0x380, s11;
	s24 =	simm.s32 $0x200;
	v20 =	vpsel p6, v5, v20  }
.LBB2_4:
0x149: {  	p0 =	sne.s32 s24, $0x3F00;
	s9 =	sor.u32 s10, s9;
	[tilespmem:s22+$0x470] =	vst v20;
	s5 =	sadd.s32 $0x80, s5  }
0x14a: {  	s10 =	smov.u32 s24;
	s24 =	sadd.s32 $0x100, s24;
	v20 =	vld [tilespmem:s9+$0x10000];
	_ =	sdelay $0x3  }
0x14b: {  	p1 =	sgt.s32 s8, $0x47;
	s7 =	sand.u32 $0x3800, s7;
	s8 =	sand.u32 $0x380, s5  }
0x14c: {  	s11 =	sor.u32 s8, s7;
	s7 =	smov.u32 s10;
	v20 =	vpsel p1, v19, v20  }
0x14d: {  	s8 =	sadd.s32 $0x10000, s9;
	[tilespmem:s11+$0x19880] =	vst v20  }
0x14e: {  	v20 =	vld [tilespmem:s8+$0x10];
	_ =	sdelay $0x4  }
0x14f: {  	s22 =	sadd.s32 $0x19880, s11;
	v20 =	vpsel p1, v18, v20  }
0x150: {  	[tilespmem:s22+$0x10] =	vst v20  }
0x151: {  	v20 =	vld [tilespmem:s8+$0x20];
	_ =	sdelay $0x4  }
0x152: {  	v20 =	vpsel p1, v16, v20  }
0x153: {  	[tilespmem:s22+$0x20] =	vst v20  }
0x154: {  	v20 =	vld [tilespmem:s8+$0x30];
	_ =	sdelay $0x4  }
0x155: {  	v20 =	vpsel p1, v17, v20  }
0x156: {  	[tilespmem:s22+$0x30] =	vst v20  }
0x157: {  	v20 =	vld [tilespmem:s8+$0x40];
	_ =	sdelay $0x4  }
0x158: {  	v20 =	vpsel p1, v15, v20  }
0x159: {  	[tilespmem:s22+$0x40] =	vst v20  }
0x15a: {  	v20 =	vld [tilespmem:s8+$0x50];
	_ =	sdelay $0x4  }
0x15b: {  	v20 =	vpsel p1, v14, v20  }
0x15c: {  	[tilespmem:s22+$0x50] =	vst v20  }
0x15d: {  	v20 =	vld [tilespmem:s8+$0x60];
	_ =	sdelay $0x4  }
0x15e: {  	v20 =	vpsel p1, v12, v20  }
0x15f: {  	[tilespmem:s22+$0x60] =	vst v20  }
0x160: {  	v20 =	vld [tilespmem:s8+$0x70];
	_ =	sdelay $0x4  }
0x161: {  	v20 =	vpsel p1, v13, v20  }
0x162: {  	[tilespmem:s22+$0x70] =	vst v20  }
0x163: {  	v20 =	vld [tilespmem:s8+$0x400];
	_ =	sdelay $0x4  }
0x164: {  	v20 =	vpsel p1, v8, v20  }
0x165: {  	[tilespmem:s22+$0x400] =	vst v20  }
0x166: {  	v20 =	vld [tilespmem:s8+$0x410];
	_ =	sdelay $0x4  }
0x167: {  	v20 =	vpsel p1, v9, v20  }
0x168: {  	[tilespmem:s22+$0x410] =	vst v20  }
0x169: {  	v20 =	vld [tilespmem:s8+$0x420];
	_ =	sdelay $0x4  }
0x16a: {  	v20 =	vpsel p1, v10, v20  }
0x16b: {  	[tilespmem:s22+$0x420] =	vst v20  }
0x16c: {  	v20 =	vld [tilespmem:s8+$0x430];
	_ =	sdelay $0x4  }
0x16d: {  	v20 =	vpsel p1, v11, v20  }
0x16e: {  	[tilespmem:s22+$0x430] =	vst v20  }
0x16f: {  	v20 =	vld [tilespmem:s8+$0x440];
	_ =	sdelay $0x4  }
0x170: {  	v20 =	vpsel p1, v7, v20  }
0x171: {  	[tilespmem:s22+$0x440] =	vst v20  }
0x172: {  	v20 =	vld [tilespmem:s8+$0x450];
	_ =	sdelay $0x4  }
0x173: {  	v20 =	vpsel p1, v6, v20  }
0x174: {  	[tilespmem:s22+$0x450] =	vst v20  }
0x175: {  	v20 =	vld [tilespmem:s8+$0x460];
	_ =	sdelay $0x3  }
0x176: {  	s6 =	sadd.s32 $0x1, s6  }
0x177: {  	p2 =	sgt.s32 s6, $0x0;
	s9 =	smov.u32 s6;
	v20 =	vpsel p1, v4, v20  }
0x178: {  	s9 =	simm.s32 @!p2 $0x0;
	[tilespmem:s22+$0x460] =	vst v20  }
0x179: {  	s9 =	smin.u32 s9, $0x200;
	v20 =	vld [tilespmem:s8+$0x470]  }
.Ltmp1:
0x17a: {  	s8 =	ssub.s32 s9, s4;
	(pc) =	sbr.rel @p0 .LBB2_4-.Ltmp1, $4  }
0x17b: {  	p2 =	slt.s32 s8, $0x47;
	s9 =	smov.u32 s8  }
0x17c: {  	s9 =	simm.s32 @!p2 $0x47  }
0x17d: {  	s10 =	sshll.u32 s9, $0x8;
	s11 =	sshll.u32 s9, $0x7  }
0x17e: {  	s9 =	sand.u32 $0xFFFFF800, s10;
	s10 =	sand.u32 $0x380, s11;
	v20 =	vpsel p1, v5, v20  }
0x17f: {  	s6 =	sor.u32 s10, s9;
	[tilespmem:s22+$0x470] =	vst v20  }
0x180: {  	v20 =	vld [tilespmem:s6+$0x10000];
	_ =	sdelay $0x2  }
0x181: {  	s5 =	sadd.s32 $0x80, s5  }
0x182: {  	p0 =	sgt.s32 s8, $0x47;
	s7 =	sand.u32 $0x3800, s7;
	s5 =	sand.u32 $0x380, s5  }
0x183: {  	s5 =	sor.u32 s5, s7;
	v20 =	vpsel p0, v19, v20  }
0x184: {  	s6 =	sadd.s32 $0x10000, s6;
	[tilespmem:s5+$0x19880] =	vst v20  }
0x185: {  	v20 =	vld [tilespmem:s6+$0x10];
	_ =	sdelay $0x4  }
0x186: {  	s5 =	sadd.s32 $0x19880, s5;
	v20 =	vpsel p0, v18, v20  }
0x187: {  	[tilespmem:s5+$0x10] =	vst v20  }
0x188: {  	v20 =	vld [tilespmem:s6+$0x20];
	_ =	sdelay $0x4  }
0x189: {  	v20 =	vpsel p0, v16, v20  }
0x18a: {  	[tilespmem:s5+$0x20] =	vst v20  }
0x18b: {  	v20 =	vld [tilespmem:s6+$0x30];
	_ =	sdelay $0x4  }
0x18c: {  	v20 =	vpsel p0, v17, v20  }
0x18d: {  	[tilespmem:s5+$0x30] =	vst v20  }
0x18e: {  	v20 =	vld [tilespmem:s6+$0x40];
	_ =	sdelay $0x4  }
0x18f: {  	v20 =	vpsel p0, v15, v20  }
0x190: {  	[tilespmem:s5+$0x40] =	vst v20  }
0x191: {  	v20 =	vld [tilespmem:s6+$0x50];
	_ =	sdelay $0x4  }
0x192: {  	v20 =	vpsel p0, v14, v20  }
0x193: {  	[tilespmem:s5+$0x50] =	vst v20  }
0x194: {  	v20 =	vld [tilespmem:s6+$0x60];
	_ =	sdelay $0x4  }
0x195: {  	v20 =	vpsel p0, v12, v20  }
0x196: {  	[tilespmem:s5+$0x60] =	vst v20  }
0x197: {  	v20 =	vld [tilespmem:s6+$0x70];
	_ =	sdelay $0x4  }
0x198: {  	v20 =	vpsel p0, v13, v20  }
0x199: {  	[tilespmem:s5+$0x70] =	vst v20  }
0x19a: {  	v20 =	vld [tilespmem:s6+$0x400];
	_ =	sdelay $0x4  }
0x19b: {  	v20 =	vpsel p0, v8, v20  }
0x19c: {  	[tilespmem:s5+$0x400] =	vst v20  }
0x19d: {  	v20 =	vld [tilespmem:s6+$0x410];
	_ =	sdelay $0x4  }
0x19e: {  	v20 =	vpsel p0, v9, v20  }
0x19f: {  	[tilespmem:s5+$0x410] =	vst v20  }
0x1a0: {  	v20 =	vld [tilespmem:s6+$0x420];
	_ =	sdelay $0x4  }
0x1a1: {  	v20 =	vpsel p0, v10, v20  }
0x1a2: {  	[tilespmem:s5+$0x420] =	vst v20  }
0x1a3: {  	v20 =	vld [tilespmem:s6+$0x430];
	_ =	sdelay $0x4  }
0x1a4: {  	v20 =	vpsel p0, v11, v20  }
0x1a5: {  	[tilespmem:s5+$0x430] =	vst v20  }
0x1a6: {  	v20 =	vld [tilespmem:s6+$0x440];
	_ =	sdelay $0x4  }
0x1a7: {  	v20 =	vpsel p0, v7, v20  }
0x1a8: {  	[tilespmem:s5+$0x440] =	vst v20  }
0x1a9: {  	v20 =	vld [tilespmem:s6+$0x450];
	_ =	sdelay $0x4  }
0x1aa: {  	v20 =	vpsel p0, v6, v20  }
0x1ab: {  	[tilespmem:s5+$0x450] =	vst v20  }
0x1ac: {  	v20 =	vld [tilespmem:s6+$0x460];
	_ =	sdelay $0x4  }
0x1ad: {  	v20 =	vpsel p0, v4, v20  }
0x1ae: {  	[tilespmem:s5+$0x460] =	vst v20  }
0x1af: {  	v20 =	vld [tilespmem:s6+$0x470];
	_ =	sdelay $0x4  }
0x1b0: {  	v20 =	vpsel p0, v5, v20  }
0x1b1: {  	s7 =	simm.s32 $0x19880;
	[tilespmem:s5+$0x470] =	vst v20  }
0x1b2: {  	[spmem:s17] =	stream.linear.scatter [tilespmem:s7], [sflag:$0x3], $0x4000, $0x38;
	[tilespmem:$0x1D880] =	vst v63  }
0x1b3: {  	_ =	swait.ge [sflag:s30], $0x4000  }
0x1b4: {  	[sflag:s30] =	ssyncset.done $0x0  }
0x1b5: {  	[sflag:s30] =	ssyncadd.s32 $0xFFFFC000  }
0x1b6: {  	[bflag:$0x0] =	sbarrier.arrive $0xFFFF  }
0x1b7: {  	s8 =	rddreg [dreg:$0x8]  }
0x1b8: {  	s9 =	rddreg [dreg:$0x1a]  }
0x1b9: {  	[hbm:s8], [sflag:s0] =	dma.local [spmem:s9], $0x4000  }
0x1ba: {  	s5 =	rddreg [dreg:$0x9]  }
0x1bb: {  	s6 =	rddreg [dreg:$0x1b]  }
0x1bc: {  	[hbm:s5], [sflag:s0] =	dma.local [spmem:s6], $0x4000  }
0x1bd: {  	s5 =	rddreg [dreg:$0xa]  }
0x1be: {  	s6 =	rddreg [dreg:$0x1c]  }
0x1bf: {  	[hbm:s5], [sflag:s0] =	dma.local [spmem:s6], $0x4000  }
0x1c0: {  	s5 =	rddreg [dreg:$0xb]  }
0x1c1: {  	s6 =	rddreg [dreg:$0x1d]  }
0x1c2: {  	[hbm:s5], [sflag:s0] =	dma.local [spmem:s6], $0x4000  }
0x1c3: {  	p0 =	sgt.s32 s28, $0x0;
	s5 =	smov.u32 s28  }
0x1c4: {  	s5 =	simm.s32 @!p0 $0x0  }
0x1c5: {  	s5 =	smin.u32 s5, $0x200  }
0x1c6: {  	s5 =	ssub.s32 s5, s4  }
0x1c7: {  	p1 =	slt.s32 s5, $0x47  }
0x1c8: {  	p6 =	sgt.s32 s5, $0x47;
	s5 =	simm.s32 @!p1 $0x47  }
0x1c9: {  	s10 =	sshll.u32 s5, $0x8;
	s5 =	sshll.u32 s5, $0x7  }
0x1ca: {  	s6 =	sand.u32 $0xFFFFF800, s10;
	s5 =	sand.u32 $0x380, s5  }
0x1cb: {  	s6 =	sor.u32 s5, s6  }
0x1cc: {  	v20 =	vld [tilespmem:s6+$0x10000];
	_ =	sdelay $0x2  }
0x1cd: {  	s5 =	simm.s32 $0x0  }
0x1ce: {  	s11 =	sand.u32 $0x3800, s5;
	s22 =	sand.u32 $0x380, s5  }
0x1cf: {  	s7 =	sor.u32 s22, s11;
	v20 =	vpsel p6, v19, v20  }
0x1d0: {  	s24 =	sadd.s32 $0x10000, s6;
	[tilespmem:s7+$0x15880] =	vst v20  }
0x1d1: {  	v20 =	vld [tilespmem:s24+$0x10];
	_ =	sdelay $0x4  }
0x1d2: {  	s22 =	sadd.s32 $0x15880, s7;
	v20 =	vpsel p6, v18, v20  }
0x1d3: {  	[tilespmem:s22+$0x10] =	vst v20  }
0x1d4: {  	v20 =	vld [tilespmem:s24+$0x20];
	_ =	sdelay $0x4  }
0x1d5: {  	v20 =	vpsel p6, v16, v20  }
0x1d6: {  	[tilespmem:s22+$0x20] =	vst v20  }
0x1d7: {  	v20 =	vld [tilespmem:s24+$0x30];
	_ =	sdelay $0x4  }
0x1d8: {  	v20 =	vpsel p6, v17, v20  }
0x1d9: {  	[tilespmem:s22+$0x30] =	vst v20  }
0x1da: {  	v20 =	vld [tilespmem:s24+$0x40];
	_ =	sdelay $0x4  }
0x1db: {  	v20 =	vpsel p6, v15, v20  }
0x1dc: {  	[tilespmem:s22+$0x40] =	vst v20  }
0x1dd: {  	v20 =	vld [tilespmem:s24+$0x50];
	_ =	sdelay $0x4  }
0x1de: {  	v20 =	vpsel p6, v14, v20  }
0x1df: {  	[tilespmem:s22+$0x50] =	vst v20  }
0x1e0: {  	v20 =	vld [tilespmem:s24+$0x60];
	_ =	sdelay $0x4  }
0x1e1: {  	v20 =	vpsel p6, v12, v20  }
0x1e2: {  	[tilespmem:s22+$0x60] =	vst v20  }
0x1e3: {  	v20 =	vld [tilespmem:s24+$0x70];
	_ =	sdelay $0x4  }
0x1e4: {  	v20 =	vpsel p6, v13, v20  }
0x1e5: {  	[tilespmem:s22+$0x70] =	vst v20  }
0x1e6: {  	v20 =	vld [tilespmem:s24+$0x400];
	_ =	sdelay $0x4  }
0x1e7: {  	v20 =	vpsel p6, v8, v20  }
0x1e8: {  	[tilespmem:s22+$0x400] =	vst v20  }
0x1e9: {  	v20 =	vld [tilespmem:s24+$0x410];
	_ =	sdelay $0x4  }
0x1ea: {  	v20 =	vpsel p6, v9, v20  }
0x1eb: {  	[tilespmem:s22+$0x410] =	vst v20  }
0x1ec: {  	v20 =	vld [tilespmem:s24+$0x420];
	_ =	sdelay $0x4  }
0x1ed: {  	v20 =	vpsel p6, v10, v20  }
0x1ee: {  	[tilespmem:s22+$0x420] =	vst v20  }
0x1ef: {  	v20 =	vld [tilespmem:s24+$0x430];
	_ =	sdelay $0x4  }
0x1f0: {  	v20 =	vpsel p6, v11, v20  }
0x1f1: {  	[tilespmem:s22+$0x430] =	vst v20  }
0x1f2: {  	v20 =	vld [tilespmem:s24+$0x440];
	_ =	sdelay $0x4  }
0x1f3: {  	v20 =	vpsel p6, v7, v20  }
0x1f4: {  	[tilespmem:s22+$0x440] =	vst v20  }
0x1f5: {  	v20 =	vld [tilespmem:s24+$0x450];
	_ =	sdelay $0x4  }
0x1f6: {  	v20 =	vpsel p6, v6, v20  }
0x1f7: {  	[tilespmem:s22+$0x450] =	vst v20  }
0x1f8: {  	v20 =	vld [tilespmem:s24+$0x460];
	_ =	sdelay $0x3  }
0x1f9: {  	s6 =	sadd.s32 $0x1, s28  }
0x1fa: {  	p1 =	sgt.s32 s6, $0x0;
	s7 =	smov.u32 s6;
	v20 =	vpsel p6, v4, v20  }
0x1fb: {  	s7 =	simm.s32 @!p1 $0x0;
	[tilespmem:s22+$0x460] =	vst v20  }
0x1fc: {  	s7 =	smin.u32 s7, $0x200;
	v20 =	vld [tilespmem:s24+$0x470]  }
0x1fd: {  	s8 =	ssub.s32 s7, s4  }
0x1fe: {  	p1 =	slt.s32 s8, $0x47;
	s9 =	smov.u32 s8  }
0x1ff: {  	s9 =	simm.s32 @!p1 $0x47  }
0x200: {  	s7 =	simm.s32 $0x100;
	s10 =	sshll.u32 s9, $0x8;
	s11 =	sshll.u32 s9, $0x7  }
0x201: {  	s9 =	sand.u32 $0xFFFFF800, s10;
	s10 =	sand.u32 $0x380, s11;
	s24 =	simm.s32 $0x200;
	v20 =	vpsel p6, v5, v20  }
.LBB2_6:
0x202: {  	p0 =	sne.s32 s24, $0x3F00;
	s9 =	sor.u32 s10, s9;
	[tilespmem:s22+$0x470] =	vst v20;
	s5 =	sadd.s32 $0x80, s5  }
0x203: {  	s10 =	smov.u32 s24;
	s24 =	sadd.s32 $0x100, s24;
	v20 =	vld [tilespmem:s9+$0x10000];
	_ =	sdelay $0x3  }
0x204: {  	p1 =	sgt.s32 s8, $0x47;
	s7 =	sand.u32 $0x3800, s7;
	s8 =	sand.u32 $0x380, s5  }
0x205: {  	s11 =	sor.u32 s8, s7;
	s7 =	smov.u32 s10;
	v20 =	vpsel p1, v19, v20  }
0x206: {  	s8 =	sadd.s32 $0x10000, s9;
	[tilespmem:s11+$0x15880] =	vst v20  }
0x207: {  	v20 =	vld [tilespmem:s8+$0x10];
	_ =	sdelay $0x4  }
0x208: {  	s22 =	sadd.s32 $0x15880, s11;
	v20 =	vpsel p1, v18, v20  }
0x209: {  	[tilespmem:s22+$0x10] =	vst v20  }
0x20a: {  	v20 =	vld [tilespmem:s8+$0x20];
	_ =	sdelay $0x4  }
0x20b: {  	v20 =	vpsel p1, v16, v20  }
0x20c: {  	[tilespmem:s22+$0x20] =	vst v20  }
0x20d: {  	v20 =	vld [tilespmem:s8+$0x30];
	_ =	sdelay $0x4  }
0x20e: {  	v20 =	vpsel p1, v17, v20  }
0x20f: {  	[tilespmem:s22+$0x30] =	vst v20  }
0x210: {  	v20 =	vld [tilespmem:s8+$0x40];
	_ =	sdelay $0x4  }
0x211: {  	v20 =	vpsel p1, v15, v20  }
0x212: {  	[tilespmem:s22+$0x40] =	vst v20  }
0x213: {  	v20 =	vld [tilespmem:s8+$0x50];
	_ =	sdelay $0x4  }
0x214: {  	v20 =	vpsel p1, v14, v20  }
0x215: {  	[tilespmem:s22+$0x50] =	vst v20  }
0x216: {  	v20 =	vld [tilespmem:s8+$0x60];
	_ =	sdelay $0x4  }
0x217: {  	v20 =	vpsel p1, v12, v20  }
0x218: {  	[tilespmem:s22+$0x60] =	vst v20  }
0x219: {  	v20 =	vld [tilespmem:s8+$0x70];
	_ =	sdelay $0x4  }
0x21a: {  	v20 =	vpsel p1, v13, v20  }
0x21b: {  	[tilespmem:s22+$0x70] =	vst v20  }
0x21c: {  	v20 =	vld [tilespmem:s8+$0x400];
	_ =	sdelay $0x4  }
0x21d: {  	v20 =	vpsel p1, v8, v20  }
0x21e: {  	[tilespmem:s22+$0x400] =	vst v20  }
0x21f: {  	v20 =	vld [tilespmem:s8+$0x410];
	_ =	sdelay $0x4  }
0x220: {  	v20 =	vpsel p1, v9, v20  }
0x221: {  	[tilespmem:s22+$0x410] =	vst v20  }
0x222: {  	v20 =	vld [tilespmem:s8+$0x420];
	_ =	sdelay $0x4  }
0x223: {  	v20 =	vpsel p1, v10, v20  }
0x224: {  	[tilespmem:s22+$0x420] =	vst v20  }
0x225: {  	v20 =	vld [tilespmem:s8+$0x430];
	_ =	sdelay $0x4  }
0x226: {  	v20 =	vpsel p1, v11, v20  }
0x227: {  	[tilespmem:s22+$0x430] =	vst v20  }
0x228: {  	v20 =	vld [tilespmem:s8+$0x440];
	_ =	sdelay $0x4  }
0x229: {  	v20 =	vpsel p1, v7, v20  }
0x22a: {  	[tilespmem:s22+$0x440] =	vst v20  }
0x22b: {  	v20 =	vld [tilespmem:s8+$0x450];
	_ =	sdelay $0x4  }
0x22c: {  	v20 =	vpsel p1, v6, v20  }
0x22d: {  	[tilespmem:s22+$0x450] =	vst v20  }
0x22e: {  	v20 =	vld [tilespmem:s8+$0x460];
	_ =	sdelay $0x3  }
0x22f: {  	s6 =	sadd.s32 $0x1, s6  }
0x230: {  	p2 =	sgt.s32 s6, $0x0;
	s9 =	smov.u32 s6;
	v20 =	vpsel p1, v4, v20  }
0x231: {  	s9 =	simm.s32 @!p2 $0x0;
	[tilespmem:s22+$0x460] =	vst v20  }
0x232: {  	s9 =	smin.u32 s9, $0x200;
	v20 =	vld [tilespmem:s8+$0x470]  }
.Ltmp2:
0x233: {  	s8 =	ssub.s32 s9, s4;
	(pc) =	sbr.rel @p0 .LBB2_6-.Ltmp2, $4  }
0x234: {  	p2 =	slt.s32 s8, $0x47;
	s9 =	smov.u32 s8  }
0x235: {  	s9 =	simm.s32 @!p2 $0x47  }
0x236: {  	s10 =	sshll.u32 s9, $0x8;
	s11 =	sshll.u32 s9, $0x7  }
0x237: {  	s9 =	sand.u32 $0xFFFFF800, s10;
	s10 =	sand.u32 $0x380, s11;
	v20 =	vpsel p1, v5, v20  }
0x238: {  	s6 =	sor.u32 s10, s9;
	[tilespmem:s22+$0x470] =	vst v20  }
0x239: {  	v20 =	vld [tilespmem:s6+$0x10000];
	_ =	sdelay $0x2  }
0x23a: {  	s5 =	sadd.s32 $0x80, s5  }
0x23b: {  	p0 =	sgt.s32 s8, $0x47;
	s7 =	sand.u32 $0x3800, s7;
	s5 =	sand.u32 $0x380, s5  }
0x23c: {  	s5 =	sor.u32 s5, s7;
	v20 =	vpsel p0, v19, v20  }
0x23d: {  	s6 =	sadd.s32 $0x10000, s6;
	[tilespmem:s5+$0x15880] =	vst v20  }
0x23e: {  	v20 =	vld [tilespmem:s6+$0x10];
	_ =	sdelay $0x4  }
0x23f: {  	s5 =	sadd.s32 $0x15880, s5;
	v20 =	vpsel p0, v18, v20  }
0x240: {  	[tilespmem:s5+$0x10] =	vst v20  }
0x241: {  	v20 =	vld [tilespmem:s6+$0x20];
	_ =	sdelay $0x4  }
0x242: {  	v20 =	vpsel p0, v16, v20  }
0x243: {  	[tilespmem:s5+$0x20] =	vst v20  }
0x244: {  	v20 =	vld [tilespmem:s6+$0x30];
	_ =	sdelay $0x4  }
0x245: {  	v20 =	vpsel p0, v17, v20  }
0x246: {  	[tilespmem:s5+$0x30] =	vst v20  }
0x247: {  	v20 =	vld [tilespmem:s6+$0x40];
	_ =	sdelay $0x4  }
0x248: {  	v20 =	vpsel p0, v15, v20  }
0x249: {  	[tilespmem:s5+$0x40] =	vst v20  }
0x24a: {  	v20 =	vld [tilespmem:s6+$0x50];
	_ =	sdelay $0x4  }
0x24b: {  	v20 =	vpsel p0, v14, v20  }
0x24c: {  	[tilespmem:s5+$0x50] =	vst v20  }
0x24d: {  	v20 =	vld [tilespmem:s6+$0x60];
	_ =	sdelay $0x4  }
0x24e: {  	v20 =	vpsel p0, v12, v20  }
0x24f: {  	[tilespmem:s5+$0x60] =	vst v20  }
0x250: {  	v20 =	vld [tilespmem:s6+$0x70];
	_ =	sdelay $0x4  }
0x251: {  	v20 =	vpsel p0, v13, v20  }
0x252: {  	[tilespmem:s5+$0x70] =	vst v20  }
0x253: {  	v20 =	vld [tilespmem:s6+$0x400];
	_ =	sdelay $0x4  }
0x254: {  	v20 =	vpsel p0, v8, v20  }
0x255: {  	[tilespmem:s5+$0x400] =	vst v20  }
0x256: {  	v20 =	vld [tilespmem:s6+$0x410];
	_ =	sdelay $0x4  }
0x257: {  	v20 =	vpsel p0, v9, v20  }
0x258: {  	[tilespmem:s5+$0x410] =	vst v20  }
0x259: {  	v20 =	vld [tilespmem:s6+$0x420];
	_ =	sdelay $0x4  }
0x25a: {  	v20 =	vpsel p0, v10, v20  }
0x25b: {  	[tilespmem:s5+$0x420] =	vst v20  }
0x25c: {  	v20 =	vld [tilespmem:s6+$0x430];
	_ =	sdelay $0x4  }
0x25d: {  	v20 =	vpsel p0, v11, v20  }
0x25e: {  	[tilespmem:s5+$0x430] =	vst v20  }
0x25f: {  	v20 =	vld [tilespmem:s6+$0x440];
	_ =	sdelay $0x4  }
0x260: {  	v20 =	vpsel p0, v7, v20  }
0x261: {  	[tilespmem:s5+$0x440] =	vst v20  }
0x262: {  	v20 =	vld [tilespmem:s6+$0x450];
	_ =	sdelay $0x4  }
0x263: {  	v20 =	vpsel p0, v6, v20  }
0x264: {  	[tilespmem:s5+$0x450] =	vst v20  }
0x265: {  	v20 =	vld [tilespmem:s6+$0x460];
	_ =	sdelay $0x4  }
0x266: {  	v20 =	vpsel p0, v4, v20  }
0x267: {  	[tilespmem:s5+$0x460] =	vst v20  }
0x268: {  	v20 =	vld [tilespmem:s6+$0x470];
	_ =	sdelay $0x4  }
0x269: {  	v20 =	vpsel p0, v5, v20  }
0x26a: {  	s7 =	simm.s32 $0x15880;
	[tilespmem:s5+$0x470] =	vst v20  }
0x26b: {  	[spmem:s19] =	stream.linear.scatter [tilespmem:s7], [sflag:$0x2], $0x4000, $0x38;
	[tilespmem:$0x1D880] =	vst v63  }
0x26c: {  	_ =	swait.ge [sflag:s23], $0x4000  }
0x26d: {  	[sflag:s23] =	ssyncset.done $0x0  }
0x26e: {  	[sflag:s23] =	ssyncadd.s32 $0xFFFFC000  }
0x26f: {  	[bflag:$0x0] =	sbarrier.arrive $0xFFFF  }
0x270: {  	s8 =	rddreg [dreg:$0xc]  }
0x271: {  	s9 =	rddreg [dreg:$0x1e]  }
0x272: {  	[hbm:s8], [sflag:s0] =	dma.local [spmem:s9], $0x4000  }
0x273: {  	s5 =	rddreg [dreg:$0xd]  }
0x274: {  	s6 =	rddreg [dreg:$0x1f]  }
0x275: {  	[hbm:s5], [sflag:s0] =	dma.local [spmem:s6], $0x4000  }
0x276: {  	s6 =	sld [smem:$0x7FD];
	_ =	sdelay $0x1  }
0x277: {  	s5 =	rddreg [dreg:$0xe]  }
0x278: {  	[hbm:s5], [sflag:s0] =	dma.local [spmem:s6], $0x4000  }
0x279: {  	s5 =	rddreg [dreg:$0xf]  }
0x27a: {  	[hbm:s5], [sflag:s0] =	dma.local [spmem:s12], $0x4000  }
0x27b: {  	p0 =	sgt.s32 s29, $0x0;
	s5 =	smov.u32 s29  }
0x27c: {  	s5 =	simm.s32 @!p0 $0x0  }
0x27d: {  	s5 =	smin.u32 s5, $0x200  }
0x27e: {  	s5 =	ssub.s32 s5, s4  }
0x27f: {  	p1 =	slt.s32 s5, $0x47  }
0x280: {  	p6 =	sgt.s32 s5, $0x47;
	s5 =	simm.s32 @!p1 $0x47  }
0x281: {  	s10 =	sshll.u32 s5, $0x8;
	s5 =	sshll.u32 s5, $0x7  }
0x282: {  	s6 =	sand.u32 $0xFFFFF800, s10;
	s5 =	sand.u32 $0x380, s5  }
0x283: {  	s6 =	sor.u32 s5, s6  }
0x284: {  	v20 =	vld [tilespmem:s6+$0x10000];
	_ =	sdelay $0x2  }
0x285: {  	s5 =	simm.s32 $0x0  }
0x286: {  	s11 =	sand.u32 $0x3800, s5;
	s22 =	sand.u32 $0x380, s5  }
0x287: {  	s7 =	sor.u32 s22, s11;
	v20 =	vpsel p6, v19, v20  }
0x288: {  	s24 =	sadd.s32 $0x10000, s6;
	[tilespmem:s7+$0x19880] =	vst v20  }
0x289: {  	v20 =	vld [tilespmem:s24+$0x10];
	_ =	sdelay $0x4  }
0x28a: {  	s22 =	sadd.s32 $0x19880, s7;
	v20 =	vpsel p6, v18, v20  }
0x28b: {  	[tilespmem:s22+$0x10] =	vst v20  }
0x28c: {  	v20 =	vld [tilespmem:s24+$0x20];
	_ =	sdelay $0x4  }
0x28d: {  	v20 =	vpsel p6, v16, v20  }
0x28e: {  	[tilespmem:s22+$0x20] =	vst v20  }
0x28f: {  	v20 =	vld [tilespmem:s24+$0x30];
	_ =	sdelay $0x4  }
0x290: {  	v20 =	vpsel p6, v17, v20  }
0x291: {  	[tilespmem:s22+$0x30] =	vst v20  }
0x292: {  	v20 =	vld [tilespmem:s24+$0x40];
	_ =	sdelay $0x4  }
0x293: {  	v20 =	vpsel p6, v15, v20  }
0x294: {  	[tilespmem:s22+$0x40] =	vst v20  }
0x295: {  	v20 =	vld [tilespmem:s24+$0x50];
	_ =	sdelay $0x4  }
0x296: {  	v20 =	vpsel p6, v14, v20  }
0x297: {  	[tilespmem:s22+$0x50] =	vst v20  }
0x298: {  	v20 =	vld [tilespmem:s24+$0x60];
	_ =	sdelay $0x4  }
0x299: {  	v20 =	vpsel p6, v12, v20  }
0x29a: {  	[tilespmem:s22+$0x60] =	vst v20  }
0x29b: {  	v20 =	vld [tilespmem:s24+$0x70];
	_ =	sdelay $0x4  }
0x29c: {  	v20 =	vpsel p6, v13, v20  }
0x29d: {  	[tilespmem:s22+$0x70] =	vst v20  }
0x29e: {  	v20 =	vld [tilespmem:s24+$0x400];
	_ =	sdelay $0x4  }
0x29f: {  	v20 =	vpsel p6, v8, v20  }
0x2a0: {  	[tilespmem:s22+$0x400] =	vst v20  }
0x2a1: {  	v20 =	vld [tilespmem:s24+$0x410];
	_ =	sdelay $0x4  }
0x2a2: {  	v20 =	vpsel p6, v9, v20  }
0x2a3: {  	[tilespmem:s22+$0x410] =	vst v20  }
0x2a4: {  	v20 =	vld [tilespmem:s24+$0x420];
	_ =	sdelay $0x4  }
0x2a5: {  	v20 =	vpsel p6, v10, v20  }
0x2a6: {  	[tilespmem:s22+$0x420] =	vst v20  }
0x2a7: {  	v20 =	vld [tilespmem:s24+$0x430];
	_ =	sdelay $0x4  }
0x2a8: {  	v20 =	vpsel p6, v11, v20  }
0x2a9: {  	[tilespmem:s22+$0x430] =	vst v20  }
0x2aa: {  	v20 =	vld [tilespmem:s24+$0x440];
	_ =	sdelay $0x4  }
0x2ab: {  	v20 =	vpsel p6, v7, v20  }
0x2ac: {  	[tilespmem:s22+$0x440] =	vst v20  }
0x2ad: {  	v20 =	vld [tilespmem:s24+$0x450];
	_ =	sdelay $0x4  }
0x2ae: {  	v20 =	vpsel p6, v6, v20  }
0x2af: {  	[tilespmem:s22+$0x450] =	vst v20  }
0x2b0: {  	v20 =	vld [tilespmem:s24+$0x460];
	_ =	sdelay $0x3  }
0x2b1: {  	s6 =	sadd.s32 $0x1, s29  }
0x2b2: {  	p1 =	sgt.s32 s6, $0x0;
	s7 =	smov.u32 s6;
	v20 =	vpsel p6, v4, v20  }
0x2b3: {  	s7 =	simm.s32 @!p1 $0x0;
	[tilespmem:s22+$0x460] =	vst v20  }
0x2b4: {  	s7 =	smin.u32 s7, $0x200;
	v20 =	vld [tilespmem:s24+$0x470]  }
0x2b5: {  	s8 =	ssub.s32 s7, s4  }
0x2b6: {  	p1 =	slt.s32 s8, $0x47;
	s9 =	smov.u32 s8  }
0x2b7: {  	s9 =	simm.s32 @!p1 $0x47  }
0x2b8: {  	s7 =	simm.s32 $0x100;
	s10 =	sshll.u32 s9, $0x8;
	s11 =	sshll.u32 s9, $0x7  }
0x2b9: {  	s9 =	sand.u32 $0xFFFFF800, s10;
	s10 =	sand.u32 $0x380, s11;
	s24 =	simm.s32 $0x200;
	v20 =	vpsel p6, v5, v20  }
.LBB2_8:
0x2ba: {  	p0 =	sne.s32 s24, $0x3F00;
	s9 =	sor.u32 s10, s9;
	[tilespmem:s22+$0x470] =	vst v20;
	s5 =	sadd.s32 $0x80, s5  }
0x2bb: {  	s10 =	smov.u32 s24;
	s24 =	sadd.s32 $0x100, s24;
	v20 =	vld [tilespmem:s9+$0x10000];
	_ =	sdelay $0x3  }
0x2bc: {  	p1 =	sgt.s32 s8, $0x47;
	s7 =	sand.u32 $0x3800, s7;
	s8 =	sand.u32 $0x380, s5  }
0x2bd: {  	s11 =	sor.u32 s8, s7;
	s7 =	smov.u32 s10;
	v20 =	vpsel p1, v19, v20  }
0x2be: {  	s8 =	sadd.s32 $0x10000, s9;
	[tilespmem:s11+$0x19880] =	vst v20  }
0x2bf: {  	v20 =	vld [tilespmem:s8+$0x10];
	_ =	sdelay $0x4  }
0x2c0: {  	s22 =	sadd.s32 $0x19880, s11;
	v20 =	vpsel p1, v18, v20  }
0x2c1: {  	[tilespmem:s22+$0x10] =	vst v20  }
0x2c2: {  	v20 =	vld [tilespmem:s8+$0x20];
	_ =	sdelay $0x4  }
0x2c3: {  	v20 =	vpsel p1, v16, v20  }
0x2c4: {  	[tilespmem:s22+$0x20] =	vst v20  }
0x2c5: {  	v20 =	vld [tilespmem:s8+$0x30];
	_ =	sdelay $0x4  }
0x2c6: {  	v20 =	vpsel p1, v17, v20  }
0x2c7: {  	[tilespmem:s22+$0x30] =	vst v20  }
0x2c8: {  	v20 =	vld [tilespmem:s8+$0x40];
	_ =	sdelay $0x4  }
0x2c9: {  	v20 =	vpsel p1, v15, v20  }
0x2ca: {  	[tilespmem:s22+$0x40] =	vst v20  }
0x2cb: {  	v20 =	vld [tilespmem:s8+$0x50];
	_ =	sdelay $0x4  }
0x2cc: {  	v20 =	vpsel p1, v14, v20  }
0x2cd: {  	[tilespmem:s22+$0x50] =	vst v20  }
0x2ce: {  	v20 =	vld [tilespmem:s8+$0x60];
	_ =	sdelay $0x4  }
0x2cf: {  	v20 =	vpsel p1, v12, v20  }
0x2d0: {  	[tilespmem:s22+$0x60] =	vst v20  }
0x2d1: {  	v20 =	vld [tilespmem:s8+$0x70];
	_ =	sdelay $0x4  }
0x2d2: {  	v20 =	vpsel p1, v13, v20  }
0x2d3: {  	[tilespmem:s22+$0x70] =	vst v20  }
0x2d4: {  	v20 =	vld [tilespmem:s8+$0x400];
	_ =	sdelay $0x4  }
0x2d5: {  	v20 =	vpsel p1, v8, v20  }
0x2d6: {  	[tilespmem:s22+$0x400] =	vst v20  }
0x2d7: {  	v20 =	vld [tilespmem:s8+$0x410];
	_ =	sdelay $0x4  }
0x2d8: {  	v20 =	vpsel p1, v9, v20  }
0x2d9: {  	[tilespmem:s22+$0x410] =	vst v20  }
0x2da: {  	v20 =	vld [tilespmem:s8+$0x420];
	_ =	sdelay $0x4  }
0x2db: {  	v20 =	vpsel p1, v10, v20  }
0x2dc: {  	[tilespmem:s22+$0x420] =	vst v20  }
0x2dd: {  	v20 =	vld [tilespmem:s8+$0x430];
	_ =	sdelay $0x4  }
0x2de: {  	v20 =	vpsel p1, v11, v20  }
0x2df: {  	[tilespmem:s22+$0x430] =	vst v20  }
0x2e0: {  	v20 =	vld [tilespmem:s8+$0x440];
	_ =	sdelay $0x4  }
0x2e1: {  	v20 =	vpsel p1, v7, v20  }
0x2e2: {  	[tilespmem:s22+$0x440] =	vst v20  }
0x2e3: {  	v20 =	vld [tilespmem:s8+$0x450];
	_ =	sdelay $0x4  }
0x2e4: {  	v20 =	vpsel p1, v6, v20  }
0x2e5: {  	[tilespmem:s22+$0x450] =	vst v20  }
0x2e6: {  	v20 =	vld [tilespmem:s8+$0x460];
	_ =	sdelay $0x3  }
0x2e7: {  	s6 =	sadd.s32 $0x1, s6  }
0x2e8: {  	p2 =	sgt.s32 s6, $0x0;
	s9 =	smov.u32 s6;
	v20 =	vpsel p1, v4, v20  }
0x2e9: {  	s9 =	simm.s32 @!p2 $0x0;
	[tilespmem:s22+$0x460] =	vst v20  }
0x2ea: {  	s9 =	smin.u32 s9, $0x200;
	v20 =	vld [tilespmem:s8+$0x470]  }
.Ltmp3:
0x2eb: {  	s8 =	ssub.s32 s9, s4;
	(pc) =	sbr.rel @p0 .LBB2_8-.Ltmp3, $4  }
0x2ec: {  	p2 =	slt.s32 s8, $0x47;
	s9 =	smov.u32 s8  }
0x2ed: {  	s9 =	simm.s32 @!p2 $0x47  }
0x2ee: {  	s10 =	sshll.u32 s9, $0x8;
	s11 =	sshll.u32 s9, $0x7  }
0x2ef: {  	s9 =	sand.u32 $0xFFFFF800, s10;
	s10 =	sand.u32 $0x380, s11;
	v20 =	vpsel p1, v5, v20  }
0x2f0: {  	s6 =	sor.u32 s10, s9;
	[tilespmem:s22+$0x470] =	vst v20  }
0x2f1: {  	v20 =	vld [tilespmem:s6+$0x10000];
	_ =	sdelay $0x2  }
0x2f2: {  	s5 =	sadd.s32 $0x80, s5  }
0x2f3: {  	p0 =	sgt.s32 s8, $0x47;
	s7 =	sand.u32 $0x3800, s7;
	s5 =	sand.u32 $0x380, s5  }
0x2f4: {  	s5 =	sor.u32 s5, s7;
	v19 =	vpsel p0, v19, v20  }
0x2f5: {  	s6 =	sadd.s32 $0x10000, s6;
	[tilespmem:s5+$0x19880] =	vst v19  }
0x2f6: {  	v19 =	vld [tilespmem:s6+$0x10];
	_ =	sdelay $0x4  }
0x2f7: {  	s5 =	sadd.s32 $0x19880, s5;
	v18 =	vpsel p0, v18, v19  }
0x2f8: {  	[tilespmem:s5+$0x10] =	vst v18  }
0x2f9: {  	v18 =	vld [tilespmem:s6+$0x20];
	_ =	sdelay $0x4  }
0x2fa: {  	v16 =	vpsel p0, v16, v18  }
0x2fb: {  	[tilespmem:s5+$0x20] =	vst v16  }
0x2fc: {  	v16 =	vld [tilespmem:s6+$0x30];
	_ =	sdelay $0x4  }
0x2fd: {  	v16 =	vpsel p0, v17, v16  }
0x2fe: {  	[tilespmem:s5+$0x30] =	vst v16  }
0x2ff: {  	v16 =	vld [tilespmem:s6+$0x40];
	_ =	sdelay $0x4  }
0x300: {  	v15 =	vpsel p0, v15, v16  }
0x301: {  	[tilespmem:s5+$0x40] =	vst v15  }
0x302: {  	v15 =	vld [tilespmem:s6+$0x50];
	_ =	sdelay $0x4  }
0x303: {  	v14 =	vpsel p0, v14, v15  }
0x304: {  	[tilespmem:s5+$0x50] =	vst v14  }
0x305: {  	v14 =	vld [tilespmem:s6+$0x60];
	_ =	sdelay $0x4  }
0x306: {  	v12 =	vpsel p0, v12, v14  }
0x307: {  	[tilespmem:s5+$0x60] =	vst v12  }
0x308: {  	v12 =	vld [tilespmem:s6+$0x70];
	_ =	sdelay $0x4  }
0x309: {  	v12 =	vpsel p0, v13, v12  }
0x30a: {  	[tilespmem:s5+$0x70] =	vst v12  }
0x30b: {  	v12 =	vld [tilespmem:s6+$0x400];
	_ =	sdelay $0x4  }
0x30c: {  	v8 =	vpsel p0, v8, v12  }
0x30d: {  	[tilespmem:s5+$0x400] =	vst v8  }
0x30e: {  	v8 =	vld [tilespmem:s6+$0x410];
	_ =	sdelay $0x4  }
0x30f: {  	v8 =	vpsel p0, v9, v8  }
0x310: {  	[tilespmem:s5+$0x410] =	vst v8  }
0x311: {  	v8 =	vld [tilespmem:s6+$0x420];
	_ =	sdelay $0x4  }
0x312: {  	v8 =	vpsel p0, v10, v8  }
0x313: {  	[tilespmem:s5+$0x420] =	vst v8  }
0x314: {  	v8 =	vld [tilespmem:s6+$0x430];
	_ =	sdelay $0x4  }
0x315: {  	v8 =	vpsel p0, v11, v8  }
0x316: {  	[tilespmem:s5+$0x430] =	vst v8  }
0x317: {  	v8 =	vld [tilespmem:s6+$0x440];
	_ =	sdelay $0x4  }
0x318: {  	v7 =	vpsel p0, v7, v8  }
0x319: {  	[tilespmem:s5+$0x440] =	vst v7  }
0x31a: {  	v7 =	vld [tilespmem:s6+$0x450];
	_ =	sdelay $0x4  }
0x31b: {  	v6 =	vpsel p0, v6, v7  }
0x31c: {  	[tilespmem:s5+$0x450] =	vst v6  }
0x31d: {  	v6 =	vld [tilespmem:s6+$0x460];
	_ =	sdelay $0x4  }
0x31e: {  	v4 =	vpsel p0, v4, v6  }
0x31f: {  	[tilespmem:s5+$0x460] =	vst v4  }
0x320: {  	v4 =	vld [tilespmem:s6+$0x470];
	_ =	sdelay $0x4  }
0x321: {  	v4 =	vpsel p0, v5, v4  }
0x322: {  	s11 =	simm.s32 $0x19880;
	[tilespmem:s5+$0x470] =	vst v4  }
0x323: {  	[spmem:s20] =	stream.linear.scatter [tilespmem:s11], [sflag:$0x3], $0x4000, $0x38;
	[tilespmem:$0x1D880] =	vst v63  }
0x324: {  	_ =	swait.ge [sflag:s30], $0x4000  }
0x325: {  	[sflag:s30] =	ssyncset.done $0x0  }
0x326: {  	[sflag:s30] =	ssyncadd.s32 $0xFFFFC000  }
0x327: {  	[bflag:$0x0] =	sbarrier.arrive $0xFFFF  }
0x328: {  	s22 =	rddreg [dreg:$0x10]  }
0x329: {  	[hbm:s22], [sflag:s0] =	dma.local [spmem:s13], $0x4000  }
0x32a: {  	s5 =	rddreg [dreg:$0x11]  }
0x32b: {  	[hbm:s5], [sflag:s0] =	dma.local [spmem:s14], $0x4000  }
0x32c: {  	s5 =	rddreg [dreg:$0x12]  }
0x32d: {  	[hbm:s5], [sflag:s0] =	dma.local [spmem:s15], $0x4000  }
0x32e: {  	s5 =	rddreg [dreg:$0x13]  }
0x32f: {  	[hbm:s5], [sflag:s0] =	dma.local [spmem:s16], $0x4000  }
0x330: {  	_ =	swait.ge [sflag:s31], $0x4000  }
0x331: {  	[sflag:s31] =	ssyncset.done $0x0  }
0x332: {  	[sflag:s31] =	ssyncadd.s32 $0xFFFFC000  }
0x333: {  	_ =	swait.ge [sflag:s31], $0x4000  }
0x334: {  	[sflag:s31] =	ssyncset.done $0x0  }
0x335: {  	[sflag:s31] =	ssyncadd.s32 $0xFFFFC000  }
0x336: {  	_ =	swait.ge [sflag:s31], $0x4000  }
0x337: {  	[sflag:s31] =	ssyncset.done $0x0  }
0x338: {  	[sflag:s31] =	ssyncadd.s32 $0xFFFFC000  }
0x339: {  	_ =	swait.ge [sflag:s31], $0x4000  }
0x33a: {  	[sflag:s31] =	ssyncset.done $0x0  }
0x33b: {  	[sflag:s31] =	ssyncadd.s32 $0xFFFFC000  }
0x33c: {  	_ =	swait.ge [sflag:s31], $0x4000  }
0x33d: {  	[sflag:s31] =	ssyncset.done $0x0  }
0x33e: {  	[sflag:s31] =	ssyncadd.s32 $0xFFFFC000  }
0x33f: {  	_ =	swait.ge [sflag:s31], $0x4000  }
0x340: {  	[sflag:s31] =	ssyncset.done $0x0  }
0x341: {  	[sflag:s31] =	ssyncadd.s32 $0xFFFFC000  }
0x342: {  	_ =	swait.ge [sflag:s31], $0x4000  }
0x343: {  	[sflag:s31] =	ssyncset.done $0x0  }
0x344: {  	[sflag:s31] =	ssyncadd.s32 $0xFFFFC000  }
0x345: {  	_ =	swait.ge [sflag:s31], $0x4000  }
0x346: {  	[sflag:s31] =	ssyncset.done $0x0  }
0x347: {  	[sflag:s31] =	ssyncadd.s32 $0xFFFFC000  }
0x348: {  	_ =	swait.ge [sflag:s31], $0x4000  }
0x349: {  	[sflag:s31] =	ssyncset.done $0x0  }
0x34a: {  	[sflag:s31] =	ssyncadd.s32 $0xFFFFC000  }
0x34b: {  	_ =	swait.ge [sflag:s31], $0x4000  }
0x34c: {  	[sflag:s31] =	ssyncset.done $0x0  }
0x34d: {  	[sflag:s31] =	ssyncadd.s32 $0xFFFFC000  }
0x34e: {  	_ =	swait.ge [sflag:s31], $0x4000  }
0x34f: {  	[sflag:s31] =	ssyncset.done $0x0  }
0x350: {  	[sflag:s31] =	ssyncadd.s32 $0xFFFFC000  }
0x351: {  	_ =	swait.ge [sflag:s31], $0x4000  }
0x352: {  	[sflag:s31] =	ssyncset.done $0x0  }
0x353: {  	[sflag:s31] =	ssyncadd.s32 $0xFFFFC000  }
0x354: {  	_ =	swait.ge [sflag:s31], $0x4000  }
0x355: {  	[sflag:s31] =	ssyncset.done $0x0  }
0x356: {  	[sflag:s31] =	ssyncadd.s32 $0xFFFFC000  }
0x357: {  	_ =	swait.ge [sflag:s31], $0x4000  }
0x358: {  	[sflag:s31] =	ssyncset.done $0x0  }
0x359: {  	[sflag:s31] =	ssyncadd.s32 $0xFFFFC000  }
0x35a: {  	_ =	swait.ge [sflag:s31], $0x4000  }
0x35b: {  	[sflag:s31] =	ssyncset.done $0x0  }
0x35c: {  	[sflag:s31] =	ssyncadd.s32 $0xFFFFC000  }
0x35d: {  	_ =	swait.ge [sflag:s31], $0x4000  }
0x35e: {  	s18 =	sadd.s32 $0x1, s18;
	s24 =	rddreg [dreg:$0x15]  }
0x35f: {  	p0 =	sne.s32 s18, s24  }
.Ltmp4:
0x360: {  	_ = 	snop;
	(pc) =	sbr.rel @p0 .LBB2_1-.Ltmp4, $3  }
0x361: {  	_ =	sdelay $0x1  }
0x362: {  	[sflag:s31] =	ssyncset.done $0x0  }
0x363: {  	[sflag:s31] =	ssyncadd.s32 $0xFFFFC000  }
0x364: {  	_ =	sfence.sel $0x180000  }
0x365: {  	[bflag:$0x0] =	sbarrier.arrive $0xFFFF  }
0x366: {  	_ =	strace $0x90000047  }
0x367: {  	s0 =	stileid.u32;
	[bflag:$0x2] =	sbarrier.arrive $0xFFFF  }
0x368: {  	p0 =	sne.s32 s0, $0x0;
	s0 =	rddreg [dreg:$0x3]  }
0x369: {  	s0 =	sadd.s32 @!p0 $0x100000, s0  }
0x36a: {  	[sflag:s0] =	ssyncadd.tile.s32 @!p0 $0x1;
	_ =	shalt  }
.Lfunc_end2:
_tile_overlayer_lowered:
.L_overlay_start_2:
0x36b: {  	(tag) =	ssettag $0x2  }
0x36c: {  	s0 =	rddreg [dreg:$0x0];
	s2 =	stileid.u32  }
0x36d: {  	s1 =	rddreg [dreg:$0x1];
	p0 =	sne.s32 s2, $0x0  }
0x36e: {  	s3 =	rddreg [dreg:$0x2];
	[bflag:$0x3] =	sbarrier.arrive $0xFFFF;
	s2 =	simm.s32 @!p0 $0x1C05  }
0x36f: {  	[timem:s3], [sflag:s2] =	dma.local @!p0 [hbm:s0], s1  }
0x370: {  	s0 =	simm.s32 @!p0 $0x5  }
0x371: {  	_ =	swait.ge @!p0 [sflag:s0], s1  }
0x372: {  	s1 =	ssub.s32 @!p0 $0x0, s1;
	[sflag:s0] =	ssyncset.done @!p0 $0x0  }
0x373: {  	[sflag:s0] =	ssyncadd.s32 @!p0 s1  }
0x374: {  	[bflag:$0x3] =	sbarrier.arrive $0xFFFF  }
0x375: {  	_ =	shalt  }

</sc_bundles>
